<compile_context>
chip_gen: v7x
topology: tpu7x:2x2x1
jax: 0.10.2.dev20260603
libtpu: 0.0.44.dev20260713+nightly
codegen_flags: <defaults>
</compile_context>

<pallas_src>
import functools

import jax
import jax.numpy as jnp
from jax import lax
from jax.experimental import pallas as pl
from jax.experimental.pallas import tpu as pltpu
from jax.experimental.pallas import tpu_sc as plsc

B, L, EMB = 16384, 200, 128
N = B * L
D = 4 * EMB
V = 4 * 2 * 2 * 6
NC, NS = 2, 16
NW = NC * NS
TOK_PER_W = N // NW
C = 64
NCHUNK = TOK_PER_W // C


def _build_fused_table(street, action, position, order):

    def body(s_ref, a_ref, p_ref, o_ref, out_ref):
        i = lax.broadcasted_iota(jnp.int32, (V, 1), 0)
        c0 = i // 24
        c1 = (i // 12) % 2
        c2 = (i // 6) % 2
        c3 = i % 6

        def sel(code, ref, nrows):
            out = jnp.broadcast_to(ref[nrows - 1:nrows, :], (V, EMB))
            for r in range(nrows - 2, -1, -1):
                row = jnp.broadcast_to(ref[r:r + 1, :], (V, EMB))
                out = jnp.where(code == r, row, out)
            return out

        out_ref[:, 0:EMB] = sel(c0, s_ref, 4)
        out_ref[:, EMB:2 * EMB] = sel(c1, p_ref, 2) + o_ref[0:1, :]
        out_ref[:, 2 * EMB:3 * EMB] = sel(c2, p_ref, 2) + o_ref[1:2, :]
        out_ref[:, 3 * EMB:4 * EMB] = sel(c3, a_ref, 6)

    return pl.pallas_call(
        body,
        out_shape=jax.ShapeDtypeStruct((V, D), jnp.float32),
    )(street, action, position, order)


def _sc_lookup(ids, fused):
    mesh = plsc.VectorSubcoreMesh(core_axis_name="c", subcore_axis_name="s")

    @functools.partial(
        pl.kernel,
        mesh=mesh,
        out_type=jax.ShapeDtypeStruct((N * D,), jnp.float32),
        compiler_params=pltpu.CompilerParams(needs_layout_passes=False),
        scratch_types=[
            pltpu.VMEM((C,), jnp.int32),
            pltpu.VMEM((C,), jnp.int32),
            pltpu.VMEM((V * D,), jnp.float32),
            pltpu.VMEM((C * D,), jnp.float32),
            pltpu.VMEM((C * D,), jnp.float32),
            pltpu.SemaphoreType.DMA,
            pltpu.SemaphoreType.DMA,
            pltpu.SemaphoreType.DMA,
            pltpu.SemaphoreType.DMA,
        ],
    )
    def k(ids_hbm, tab_hbm, out_hbm, ids0, ids1, tab_v, buf0, buf1,
          sem0, sem1, isem0, isem1):
        cid = lax.axis_index("c")
        sid = lax.axis_index("s")
        wid = sid * NC + cid
        base = wid * TOK_PER_W

        iota = lax.iota(jnp.int32, 16)
        pltpu.sync_copy(tab_hbm, tab_v)
        pltpu.async_copy(ids_hbm.at[pl.ds(base, C)], ids0, isem0)
        pltpu.async_copy(ids_hbm.at[pl.ds(base + C, C)], ids1, isem1)

        def do_chunk(i, buf, sem, ids_v, isem):
            tok0 = base + i * C

            @pl.when(i >= 2)
            def _():
                pltpu.make_async_copy(
                    buf, out_hbm.at[pl.ds(tok0 * D, C * D)], sem).wait()

            pltpu.make_async_copy(
                ids_hbm.at[pl.ds(tok0, C)], ids_v, isem).wait()

            @plsc.parallel_loop(0, C, unroll=4)
            def expand(t):
                id_b = plsc.load_gather(ids_v, [jnp.full((16,), t, jnp.int32)])
                src = id_b * D + iota
                toff = (t // 8) * 4096 + (t % 8) * 128
                for j in range(D // 16):
                    v = plsc.load_gather(tab_v, [src + j * 16])
                    buf[pl.ds(toff + (j // 8) * 1024 + (j % 8) * 16, 16)] = v
            pltpu.async_copy(buf, out_hbm.at[pl.ds(tok0 * D, C * D)], sem)

            @pl.when(i + 2 < NCHUNK)
            def _():
                pltpu.async_copy(
                    ids_hbm.at[pl.ds(tok0 + 2 * C, C)], ids_v, isem)

        def loop_body(i, carry):
            @pl.when(i % 2 == 0)
            def _():
                do_chunk(i, buf0, sem0, ids0, isem0)

            @pl.when(i % 2 == 1)
            def _():
                do_chunk(i, buf1, sem1, ids1, isem1)

            return carry

        lax.fori_loop(0, NCHUNK, loop_body, 0)
        pltpu.make_async_copy(buf0, out_hbm.at[pl.ds(base * D, C * D)], sem0).wait()
        pltpu.make_async_copy(buf1, out_hbm.at[pl.ds(base * D, C * D)], sem1).wait()

    return k(ids, fused)


def kernel(x, street_emb, action_emb, position_emb, order_emb):
    fused = _build_fused_table(street_emb, action_emb, position_emb, order_emb)
    xi = x.astype(jnp.int32)
    weights = jnp.array([24, 12, 6, 1], dtype=jnp.int32)
    ids = jnp.sum(xi * weights, axis=-1).reshape(N)
    out = _sc_lookup(ids, fused.reshape(V * D))
    return (out.reshape(N // 8, 4, 8, 128)
            .transpose(0, 2, 1, 3)
            .reshape(B, L, D))

# --- scband reference (transcript-rebuilt; emitter-appended) ---
"""Pipeline reference for scband-process-ordinal-11227044512449 (READ-ONLY COPY).

The authoritative reference and input builder live on the scoring server;
editing this copy changes nothing except your own understanding.
"""

import jax, jax.numpy as jnp
import numpy as np

B, L = 16384, 200
EMB = 128

def setup_inputs(seed: int = 0) -> dict:
    key = jax.random.key(seed)
    k_x, k_s, k_a, k_p, k_o = jax.random.split(key, 5)
    # values in [0, 2) are valid for all four ordinal columns (vocabs are 4, 2, 2, 6)
    x = jax.random.randint(k_x, (B, L, 4), 0, 2, dtype=jnp.int64)
    street_emb = jax.random.normal(k_s, (4, EMB), dtype=jnp.float32)
    action_emb = jax.random.normal(k_a, (6, EMB), dtype=jnp.float32)
    position_emb = jax.random.normal(k_p, (2, EMB), dtype=jnp.float32)
    order_emb = jax.random.normal(k_o, (2, EMB), dtype=jnp.float32)
    return {"x": x, "street_emb": street_emb, "action_emb": action_emb,
            "position_emb": position_emb, "order_emb": order_emb}

def reference(x, street_emb, action_emb, position_emb, order_emb):
    order = jnp.take(order_emb, jnp.arange(2), axis=0)
    street = jnp.take(street_emb, x[:, :, 0], axis=0)
    hero_position = jnp.take(position_emb, x[:, :, 1], axis=0) + order[0]
    vil_position = jnp.take(position_emb, x[:, :, 2], axis=0) + order[1]
    previous_action = jnp.take(action_emb, x[:, :, 3], axis=0)
    ordinal_output = jnp.concatenate((street, hero_position, vil_position, previous_action), axis=-1)
    return ordinal_output

if __name__ == "__main__":
    import jax
    _d = setup_inputs()
    print(jax.jit(kernel)(*tuple(_d.values())))

</pallas_src>

<mosaic_0001>
#map = affine_map<(d0, d1) -> (0)>
module attributes {stable_mosaic.version = 14 : i64} {
  func.func @k(%arg0: i32, %arg1: i32, %arg2: memref<3276800xi32, #tpu.memory_space<hbm>>, %arg3: memref<49152xf32, #tpu.memory_space<hbm>>, %arg4: memref<1677721600xf32, #tpu.memory_space<hbm>>, %arg5: memref<64xi32, #tpu.memory_space<vmem>>, %arg6: memref<64xi32, #tpu.memory_space<vmem>>, %arg7: memref<49152xf32, #tpu.memory_space<vmem>>, %arg8: memref<32768xf32, #tpu.memory_space<vmem>>, %arg9: memref<32768xf32, #tpu.memory_space<vmem>>, %arg10: memref<!tpu.dma_semaphore, #tpu.memory_space<semaphore_mem>>, %arg11: memref<!tpu.dma_semaphore, #tpu.memory_space<semaphore_mem>>, %arg12: memref<!tpu.dma_semaphore, #tpu.memory_space<semaphore_mem>>, %arg13: memref<!tpu.dma_semaphore, #tpu.memory_space<semaphore_mem>>) attributes {dimension_semantics = [#tpu.dimension_semantics<core_parallel>, #tpu.dimension_semantics<subcore_parallel>], iteration_bounds = array<i64: 2, 16>, scalar_prefetch = 0 : i64, scratch_operands = 9 : i64, tpu.core_type = #tpu.core_type<sc_vector_subcore>, window_params = [{transform_indices = #map}, {transform_indices = #map}, {transform_indices = #map}]} {
    %mul3A = arith.constant 2 : i32
    %mul3A_0 = arith.muli %arg1, %mul3A : i32
    %add3A = arith.addi %mul3A_0, %arg0 : i32
    %mul3A_1 = arith.constant 102400 : i32
    %mul3A_2 = arith.muli %add3A, %mul3A_1 : i32
    %iota3A = tpu.iota {dimensions = array<i32: 0>} : vector<16xi32>
    "tpu.region"() ({
      %run_scoped3A = tpu.sem_alloc : memref<!tpu.dma_semaphore, #tpu.memory_space<semaphore_mem>>
      tpu.enqueue_dma source(%arg3 : memref<49152xf32, #tpu.memory_space<hbm>>) target(%arg7 : memref<49152xf32, #tpu.memory_space<vmem>>) target_semaphore(%run_scoped3A : memref<!tpu.dma_semaphore, #tpu.memory_space<semaphore_mem>>)
      tpu.wait_dma2 semaphore(%run_scoped3A : memref<!tpu.dma_semaphore, #tpu.memory_space<semaphore_mem>>) src(%arg3 : memref<49152xf32, #tpu.memory_space<hbm>>) dst(%arg7 : memref<49152xf32, #tpu.memory_space<vmem>>)
      tpu.yield
    }) : () -> ()
    %dma_start3A = tpu.memref_slice %arg2[%mul3A_2] : memref<3276800xi32, #tpu.memory_space<hbm>> -> memref<64xi32, #tpu.memory_space<hbm>>
    %dma_start3A_3 = tpu.memref_slice %arg2[%mul3A_2] : memref<3276800xi32, #tpu.memory_space<hbm>> -> memref<64xi32, #tpu.memory_space<hbm>>
    tpu.enqueue_dma source(%dma_start3A_3 : memref<64xi32, #tpu.memory_space<hbm>>) target(%arg5 : memref<64xi32, #tpu.memory_space<vmem>>) target_semaphore(%arg12 : memref<!tpu.dma_semaphore, #tpu.memory_space<semaphore_mem>>)
    %add3A_4 = arith.constant 64 : i32
    %add3A_5 = arith.addi %mul3A_2, %add3A_4 : i32
    %dma_start3A_6 = tpu.memref_slice %arg2[%add3A_5] : memref<3276800xi32, #tpu.memory_space<hbm>> -> memref<64xi32, #tpu.memory_space<hbm>>
    %dma_start3A_7 = tpu.memref_slice %arg2[%add3A_5] : memref<3276800xi32, #tpu.memory_space<hbm>> -> memref<64xi32, #tpu.memory_space<hbm>>
    tpu.enqueue_dma source(%dma_start3A_7 : memref<64xi32, #tpu.memory_space<hbm>>) target(%arg6 : memref<64xi32, #tpu.memory_space<vmem>>) target_semaphore(%arg13 : memref<!tpu.dma_semaphore, #tpu.memory_space<semaphore_mem>>)
    %scan3A = arith.constant 0 : i32
    %scan3A_8 = arith.constant 0 : i32
    %scan3A_9 = arith.constant 1600 : i32
    %scan3A_10 = arith.addi %scan3A_8, %scan3A_9 : i32
    %scan3A_11 = arith.constant 1 : i32
    scf.for %scan3A_20 = %scan3A_8 to %scan3A_10 step %scan3A_11  : i32 {
      %jit3A = arith.constant 2 : i32
      %eq3A = arith.constant 0 : i32
      %eq3A_21 = arith.cmpi eq, %jit3A, %eq3A : i32
      %jit3A_22 = arith.constant 1 : i32
      %select_n3A = arith.select %eq3A_21, %jit3A_22, %jit3A : i32
      %rem3A = arith.remsi %scan3A_20, %select_n3A : i32
      %ne3A = arith.constant 0 : i32
      %ne3A_23 = arith.cmpi ne, %rem3A, %ne3A : i32
      %lt3A = arith.constant 0 : i32
      %lt3A_24 = arith.cmpi slt, %rem3A, %lt3A : i32
      %lt3A_25 = arith.constant 0 : i32
      %lt3A_26 = arith.cmpi slt, %select_n3A, %lt3A_25 : i32
      %ne3A_27 = arith.xori %lt3A_24, %lt3A_26 : i1
      %and3A = arith.andi %ne3A_27, %ne3A_23 : i1
      %add3A_28 = arith.addi %rem3A, %select_n3A : i32
      %select_n3A_29 = arith.select %and3A, %add3A_28, %rem3A : i32
      %eq3A_30 = arith.constant 0 : i32
      %eq3A_31 = arith.cmpi eq, %select_n3A_29, %eq3A_30 : i32
      %convert_element_type3A = arith.extui %eq3A_31 : i1 to i32
      %cond3A = arith.constant 0 : i32
      %cond3A_32 = arith.cmpi ne, %convert_element_type3A, %cond3A : i32
      scf.if %cond3A_32 {
        %mul3A_54 = arith.constant 64 : i32
        %mul3A_55 = arith.muli %scan3A_20, %mul3A_54 : i32
        %add3A_56 = arith.addi %mul3A_2, %mul3A_55 : i32
        %ge3A = arith.constant 2 : i32
        %ge3A_57 = arith.cmpi sge, %scan3A_20, %ge3A : i32
        %convert_element_type3A_58 = arith.extui %ge3A_57 : i1 to i32
        %cond3A_59 = arith.constant 0 : i32
        %cond3A_60 = arith.cmpi ne, %convert_element_type3A_58, %cond3A_59 : i32
        scf.if %cond3A_60 {
          %mul3A_76 = arith.constant 512 : i32
          %mul3A_77 = arith.muli %add3A_56, %mul3A_76 : i32
          %dma_wait3A_78 = tpu.memref_slice %arg4[%mul3A_77] : memref<1677721600xf32, #tpu.memory_space<hbm>> -> memref<32768xf32, #tpu.memory_space<hbm>>
          %dma_wait3A_79 = tpu.memref_slice %arg4[%mul3A_77] : memref<1677721600xf32, #tpu.memory_space<hbm>> -> memref<32768xf32, #tpu.memory_space<hbm>>
          tpu.wait_dma2 semaphore(%arg10 : memref<!tpu.dma_semaphore, #tpu.memory_space<semaphore_mem>>) src(%arg8 : memref<32768xf32, #tpu.memory_space<vmem>>) dst(%dma_wait3A_79 : memref<32768xf32, #tpu.memory_space<hbm>>)
        } else {
        }
        %dma_wait3A_61 = tpu.memref_slice %arg2[%add3A_56] : memref<3276800xi32, #tpu.memory_space<hbm>> -> memref<64xi32, #tpu.memory_space<hbm>>
        %dma_wait3A_62 = tpu.memref_slice %arg2[%add3A_56] : memref<3276800xi32, #tpu.memory_space<hbm>> -> memref<64xi32, #tpu.memory_space<hbm>>
        tpu.wait_dma2 semaphore(%arg12 : memref<!tpu.dma_semaphore, #tpu.memory_space<semaphore_mem>>) src(%dma_wait3A_62 : memref<64xi32, #tpu.memory_space<hbm>>) dst(%arg5 : memref<64xi32, #tpu.memory_space<vmem>>)
        %parallel_loop3A = arith.constant 0 : i32
        %parallel_loop3A_63 = arith.constant 64 : i32
        %parallel_loop3A_64 = arith.constant 1 : i32
        scf.for %parallel_loop3A_76 = %parallel_loop3A to %parallel_loop3A_63 step %parallel_loop3A_64  : i32 {
          %parallel_loop3A_77 = vector.broadcast %parallel_loop3A_76 : i32 to vector<16xi32>
          %parallel_loop3A_78 = tpu.vector_load_idx %arg5[%parallel_loop3A_77] : memref<64xi32, #tpu.memory_space<vmem>>[vector<16xi32>], vector<16xi32>,
          %parallel_loop3A_79 = arith.constant 512 : i32
          %parallel_loop3A_80 = vector.broadcast %parallel_loop3A_79 : i32 to vector<16xi32>
          %parallel_loop3A_81 = arith.muli %parallel_loop3A_78, %parallel_loop3A_80 : vector<16xi32>
          %parallel_loop3A_82 = arith.addi %parallel_loop3A_81, %iota3A : vector<16xi32>
          %parallel_loop3A_83 = arith.constant 8 : i32
          %parallel_loop3A_84 = arith.divsi %parallel_loop3A_76, %parallel_loop3A_83 : i32
          %parallel_loop3A_85 = arith.constant 0 : i32
          %parallel_loop3A_86 = arith.cmpi sgt, %parallel_loop3A_76, %parallel_loop3A_85 : i32
          %parallel_loop3A_87 = arith.extui %parallel_loop3A_86 : i1 to i32
          %parallel_loop3A_88 = arith.constant 0 : i32
          %parallel_loop3A_89 = arith.cmpi slt, %parallel_loop3A_76, %parallel_loop3A_88 : i32
          %parallel_loop3A_90 = arith.extui %parallel_loop3A_89 : i1 to i32
          %parallel_loop3A_91 = arith.subi %parallel_loop3A_87, %parallel_loop3A_90 : i32
          %parallel_loop3A_92 = arith.constant 0 : i32
          %parallel_loop3A_93 = arith.cmpi sgt, %parallel_loop3A_83, %parallel_loop3A_92 : i32
          %parallel_loop3A_94 = arith.extui %parallel_loop3A_93 : i1 to i32
          %parallel_loop3A_95 = arith.constant 0 : i32
          %parallel_loop3A_96 = arith.cmpi slt, %parallel_loop3A_83, %parallel_loop3A_95 : i32
          %parallel_loop3A_97 = arith.extui %parallel_loop3A_96 : i1 to i32
          %parallel_loop3A_98 = arith.subi %parallel_loop3A_94, %parallel_loop3A_97 : i32
          %parallel_loop3A_99 = arith.cmpi ne, %parallel_loop3A_91, %parallel_loop3A_98 : i32
          %parallel_loop3A_100 = arith.remsi %parallel_loop3A_76, %parallel_loop3A_83 : i32
          %parallel_loop3A_101 = arith.constant 0 : i32
          %parallel_loop3A_102 = arith.cmpi ne, %parallel_loop3A_100, %parallel_loop3A_101 : i32
          %parallel_loop3A_103 = arith.andi %parallel_loop3A_99, %parallel_loop3A_102 : i1
          %parallel_loop3A_104 = arith.constant 1 : i32
          %parallel_loop3A_105 = arith.subi %parallel_loop3A_84, %parallel_loop3A_104 : i32
          %parallel_loop3A_106 = arith.select %parallel_loop3A_103, %parallel_loop3A_105, %parallel_loop3A_84 : i32
          %parallel_loop3A_107 = arith.constant 4096 : i32
          %parallel_loop3A_108 = arith.muli %parallel_loop3A_106, %parallel_loop3A_107 : i32
          %parallel_loop3A_109 = arith.constant 8 : i32
          %parallel_loop3A_110 = arith.constant 0 : i32
          %parallel_loop3A_111 = arith.cmpi eq, %parallel_loop3A_109, %parallel_loop3A_110 : i32
          %parallel_loop3A_112 = arith.constant 1 : i32
          %parallel_loop3A_113 = arith.select %parallel_loop3A_111, %parallel_loop3A_112, %parallel_loop3A_109 : i32
          %parallel_loop3A_114 = arith.remsi %parallel_loop3A_76, %parallel_loop3A_113 : i32
          %parallel_loop3A_115 = arith.constant 0 : i32
          %parallel_loop3A_116 = arith.cmpi ne, %parallel_loop3A_114, %parallel_loop3A_115 : i32
          %parallel_loop3A_117 = arith.constant 0 : i32
          %parallel_loop3A_118 = arith.cmpi slt, %parallel_loop3A_114, %parallel_loop3A_117 : i32
          %parallel_loop3A_119 = arith.constant 0 : i32
          %parallel_loop3A_120 = arith.cmpi slt, %parallel_loop3A_113, %parallel_loop3A_119 : i32
          %parallel_loop3A_121 = arith.xori %parallel_loop3A_118, %parallel_loop3A_120 : i1
          %parallel_loop3A_122 = arith.andi %parallel_loop3A_121, %parallel_loop3A_116 : i1
          %parallel_loop3A_123 = arith.addi %parallel_loop3A_114, %parallel_loop3A_113 : i32
          %parallel_loop3A_124 = arith.select %parallel_loop3A_122, %parallel_loop3A_123, %parallel_loop3A_114 : i32
          %parallel_loop3A_125 = arith.constant 128 : i32
          %parallel_loop3A_126 = arith.muli %parallel_loop3A_124, %parallel_loop3A_125 : i32
          %parallel_loop3A_127 = arith.addi %parallel_loop3A_108, %parallel_loop3A_126 : i32
          %parallel_loop3A_128 = arith.constant 0 : i32
          %parallel_loop3A_129 = vector.broadcast %parallel_loop3A_128 : i32 to vector<16xi32>
          %parallel_loop3A_130 = arith.addi %parallel_loop3A_82, %parallel_loop3A_129 : vector<16xi32>
          %parallel_loop3A_131 = tpu.vector_load_idx %arg7[%parallel_loop3A_130] : memref<49152xf32, #tpu.memory_space<vmem>>[vector<16xi32>], vector<16xf32>,
          %parallel_loop3A_132 = arith.constant 0 : i32
          %parallel_loop3A_133 = arith.addi %parallel_loop3A_127, %parallel_loop3A_132 : i32
          %parallel_loop3A_134 = arith.constant 0 : i32
          %parallel_loop3A_135 = arith.addi %parallel_loop3A_133, %parallel_loop3A_134 : i32
          %parallel_loop3A_136 = arith.index_cast %parallel_loop3A_135 : i32 to index
          %parallel_loop3A_137 = tpu.vector_load %arg8[%parallel_loop3A_136] {strides = array<i32>} : memref<32768xf32, #tpu.memory_space<vmem>>, vector<16xf32>,
          tpu.vector_store %arg8[%parallel_loop3A_136], %parallel_loop3A_131 {strides = array<i32>} : memref<32768xf32, #tpu.memory_space<vmem>>, vector<16xf32>,
          %parallel_loop3A_138 = arith.constant 16 : i32
          %parallel_loop3A_139 = vector.broadcast %parallel_loop3A_138 : i32 to vector<16xi32>
          %parallel_loop3A_140 = arith.addi %parallel_loop3A_82, %parallel_loop3A_139 : vector<16xi32>
          %parallel_loop3A_141 = tpu.vector_load_idx %arg7[%parallel_loop3A_140] : memref<49152xf32, #tpu.memory_space<vmem>>[vector<16xi32>], vector<16xf32>,
          %parallel_loop3A_142 = arith.constant 0 : i32
          %parallel_loop3A_143 = arith.addi %parallel_loop3A_127, %parallel_loop3A_142 : i32
          %parallel_loop3A_144 = arith.constant 16 : i32
          %parallel_loop3A_145 = arith.addi %parallel_loop3A_143, %parallel_loop3A_144 : i32
          %parallel_loop3A_146 = arith.index_cast %parallel_loop3A_145 : i32 to index
          %parallel_loop3A_147 = tpu.vector_load %arg8[%parallel_loop3A_146] {strides = array<i32>} : memref<32768xf32, #tpu.memory_space<vmem>>, vector<16xf32>,
          tpu.vector_store %arg8[%parallel_loop3A_146], %parallel_loop3A_141 {strides = array<i32>} : memref<32768xf32, #tpu.memory_space<vmem>>, vector<16xf32>,
          %parallel_loop3A_148 = arith.constant 32 : i32
          %parallel_loop3A_149 = vector.broadcast %parallel_loop3A_148 : i32 to vector<16xi32>
          %parallel_loop3A_150 = arith.addi %parallel_loop3A_82, %parallel_loop3A_149 : vector<16xi32>
          %parallel_loop3A_151 = tpu.vector_load_idx %arg7[%parallel_loop3A_150] : memref<49152xf32, #tpu.memory_space<vmem>>[vector<16xi32>], vector<16xf32>,
          %parallel_loop3A_152 = arith.constant 0 : i32
          %parallel_loop3A_153 = arith.addi %parallel_loop3A_127, %parallel_loop3A_152 : i32
          %parallel_loop3A_154 = arith.constant 32 : i32
          %parallel_loop3A_155 = arith.addi %parallel_loop3A_153, %parallel_loop3A_154 : i32
          %parallel_loop3A_156 = arith.index_cast %parallel_loop3A_155 : i32 to index
          %parallel_loop3A_157 = tpu.vector_load %arg8[%parallel_loop3A_156] {strides = array<i32>} : memref<32768xf32, #tpu.memory_space<vmem>>, vector<16xf32>,
          tpu.vector_store %arg8[%parallel_loop3A_156], %parallel_loop3A_151 {strides = array<i32>} : memref<32768xf32, #tpu.memory_space<vmem>>, vector<16xf32>,
          %parallel_loop3A_158 = arith.constant 48 : i32
          %parallel_loop3A_159 = vector.broadcast %parallel_loop3A_158 : i32 to vector<16xi32>
          %parallel_loop3A_160 = arith.addi %parallel_loop3A_82, %parallel_loop3A_159 : vector<16xi32>
          %parallel_loop3A_161 = tpu.vector_load_idx %arg7[%parallel_loop3A_160] : memref<49152xf32, #tpu.memory_space<vmem>>[vector<16xi32>], vector<16xf32>,
          %parallel_loop3A_162 = arith.constant 0 : i32
          %parallel_loop3A_163 = arith.addi %parallel_loop3A_127, %parallel_loop3A_162 : i32
          %parallel_loop3A_164 = arith.constant 48 : i32
          %parallel_loop3A_165 = arith.addi %parallel_loop3A_163, %parallel_loop3A_164 : i32
          %parallel_loop3A_166 = arith.index_cast %parallel_loop3A_165 : i32 to index
          %parallel_loop3A_167 = tpu.vector_load %arg8[%parallel_loop3A_166] {strides = array<i32>} : memref<32768xf32, #tpu.memory_space<vmem>>, vector<16xf32>,
          tpu.vector_store %arg8[%parallel_loop3A_166], %parallel_loop3A_161 {strides = array<i32>} : memref<32768xf32, #tpu.memory_space<vmem>>, vector<16xf32>,
          %parallel_loop3A_168 = arith.constant 64 : i32
          %parallel_loop3A_169 = vector.broadcast %parallel_loop3A_168 : i32 to vector<16xi32>
          %parallel_loop3A_170 = arith.addi %parallel_loop3A_82, %parallel_loop3A_169 : vector<16xi32>
          %parallel_loop3A_171 = tpu.vector_load_idx %arg7[%parallel_loop3A_170] : memref<49152xf32, #tpu.memory_space<vmem>>[vector<16xi32>], vector<16xf32>,
          %parallel_loop3A_172 = arith.constant 0 : i32
          %parallel_loop3A_173 = arith.addi %parallel_loop3A_127, %parallel_loop3A_172 : i32
          %parallel_loop3A_174 = arith.constant 64 : i32
          %parallel_loop3A_175 = arith.addi %parallel_loop3A_173, %parallel_loop3A_174 : i32
          %parallel_loop3A_176 = arith.index_cast %parallel_loop3A_175 : i32 to index
          %parallel_loop3A_177 = tpu.vector_load %arg8[%parallel_loop3A_176] {strides = array<i32>} : memref<32768xf32, #tpu.memory_space<vmem>>, vector<16xf32>,
          tpu.vector_store %arg8[%parallel_loop3A_176], %parallel_loop3A_171 {strides = array<i32>} : memref<32768xf32, #tpu.memory_space<vmem>>, vector<16xf32>,
          %parallel_loop3A_178 = arith.constant 80 : i32
          %parallel_loop3A_179 = vector.broadcast %parallel_loop3A_178 : i32 to vector<16xi32>
          %parallel_loop3A_180 = arith.addi %parallel_loop3A_82, %parallel_loop3A_179 : vector<16xi32>
          %parallel_loop3A_181 = tpu.vector_load_idx %arg7[%parallel_loop3A_180] : memref<49152xf32, #tpu.memory_space<vmem>>[vector<16xi32>], vector<16xf32>,
          %parallel_loop3A_182 = arith.constant 0 : i32
          %parallel_loop3A_183 = arith.addi %parallel_loop3A_127, %parallel_loop3A_182 : i32
          %parallel_loop3A_184 = arith.constant 80 : i32
          %parallel_loop3A_185 = arith.addi %parallel_loop3A_183, %parallel_loop3A_184 : i32
          %parallel_loop3A_186 = arith.index_cast %parallel_loop3A_185 : i32 to index
          %parallel_loop3A_187 = tpu.vector_load %arg8[%parallel_loop3A_186] {strides = array<i32>} : memref<32768xf32, #tpu.memory_space<vmem>>, vector<16xf32>,
          tpu.vector_store %arg8[%parallel_loop3A_186], %parallel_loop3A_181 {strides = array<i32>} : memref<32768xf32, #tpu.memory_space<vmem>>, vector<16xf32>,
          %parallel_loop3A_188 = arith.constant 96 : i32
          %parallel_loop3A_189 = vector.broadcast %parallel_loop3A_188 : i32 to vector<16xi32>
          %parallel_loop3A_190 = arith.addi %parallel_loop3A_82, %parallel_loop3A_189 : vector<16xi32>
          %parallel_loop3A_191 = tpu.vector_load_idx %arg7[%parallel_loop3A_190] : memref<49152xf32, #tpu.memory_space<vmem>>[vector<16xi32>], vector<16xf32>,
          %parallel_loop3A_192 = arith.constant 0 : i32
          %parallel_loop3A_193 = arith.addi %parallel_loop3A_127, %parallel_loop3A_192 : i32
          %parallel_loop3A_194 = arith.constant 96 : i32
          %parallel_loop3A_195 = arith.addi %parallel_loop3A_193, %parallel_loop3A_194 : i32
          %parallel_loop3A_196 = arith.index_cast %parallel_loop3A_195 : i32 to index
          %parallel_loop3A_197 = tpu.vector_load %arg8[%parallel_loop3A_196] {strides = array<i32>} : memref<32768xf32, #tpu.memory_space<vmem>>, vector<16xf32>,
          tpu.vector_store %arg8[%parallel_loop3A_196], %parallel_loop3A_191 {strides = array<i32>} : memref<32768xf32, #tpu.memory_space<vmem>>, vector<16xf32>,
          %parallel_loop3A_198 = arith.constant 112 : i32
          %parallel_loop3A_199 = vector.broadcast %parallel_loop3A_198 : i32 to vector<16xi32>
          %parallel_loop3A_200 = arith.addi %parallel_loop3A_82, %parallel_loop3A_199 : vector<16xi32>
          %parallel_loop3A_201 = tpu.vector_load_idx %arg7[%parallel_loop3A_200] : memref<49152xf32, #tpu.memory_space<vmem>>[vector<16xi32>], vector<16xf32>,
          %parallel_loop3A_202 = arith.constant 0 : i32
          %parallel_loop3A_203 = arith.addi %parallel_loop3A_127, %parallel_loop3A_202 : i32
          %parallel_loop3A_204 = arith.constant 112 : i32
          %parallel_loop3A_205 = arith.addi %parallel_loop3A_203, %parallel_loop3A_204 : i32
          %parallel_loop3A_206 = arith.index_cast %parallel_loop3A_205 : i32 to index
          %parallel_loop3A_207 = tpu.vector_load %arg8[%parallel_loop3A_206] {strides = array<i32>} : memref<32768xf32, #tpu.memory_space<vmem>>, vector<16xf32>,
          tpu.vector_store %arg8[%parallel_loop3A_206], %parallel_loop3A_201 {strides = array<i32>} : memref<32768xf32, #tpu.memory_space<vmem>>, vector<16xf32>,
          %parallel_loop3A_208 = arith.constant 128 : i32
          %parallel_loop3A_209 = vector.broadcast %parallel_loop3A_208 : i32 to vector<16xi32>
          %parallel_loop3A_210 = arith.addi %parallel_loop3A_82, %parallel_loop3A_209 : vector<16xi32>
          %parallel_loop3A_211 = tpu.vector_load_idx %arg7[%parallel_loop3A_210] : memref<49152xf32, #tpu.memory_space<vmem>>[vector<16xi32>], vector<16xf32>,
          %parallel_loop3A_212 = arith.constant 1024 : i32
          %parallel_loop3A_213 = arith.addi %parallel_loop3A_127, %parallel_loop3A_212 : i32
          %parallel_loop3A_214 = arith.constant 0 : i32
          %parallel_loop3A_215 = arith.addi %parallel_loop3A_213, %parallel_loop3A_214 : i32
          %parallel_loop3A_216 = arith.index_cast %parallel_loop3A_215 : i32 to index
          %parallel_loop3A_217 = tpu.vector_load %arg8[%parallel_loop3A_216] {strides = array<i32>} : memref<32768xf32, #tpu.memory_space<vmem>>, vector<16xf32>,
          tpu.vector_store %arg8[%parallel_loop3A_216], %parallel_loop3A_211 {strides = array<i32>} : memref<32768xf32, #tpu.memory_space<vmem>>, vector<16xf32>,
          %parallel_loop3A_218 = arith.constant 144 : i32
          %parallel_loop3A_219 = vector.broadcast %parallel_loop3A_218 : i32 to vector<16xi32>
          %parallel_loop3A_220 = arith.addi %parallel_loop3A_82, %parallel_loop3A_219 : vector<16xi32>
          %parallel_loop3A_221 = tpu.vector_load_idx %arg7[%parallel_loop3A_220] : memref<49152xf32, #tpu.memory_space<vmem>>[vector<16xi32>], vector<16xf32>,
          %parallel_loop3A_222 = arith.constant 1024 : i32
          %parallel_loop3A_223 = arith.addi %parallel_loop3A_127, %parallel_loop3A_222 : i32
          %parallel_loop3A_224 = arith.constant 16 : i32
          %parallel_loop3A_225 = arith.addi %parallel_loop3A_223, %parallel_loop3A_224 : i32
          %parallel_loop3A_226 = arith.index_cast %parallel_loop3A_225 : i32 to index
          %parallel_loop3A_227 = tpu.vector_load %arg8[%parallel_loop3A_226] {strides = array<i32>} : memref<32768xf32, #tpu.memory_space<vmem>>, vector<16xf32>,
          tpu.vector_store %arg8[%parallel_loop3A_226], %parallel_loop3A_221 {strides = array<i32>} : memref<32768xf32, #tpu.memory_space<vmem>>, vector<16xf32>,
          %parallel_loop3A_228 = arith.constant 160 : i32
          %parallel_loop3A_229 = vector.broadcast %parallel_loop3A_228 : i32 to vector<16xi32>
          %parallel_loop3A_230 = arith.addi %parallel_loop3A_82, %parallel_loop3A_229 : vector<16xi32>
          %parallel_loop3A_231 = tpu.vector_load_idx %arg7[%parallel_loop3A_230] : memref<49152xf32, #tpu.memory_space<vmem>>[vector<16xi32>], vector<16xf32>,
          %parallel_loop3A_232 = arith.constant 1024 : i32
          %parallel_loop3A_233 = arith.addi %parallel_loop3A_127, %parallel_loop3A_232 : i32
          %parallel_loop3A_234 = arith.constant 32 : i32
          %parallel_loop3A_235 = arith.addi %parallel_loop3A_233, %parallel_loop3A_234 : i32
          %parallel_loop3A_236 = arith.index_cast %parallel_loop3A_235 : i32 to index
          %parallel_loop3A_237 = tpu.vector_load %arg8[%parallel_loop3A_236] {strides = array<i32>} : memref<32768xf32, #tpu.memory_space<vmem>>, vector<16xf32>,
          tpu.vector_store %arg8[%parallel_loop3A_236], %parallel_loop3A_231 {strides = array<i32>} : memref<32768xf32, #tpu.memory_space<vmem>>, vector<16xf32>,
          %parallel_loop3A_238 = arith.constant 176 : i32
          %parallel_loop3A_239 = vector.broadcast %parallel_loop3A_238 : i32 to vector<16xi32>
          %parallel_loop3A_240 = arith.addi %parallel_loop3A_82, %parallel_loop3A_239 : vector<16xi32>
          %parallel_loop3A_241 = tpu.vector_load_idx %arg7[%parallel_loop3A_240] : memref<49152xf32, #tpu.memory_space<vmem>>[vector<16xi32>], vector<16xf32>,
          %parallel_loop3A_242 = arith.constant 1024 : i32
          %parallel_loop3A_243 = arith.addi %parallel_loop3A_127, %parallel_loop3A_242 : i32
          %parallel_loop3A_244 = arith.constant 48 : i32
          %parallel_loop3A_245 = arith.addi %parallel_loop3A_243, %parallel_loop3A_244 : i32
          %parallel_loop3A_246 = arith.index_cast %parallel_loop3A_245 : i32 to index
          %parallel_loop3A_247 = tpu.vector_load %arg8[%parallel_loop3A_246] {strides = array<i32>} : memref<32768xf32, #tpu.memory_space<vmem>>, vector<16xf32>,
          tpu.vector_store %arg8[%parallel_loop3A_246], %parallel_loop3A_241 {strides = array<i32>} : memref<32768xf32, #tpu.memory_space<vmem>>, vector<16xf32>,
          %parallel_loop3A_248 = arith.constant 192 : i32
          %parallel_loop3A_249 = vector.broadcast %parallel_loop3A_248 : i32 to vector<16xi32>
          %parallel_loop3A_250 = arith.addi %parallel_loop3A_82, %parallel_loop3A_249 : vector<16xi32>
          %parallel_loop3A_251 = tpu.vector_load_idx %arg7[%parallel_loop3A_250] : memref<49152xf32, #tpu.memory_space<vmem>>[vector<16xi32>], vector<16xf32>,
          %parallel_loop3A_252 = arith.constant 1024 : i32
          %parallel_loop3A_253 = arith.addi %parallel_loop3A_127, %parallel_loop3A_252 : i32
          %parallel_loop3A_254 = arith.constant 64 : i32
          %parallel_loop3A_255 = arith.addi %parallel_loop3A_253, %parallel_loop3A_254 : i32
          %parallel_loop3A_256 = arith.index_cast %parallel_loop3A_255 : i32 to index
          %parallel_loop3A_257 = tpu.vector_load %arg8[%parallel_loop3A_256] {strides = array<i32>} : memref<32768xf32, #tpu.memory_space<vmem>>, vector<16xf32>,
          tpu.vector_store %arg8[%parallel_loop3A_256], %parallel_loop3A_251 {strides = array<i32>} : memref<32768xf32, #tpu.memory_space<vmem>>, vector<16xf32>,
          %parallel_loop3A_258 = arith.constant 208 : i32
          %parallel_loop3A_259 = vector.broadcast %parallel_loop3A_258 : i32 to vector<16xi32>
          %parallel_loop3A_260 = arith.addi %parallel_loop3A_82, %parallel_loop3A_259 : vector<16xi32>
          %parallel_loop3A_261 = tpu.vector_load_idx %arg7[%parallel_loop3A_260] : memref<49152xf32, #tpu.memory_space<vmem>>[vector<16xi32>], vector<16xf32>,
          %parallel_loop3A_262 = arith.constant 1024 : i32
          %parallel_loop3A_263 = arith.addi %parallel_loop3A_127, %parallel_loop3A_262 : i32
          %parallel_loop3A_264 = arith.constant 80 : i32
          %parallel_loop3A_265 = arith.addi %parallel_loop3A_263, %parallel_loop3A_264 : i32
          %parallel_loop3A_266 = arith.index_cast %parallel_loop3A_265 : i32 to index
          %parallel_loop3A_267 = tpu.vector_load %arg8[%parallel_loop3A_266] {strides = array<i32>} : memref<32768xf32, #tpu.memory_space<vmem>>, vector<16xf32>,
          tpu.vector_store %arg8[%parallel_loop3A_266], %parallel_loop3A_261 {strides = array<i32>} : memref<32768xf32, #tpu.memory_space<vmem>>, vector<16xf32>,
          %parallel_loop3A_268 = arith.constant 224 : i32
          %parallel_loop3A_269 = vector.broadcast %parallel_loop3A_268 : i32 to vector<16xi32>
          %parallel_loop3A_270 = arith.addi %parallel_loop3A_82, %parallel_loop3A_269 : vector<16xi32>
          %parallel_loop3A_271 = tpu.vector_load_idx %arg7[%parallel_loop3A_270] : memref<49152xf32, #tpu.memory_space<vmem>>[vector<16xi32>], vector<16xf32>,
          %parallel_loop3A_272 = arith.constant 1024 : i32
          %parallel_loop3A_273 = arith.addi %parallel_loop3A_127, %parallel_loop3A_272 : i32
          %parallel_loop3A_274 = arith.constant 96 : i32
          %parallel_loop3A_275 = arith.addi %parallel_loop3A_273, %parallel_loop3A_274 : i32
          %parallel_loop3A_276 = arith.index_cast %parallel_loop3A_275 : i32 to index
          %parallel_loop3A_277 = tpu.vector_load %arg8[%parallel_loop3A_276] {strides = array<i32>} : memref<32768xf32, #tpu.memory_space<vmem>>, vector<16xf32>,
          tpu.vector_store %arg8[%parallel_loop3A_276], %parallel_loop3A_271 {strides = array<i32>} : memref<32768xf32, #tpu.memory_space<vmem>>, vector<16xf32>,
          %parallel_loop3A_278 = arith.constant 240 : i32
          %parallel_loop3A_279 = vector.broadcast %parallel_loop3A_278 : i32 to vector<16xi32>
          %parallel_loop3A_280 = arith.addi %parallel_loop3A_82, %parallel_loop3A_279 : vector<16xi32>
          %parallel_loop3A_281 = tpu.vector_load_idx %arg7[%parallel_loop3A_280] : memref<49152xf32, #tpu.memory_space<vmem>>[vector<16xi32>], vector<16xf32>,
          %parallel_loop3A_282 = arith.constant 1024 : i32
          %parallel_loop3A_283 = arith.addi %parallel_loop3A_127, %parallel_loop3A_282 : i32
          %parallel_loop3A_284 = arith.constant 112 : i32
          %parallel_loop3A_285 = arith.addi %parallel_loop3A_283, %parallel_loop3A_284 : i32
          %parallel_loop3A_286 = arith.index_cast %parallel_loop3A_285 : i32 to index
          %parallel_loop3A_287 = tpu.vector_load %arg8[%parallel_loop3A_286] {strides = array<i32>} : memref<32768xf32, #tpu.memory_space<vmem>>, vector<16xf32>,
          tpu.vector_store %arg8[%parallel_loop3A_286], %parallel_loop3A_281 {strides = array<i32>} : memref<32768xf32, #tpu.memory_space<vmem>>, vector<16xf32>,
          %parallel_loop3A_288 = arith.constant 256 : i32
          %parallel_loop3A_289 = vector.broadcast %parallel_loop3A_288 : i32 to vector<16xi32>
          %parallel_loop3A_290 = arith.addi %parallel_loop3A_82, %parallel_loop3A_289 : vector<16xi32>
          %parallel_loop3A_291 = tpu.vector_load_idx %arg7[%parallel_loop3A_290] : memref<49152xf32, #tpu.memory_space<vmem>>[vector<16xi32>], vector<16xf32>,
          %parallel_loop3A_292 = arith.constant 2048 : i32
          %parallel_loop3A_293 = arith.addi %parallel_loop3A_127, %parallel_loop3A_292 : i32
          %parallel_loop3A_294 = arith.constant 0 : i32
          %parallel_loop3A_295 = arith.addi %parallel_loop3A_293, %parallel_loop3A_294 : i32
          %parallel_loop3A_296 = arith.index_cast %parallel_loop3A_295 : i32 to index
          %parallel_loop3A_297 = tpu.vector_load %arg8[%parallel_loop3A_296] {strides = array<i32>} : memref<32768xf32, #tpu.memory_space<vmem>>, vector<16xf32>,
          tpu.vector_store %arg8[%parallel_loop3A_296], %parallel_loop3A_291 {strides = array<i32>} : memref<32768xf32, #tpu.memory_space<vmem>>, vector<16xf32>,
          %parallel_loop3A_298 = arith.constant 272 : i32
          %parallel_loop3A_299 = vector.broadcast %parallel_loop3A_298 : i32 to vector<16xi32>
          %parallel_loop3A_300 = arith.addi %parallel_loop3A_82, %parallel_loop3A_299 : vector<16xi32>
          %parallel_loop3A_301 = tpu.vector_load_idx %arg7[%parallel_loop3A_300] : memref<49152xf32, #tpu.memory_space<vmem>>[vector<16xi32>], vector<16xf32>,
          %parallel_loop3A_302 = arith.constant 2048 : i32
          %parallel_loop3A_303 = arith.addi %parallel_loop3A_127, %parallel_loop3A_302 : i32
          %parallel_loop3A_304 = arith.constant 16 : i32
          %parallel_loop3A_305 = arith.addi %parallel_loop3A_303, %parallel_loop3A_304 : i32
          %parallel_loop3A_306 = arith.index_cast %parallel_loop3A_305 : i32 to index
          %parallel_loop3A_307 = tpu.vector_load %arg8[%parallel_loop3A_306] {strides = array<i32>} : memref<32768xf32, #tpu.memory_space<vmem>>, vector<16xf32>,
          tpu.vector_store %arg8[%parallel_loop3A_306], %parallel_loop3A_301 {strides = array<i32>} : memref<32768xf32, #tpu.memory_space<vmem>>, vector<16xf32>,
          %parallel_loop3A_308 = arith.constant 288 : i32
          %parallel_loop3A_309 = vector.broadcast %parallel_loop3A_308 : i32 to vector<16xi32>
          %parallel_loop3A_310 = arith.addi %parallel_loop3A_82, %parallel_loop3A_309 : vector<16xi32>
          %parallel_loop3A_311 = tpu.vector_load_idx %arg7[%parallel_loop3A_310] : memref<49152xf32, #tpu.memory_space<vmem>>[vector<16xi32>], vector<16xf32>,
          %parallel_loop3A_312 = arith.constant 2048 : i32
          %parallel_loop3A_313 = arith.addi %parallel_loop3A_127, %parallel_loop3A_312 : i32
          %parallel_loop3A_314 = arith.constant 32 : i32
          %parallel_loop3A_315 = arith.addi %parallel_loop3A_313, %parallel_loop3A_314 : i32
          %parallel_loop3A_316 = arith.index_cast %parallel_loop3A_315 : i32 to index
          %parallel_loop3A_317 = tpu.vector_load %arg8[%parallel_loop3A_316] {strides = array<i32>} : memref<32768xf32, #tpu.memory_space<vmem>>, vector<16xf32>,
          tpu.vector_store %arg8[%parallel_loop3A_316], %parallel_loop3A_311 {strides = array<i32>} : memref<32768xf32, #tpu.memory_space<vmem>>, vector<16xf32>,
          %parallel_loop3A_318 = arith.constant 304 : i32
          %parallel_loop3A_319 = vector.broadcast %parallel_loop3A_318 : i32 to vector<16xi32>
          %parallel_loop3A_320 = arith.addi %parallel_loop3A_82, %parallel_loop3A_319 : vector<16xi32>
          %parallel_loop3A_321 = tpu.vector_load_idx %arg7[%parallel_loop3A_320] : memref<49152xf32, #tpu.memory_space<vmem>>[vector<16xi32>], vector<16xf32>,
          %parallel_loop3A_322 = arith.constant 2048 : i32
          %parallel_loop3A_323 = arith.addi %parallel_loop3A_127, %parallel_loop3A_322 : i32
          %parallel_loop3A_324 = arith.constant 48 : i32
          %parallel_loop3A_325 = arith.addi %parallel_loop3A_323, %parallel_loop3A_324 : i32
          %parallel_loop3A_326 = arith.index_cast %parallel_loop3A_325 : i32 to index
          %parallel_loop3A_327 = tpu.vector_load %arg8[%parallel_loop3A_326] {strides = array<i32>} : memref<32768xf32, #tpu.memory_space<vmem>>, vector<16xf32>,
          tpu.vector_store %arg8[%parallel_loop3A_326], %parallel_loop3A_321 {strides = array<i32>} : memref<32768xf32, #tpu.memory_space<vmem>>, vector<16xf32>,
          %parallel_loop3A_328 = arith.constant 320 : i32
          %parallel_loop3A_329 = vector.broadcast %parallel_loop3A_328 : i32 to vector<16xi32>
          %parallel_loop3A_330 = arith.addi %parallel_loop3A_82, %parallel_loop3A_329 : vector<16xi32>
          %parallel_loop3A_331 = tpu.vector_load_idx %arg7[%parallel_loop3A_330] : memref<49152xf32, #tpu.memory_space<vmem>>[vector<16xi32>], vector<16xf32>,
          %parallel_loop3A_332 = arith.constant 2048 : i32
          %parallel_loop3A_333 = arith.addi %parallel_loop3A_127, %parallel_loop3A_332 : i32
          %parallel_loop3A_334 = arith.constant 64 : i32
          %parallel_loop3A_335 = arith.addi %parallel_loop3A_333, %parallel_loop3A_334 : i32
          %parallel_loop3A_336 = arith.index_cast %parallel_loop3A_335 : i32 to index
          %parallel_loop3A_337 = tpu.vector_load %arg8[%parallel_loop3A_336] {strides = array<i32>} : memref<32768xf32, #tpu.memory_space<vmem>>, vector<16xf32>,
          tpu.vector_store %arg8[%parallel_loop3A_336], %parallel_loop3A_331 {strides = array<i32>} : memref<32768xf32, #tpu.memory_space<vmem>>, vector<16xf32>,
          %parallel_loop3A_338 = arith.constant 336 : i32
          %parallel_loop3A_339 = vector.broadcast %parallel_loop3A_338 : i32 to vector<16xi32>
          %parallel_loop3A_340 = arith.addi %parallel_loop3A_82, %parallel_loop3A_339 : vector<16xi32>
          %parallel_loop3A_341 = tpu.vector_load_idx %arg7[%parallel_loop3A_340] : memref<49152xf32, #tpu.memory_space<vmem>>[vector<16xi32>], vector<16xf32>,
          %parallel_loop3A_342 = arith.constant 2048 : i32
          %parallel_loop3A_343 = arith.addi %parallel_loop3A_127, %parallel_loop3A_342 : i32
          %parallel_loop3A_344 = arith.constant 80 : i32
          %parallel_loop3A_345 = arith.addi %parallel_loop3A_343, %parallel_loop3A_344 : i32
          %parallel_loop3A_346 = arith.index_cast %parallel_loop3A_345 : i32 to index
          %parallel_loop3A_347 = tpu.vector_load %arg8[%parallel_loop3A_346] {strides = array<i32>} : memref<32768xf32, #tpu.memory_space<vmem>>, vector<16xf32>,
          tpu.vector_store %arg8[%parallel_loop3A_346], %parallel_loop3A_341 {strides = array<i32>} : memref<32768xf32, #tpu.memory_space<vmem>>, vector<16xf32>,
          %parallel_loop3A_348 = arith.constant 352 : i32
          %parallel_loop3A_349 = vector.broadcast %parallel_loop3A_348 : i32 to vector<16xi32>
          %parallel_loop3A_350 = arith.addi %parallel_loop3A_82, %parallel_loop3A_349 : vector<16xi32>
          %parallel_loop3A_351 = tpu.vector_load_idx %arg7[%parallel_loop3A_350] : memref<49152xf32, #tpu.memory_space<vmem>>[vector<16xi32>], vector<16xf32>,
          %parallel_loop3A_352 = arith.constant 2048 : i32
          %parallel_loop3A_353 = arith.addi %parallel_loop3A_127, %parallel_loop3A_352 : i32
          %parallel_loop3A_354 = arith.constant 96 : i32
          %parallel_loop3A_355 = arith.addi %parallel_loop3A_353, %parallel_loop3A_354 : i32
          %parallel_loop3A_356 = arith.index_cast %parallel_loop3A_355 : i32 to index
          %parallel_loop3A_357 = tpu.vector_load %arg8[%parallel_loop3A_356] {strides = array<i32>} : memref<32768xf32, #tpu.memory_space<vmem>>, vector<16xf32>,
          tpu.vector_store %arg8[%parallel_loop3A_356], %parallel_loop3A_351 {strides = array<i32>} : memref<32768xf32, #tpu.memory_space<vmem>>, vector<16xf32>,
          %parallel_loop3A_358 = arith.constant 368 : i32
          %parallel_loop3A_359 = vector.broadcast %parallel_loop3A_358 : i32 to vector<16xi32>
          %parallel_loop3A_360 = arith.addi %parallel_loop3A_82, %parallel_loop3A_359 : vector<16xi32>
          %parallel_loop3A_361 = tpu.vector_load_idx %arg7[%parallel_loop3A_360] : memref<49152xf32, #tpu.memory_space<vmem>>[vector<16xi32>], vector<16xf32>,
          %parallel_loop3A_362 = arith.constant 2048 : i32
          %parallel_loop3A_363 = arith.addi %parallel_loop3A_127, %parallel_loop3A_362 : i32
          %parallel_loop3A_364 = arith.constant 112 : i32
          %parallel_loop3A_365 = arith.addi %parallel_loop3A_363, %parallel_loop3A_364 : i32
          %parallel_loop3A_366 = arith.index_cast %parallel_loop3A_365 : i32 to index
          %parallel_loop3A_367 = tpu.vector_load %arg8[%parallel_loop3A_366] {strides = array<i32>} : memref<32768xf32, #tpu.memory_space<vmem>>, vector<16xf32>,
          tpu.vector_store %arg8[%parallel_loop3A_366], %parallel_loop3A_361 {strides = array<i32>} : memref<32768xf32, #tpu.memory_space<vmem>>, vector<16xf32>,
          %parallel_loop3A_368 = arith.constant 384 : i32
          %parallel_loop3A_369 = vector.broadcast %parallel_loop3A_368 : i32 to vector<16xi32>
          %parallel_loop3A_370 = arith.addi %parallel_loop3A_82, %parallel_loop3A_369 : vector<16xi32>
          %parallel_loop3A_371 = tpu.vector_load_idx %arg7[%parallel_loop3A_370] : memref<49152xf32, #tpu.memory_space<vmem>>[vector<16xi32>], vector<16xf32>,
          %parallel_loop3A_372 = arith.constant 3072 : i32
          %parallel_loop3A_373 = arith.addi %parallel_loop3A_127, %parallel_loop3A_372 : i32
          %parallel_loop3A_374 = arith.constant 0 : i32
          %parallel_loop3A_375 = arith.addi %parallel_loop3A_373, %parallel_loop3A_374 : i32
          %parallel_loop3A_376 = arith.index_cast %parallel_loop3A_375 : i32 to index
          %parallel_loop3A_377 = tpu.vector_load %arg8[%parallel_loop3A_376] {strides = array<i32>} : memref<32768xf32, #tpu.memory_space<vmem>>, vector<16xf32>,
          tpu.vector_store %arg8[%parallel_loop3A_376], %parallel_loop3A_371 {strides = array<i32>} : memref<32768xf32, #tpu.memory_space<vmem>>, vector<16xf32>,
          %parallel_loop3A_378 = arith.constant 400 : i32
          %parallel_loop3A_379 = vector.broadcast %parallel_loop3A_378 : i32 to vector<16xi32>
          %parallel_loop3A_380 = arith.addi %parallel_loop3A_82, %parallel_loop3A_379 : vector<16xi32>
          %parallel_loop3A_381 = tpu.vector_load_idx %arg7[%parallel_loop3A_380] : memref<49152xf32, #tpu.memory_space<vmem>>[vector<16xi32>], vector<16xf32>,
          %parallel_loop3A_382 = arith.constant 3072 : i32
          %parallel_loop3A_383 = arith.addi %parallel_loop3A_127, %parallel_loop3A_382 : i32
          %parallel_loop3A_384 = arith.constant 16 : i32
          %parallel_loop3A_385 = arith.addi %parallel_loop3A_383, %parallel_loop3A_384 : i32
          %parallel_loop3A_386 = arith.index_cast %parallel_loop3A_385 : i32 to index
          %parallel_loop3A_387 = tpu.vector_load %arg8[%parallel_loop3A_386] {strides = array<i32>} : memref<32768xf32, #tpu.memory_space<vmem>>, vector<16xf32>,
          tpu.vector_store %arg8[%parallel_loop3A_386], %parallel_loop3A_381 {strides = array<i32>} : memref<32768xf32, #tpu.memory_space<vmem>>, vector<16xf32>,
          %parallel_loop3A_388 = arith.constant 416 : i32
          %parallel_loop3A_389 = vector.broadcast %parallel_loop3A_388 : i32 to vector<16xi32>
          %parallel_loop3A_390 = arith.addi %parallel_loop3A_82, %parallel_loop3A_389 : vector<16xi32>
          %parallel_loop3A_391 = tpu.vector_load_idx %arg7[%parallel_loop3A_390] : memref<49152xf32, #tpu.memory_space<vmem>>[vector<16xi32>], vector<16xf32>,
          %parallel_loop3A_392 = arith.constant 3072 : i32
          %parallel_loop3A_393 = arith.addi %parallel_loop3A_127, %parallel_loop3A_392 : i32
          %parallel_loop3A_394 = arith.constant 32 : i32
          %parallel_loop3A_395 = arith.addi %parallel_loop3A_393, %parallel_loop3A_394 : i32
          %parallel_loop3A_396 = arith.index_cast %parallel_loop3A_395 : i32 to index
          %parallel_loop3A_397 = tpu.vector_load %arg8[%parallel_loop3A_396] {strides = array<i32>} : memref<32768xf32, #tpu.memory_space<vmem>>, vector<16xf32>,
          tpu.vector_store %arg8[%parallel_loop3A_396], %parallel_loop3A_391 {strides = array<i32>} : memref<32768xf32, #tpu.memory_space<vmem>>, vector<16xf32>,
          %parallel_loop3A_398 = arith.constant 432 : i32
          %parallel_loop3A_399 = vector.broadcast %parallel_loop3A_398 : i32 to vector<16xi32>
          %parallel_loop3A_400 = arith.addi %parallel_loop3A_82, %parallel_loop3A_399 : vector<16xi32>
          %parallel_loop3A_401 = tpu.vector_load_idx %arg7[%parallel_loop3A_400] : memref<49152xf32, #tpu.memory_space<vmem>>[vector<16xi32>], vector<16xf32>,
          %parallel_loop3A_402 = arith.constant 3072 : i32
          %parallel_loop3A_403 = arith.addi %parallel_loop3A_127, %parallel_loop3A_402 : i32
          %parallel_loop3A_404 = arith.constant 48 : i32
          %parallel_loop3A_405 = arith.addi %parallel_loop3A_403, %parallel_loop3A_404 : i32
          %parallel_loop3A_406 = arith.index_cast %parallel_loop3A_405 : i32 to index
          %parallel_loop3A_407 = tpu.vector_load %arg8[%parallel_loop3A_406] {strides = array<i32>} : memref<32768xf32, #tpu.memory_space<vmem>>, vector<16xf32>,
          tpu.vector_store %arg8[%parallel_loop3A_406], %parallel_loop3A_401 {strides = array<i32>} : memref<32768xf32, #tpu.memory_space<vmem>>, vector<16xf32>,
          %parallel_loop3A_408 = arith.constant 448 : i32
          %parallel_loop3A_409 = vector.broadcast %parallel_loop3A_408 : i32 to vector<16xi32>
          %parallel_loop3A_410 = arith.addi %parallel_loop3A_82, %parallel_loop3A_409 : vector<16xi32>
          %parallel_loop3A_411 = tpu.vector_load_idx %arg7[%parallel_loop3A_410] : memref<49152xf32, #tpu.memory_space<vmem>>[vector<16xi32>], vector<16xf32>,
          %parallel_loop3A_412 = arith.constant 3072 : i32
          %parallel_loop3A_413 = arith.addi %parallel_loop3A_127, %parallel_loop3A_412 : i32
          %parallel_loop3A_414 = arith.constant 64 : i32
          %parallel_loop3A_415 = arith.addi %parallel_loop3A_413, %parallel_loop3A_414 : i32
          %parallel_loop3A_416 = arith.index_cast %parallel_loop3A_415 : i32 to index
          %parallel_loop3A_417 = tpu.vector_load %arg8[%parallel_loop3A_416] {strides = array<i32>} : memref<32768xf32, #tpu.memory_space<vmem>>, vector<16xf32>,
          tpu.vector_store %arg8[%parallel_loop3A_416], %parallel_loop3A_411 {strides = array<i32>} : memref<32768xf32, #tpu.memory_space<vmem>>, vector<16xf32>,
          %parallel_loop3A_418 = arith.constant 464 : i32
          %parallel_loop3A_419 = vector.broadcast %parallel_loop3A_418 : i32 to vector<16xi32>
          %parallel_loop3A_420 = arith.addi %parallel_loop3A_82, %parallel_loop3A_419 : vector<16xi32>
          %parallel_loop3A_421 = tpu.vector_load_idx %arg7[%parallel_loop3A_420] : memref<49152xf32, #tpu.memory_space<vmem>>[vector<16xi32>], vector<16xf32>,
          %parallel_loop3A_422 = arith.constant 3072 : i32
          %parallel_loop3A_423 = arith.addi %parallel_loop3A_127, %parallel_loop3A_422 : i32
          %parallel_loop3A_424 = arith.constant 80 : i32
          %parallel_loop3A_425 = arith.addi %parallel_loop3A_423, %parallel_loop3A_424 : i32
          %parallel_loop3A_426 = arith.index_cast %parallel_loop3A_425 : i32 to index
          %parallel_loop3A_427 = tpu.vector_load %arg8[%parallel_loop3A_426] {strides = array<i32>} : memref<32768xf32, #tpu.memory_space<vmem>>, vector<16xf32>,
          tpu.vector_store %arg8[%parallel_loop3A_426], %parallel_loop3A_421 {strides = array<i32>} : memref<32768xf32, #tpu.memory_space<vmem>>, vector<16xf32>,
          %parallel_loop3A_428 = arith.constant 480 : i32
          %parallel_loop3A_429 = vector.broadcast %parallel_loop3A_428 : i32 to vector<16xi32>
          %parallel_loop3A_430 = arith.addi %parallel_loop3A_82, %parallel_loop3A_429 : vector<16xi32>
          %parallel_loop3A_431 = tpu.vector_load_idx %arg7[%parallel_loop3A_430] : memref<49152xf32, #tpu.memory_space<vmem>>[vector<16xi32>], vector<16xf32>,
          %parallel_loop3A_432 = arith.constant 3072 : i32
          %parallel_loop3A_433 = arith.addi %parallel_loop3A_127, %parallel_loop3A_432 : i32
          %parallel_loop3A_434 = arith.constant 96 : i32
          %parallel_loop3A_435 = arith.addi %parallel_loop3A_433, %parallel_loop3A_434 : i32
          %parallel_loop3A_436 = arith.index_cast %parallel_loop3A_435 : i32 to index
          %parallel_loop3A_437 = tpu.vector_load %arg8[%parallel_loop3A_436] {strides = array<i32>} : memref<32768xf32, #tpu.memory_space<vmem>>, vector<16xf32>,
          tpu.vector_store %arg8[%parallel_loop3A_436], %parallel_loop3A_431 {strides = array<i32>} : memref<32768xf32, #tpu.memory_space<vmem>>, vector<16xf32>,
          %parallel_loop3A_438 = arith.constant 496 : i32
          %parallel_loop3A_439 = vector.broadcast %parallel_loop3A_438 : i32 to vector<16xi32>
          %parallel_loop3A_440 = arith.addi %parallel_loop3A_82, %parallel_loop3A_439 : vector<16xi32>
          %parallel_loop3A_441 = tpu.vector_load_idx %arg7[%parallel_loop3A_440] : memref<49152xf32, #tpu.memory_space<vmem>>[vector<16xi32>], vector<16xf32>,
          %parallel_loop3A_442 = arith.constant 3072 : i32
          %parallel_loop3A_443 = arith.addi %parallel_loop3A_127, %parallel_loop3A_442 : i32
          %parallel_loop3A_444 = arith.constant 112 : i32
          %parallel_loop3A_445 = arith.addi %parallel_loop3A_443, %parallel_loop3A_444 : i32
          %parallel_loop3A_446 = arith.index_cast %parallel_loop3A_445 : i32 to index
          %parallel_loop3A_447 = tpu.vector_load %arg8[%parallel_loop3A_446] {strides = array<i32>} : memref<32768xf32, #tpu.memory_space<vmem>>, vector<16xf32>,
          tpu.vector_store %arg8[%parallel_loop3A_446], %parallel_loop3A_441 {strides = array<i32>} : memref<32768xf32, #tpu.memory_space<vmem>>, vector<16xf32>,
        } {sc.loop_unroll_factor = 4 : i64, sc.parallel_access}
        %mul3A_65 = arith.constant 512 : i32
        %mul3A_66 = arith.muli %add3A_56, %mul3A_65 : i32
        %dma_start3A_67 = tpu.memref_slice %arg4[%mul3A_66] : memref<1677721600xf32, #tpu.memory_space<hbm>> -> memref<32768xf32, #tpu.memory_space<hbm>>
        %dma_start3A_68 = tpu.memref_slice %arg4[%mul3A_66] : memref<1677721600xf32, #tpu.memory_space<hbm>> -> memref<32768xf32, #tpu.memory_space<hbm>>
        tpu.enqueue_dma source(%arg8 : memref<32768xf32, #tpu.memory_space<vmem>>) target(%dma_start3A_68 : memref<32768xf32, #tpu.memory_space<hbm>>) target_semaphore(%arg10 : memref<!tpu.dma_semaphore, #tpu.memory_space<semaphore_mem>>)
        %add3A_69 = arith.constant 2 : i32
        %add3A_70 = arith.addi %scan3A_20, %add3A_69 : i32
        %lt3A_71 = arith.constant 1600 : i32
        %lt3A_72 = arith.cmpi slt, %add3A_70, %lt3A_71 : i32
        %convert_element_type3A_73 = arith.extui %lt3A_72 : i1 to i32
        %cond3A_74 = arith.constant 0 : i32
        %cond3A_75 = arith.cmpi ne, %convert_element_type3A_73, %cond3A_74 : i32
        scf.if %cond3A_75 {
          %add3A_76 = arith.constant 128 : i32
          %add3A_77 = arith.addi %add3A_56, %add3A_76 : i32
          %dma_start3A_78 = tpu.memref_slice %arg2[%add3A_77] : memref<3276800xi32, #tpu.memory_space<hbm>> -> memref<64xi32, #tpu.memory_space<hbm>>
          %dma_start3A_79 = tpu.memref_slice %arg2[%add3A_77] : memref<3276800xi32, #tpu.memory_space<hbm>> -> memref<64xi32, #tpu.memory_space<hbm>>
          tpu.enqueue_dma source(%dma_start3A_79 : memref<64xi32, #tpu.memory_space<hbm>>) target(%arg5 : memref<64xi32, #tpu.memory_space<vmem>>) target_semaphore(%arg12 : memref<!tpu.dma_semaphore, #tpu.memory_space<semaphore_mem>>)
        } else {
        }
      } else {
      }
      %jit3A_33 = arith.constant 2 : i32
      %eq3A_34 = arith.constant 0 : i32
      %eq3A_35 = arith.cmpi eq, %jit3A_33, %eq3A_34 : i32
      %jit3A_36 = arith.constant 1 : i32
      %select_n3A_37 = arith.select %eq3A_35, %jit3A_36, %jit3A_33 : i32
      %rem3A_38 = arith.remsi %scan3A_20, %select_n3A_37 : i32
      %ne3A_39 = arith.constant 0 : i32
      %ne3A_40 = arith.cmpi ne, %rem3A_38, %ne3A_39 : i32
      %lt3A_41 = arith.constant 0 : i32
      %lt3A_42 = arith.cmpi slt, %rem3A_38, %lt3A_41 : i32
      %lt3A_43 = arith.constant 0 : i32
      %lt3A_44 = arith.cmpi slt, %select_n3A_37, %lt3A_43 : i32
      %ne3A_45 = arith.xori %lt3A_42, %lt3A_44 : i1
      %and3A_46 = arith.andi %ne3A_45, %ne3A_40 : i1
      %add3A_47 = arith.addi %rem3A_38, %select_n3A_37 : i32
      %select_n3A_48 = arith.select %and3A_46, %add3A_47, %rem3A_38 : i32
      %eq3A_49 = arith.constant 1 : i32
      %eq3A_50 = arith.cmpi eq, %select_n3A_48, %eq3A_49 : i32
      %convert_element_type3A_51 = arith.extui %eq3A_50 : i1 to i32
      %cond3A_52 = arith.constant 0 : i32
      %cond3A_53 = arith.cmpi ne, %convert_element_type3A_51, %cond3A_52 : i32
      scf.if %cond3A_53 {
        %mul3A_54 = arith.constant 64 : i32
        %mul3A_55 = arith.muli %scan3A_20, %mul3A_54 : i32
        %add3A_56 = arith.addi %mul3A_2, %mul3A_55 : i32
        %ge3A = arith.constant 2 : i32
        %ge3A_57 = arith.cmpi sge, %scan3A_20, %ge3A : i32
        %convert_element_type3A_58 = arith.extui %ge3A_57 : i1 to i32
        %cond3A_59 = arith.constant 0 : i32
        %cond3A_60 = arith.cmpi ne, %convert_element_type3A_58, %cond3A_59 : i32
        scf.if %cond3A_60 {
          %mul3A_76 = arith.constant 512 : i32
          %mul3A_77 = arith.muli %add3A_56, %mul3A_76 : i32
          %dma_wait3A_78 = tpu.memref_slice %arg4[%mul3A_77] : memref<1677721600xf32, #tpu.memory_space<hbm>> -> memref<32768xf32, #tpu.memory_space<hbm>>
          %dma_wait3A_79 = tpu.memref_slice %arg4[%mul3A_77] : memref<1677721600xf32, #tpu.memory_space<hbm>> -> memref<32768xf32, #tpu.memory_space<hbm>>
          tpu.wait_dma2 semaphore(%arg11 : memref<!tpu.dma_semaphore, #tpu.memory_space<semaphore_mem>>) src(%arg9 : memref<32768xf32, #tpu.memory_space<vmem>>) dst(%dma_wait3A_79 : memref<32768xf32, #tpu.memory_space<hbm>>)
        } else {
        }
        %dma_wait3A_61 = tpu.memref_slice %arg2[%add3A_56] : memref<3276800xi32, #tpu.memory_space<hbm>> -> memref<64xi32, #tpu.memory_space<hbm>>
        %dma_wait3A_62 = tpu.memref_slice %arg2[%add3A_56] : memref<3276800xi32, #tpu.memory_space<hbm>> -> memref<64xi32, #tpu.memory_space<hbm>>
        tpu.wait_dma2 semaphore(%arg13 : memref<!tpu.dma_semaphore, #tpu.memory_space<semaphore_mem>>) src(%dma_wait3A_62 : memref<64xi32, #tpu.memory_space<hbm>>) dst(%arg6 : memref<64xi32, #tpu.memory_space<vmem>>)
        %parallel_loop3A = arith.constant 0 : i32
        %parallel_loop3A_63 = arith.constant 64 : i32
        %parallel_loop3A_64 = arith.constant 1 : i32
        scf.for %parallel_loop3A_76 = %parallel_loop3A to %parallel_loop3A_63 step %parallel_loop3A_64  : i32 {
          %parallel_loop3A_77 = vector.broadcast %parallel_loop3A_76 : i32 to vector<16xi32>
          %parallel_loop3A_78 = tpu.vector_load_idx %arg6[%parallel_loop3A_77] : memref<64xi32, #tpu.memory_space<vmem>>[vector<16xi32>], vector<16xi32>,
          %parallel_loop3A_79 = arith.constant 512 : i32
          %parallel_loop3A_80 = vector.broadcast %parallel_loop3A_79 : i32 to vector<16xi32>
          %parallel_loop3A_81 = arith.muli %parallel_loop3A_78, %parallel_loop3A_80 : vector<16xi32>
          %parallel_loop3A_82 = arith.addi %parallel_loop3A_81, %iota3A : vector<16xi32>
          %parallel_loop3A_83 = arith.constant 8 : i32
          %parallel_loop3A_84 = arith.divsi %parallel_loop3A_76, %parallel_loop3A_83 : i32
          %parallel_loop3A_85 = arith.constant 0 : i32
          %parallel_loop3A_86 = arith.cmpi sgt, %parallel_loop3A_76, %parallel_loop3A_85 : i32
          %parallel_loop3A_87 = arith.extui %parallel_loop3A_86 : i1 to i32
          %parallel_loop3A_88 = arith.constant 0 : i32
          %parallel_loop3A_89 = arith.cmpi slt, %parallel_loop3A_76, %parallel_loop3A_88 : i32
          %parallel_loop3A_90 = arith.extui %parallel_loop3A_89 : i1 to i32
          %parallel_loop3A_91 = arith.subi %parallel_loop3A_87, %parallel_loop3A_90 : i32
          %parallel_loop3A_92 = arith.constant 0 : i32
          %parallel_loop3A_93 = arith.cmpi sgt, %parallel_loop3A_83, %parallel_loop3A_92 : i32
          %parallel_loop3A_94 = arith.extui %parallel_loop3A_93 : i1 to i32
          %parallel_loop3A_95 = arith.constant 0 : i32
          %parallel_loop3A_96 = arith.cmpi slt, %parallel_loop3A_83, %parallel_loop3A_95 : i32
          %parallel_loop3A_97 = arith.extui %parallel_loop3A_96 : i1 to i32
          %parallel_loop3A_98 = arith.subi %parallel_loop3A_94, %parallel_loop3A_97 : i32
          %parallel_loop3A_99 = arith.cmpi ne, %parallel_loop3A_91, %parallel_loop3A_98 : i32
          %parallel_loop3A_100 = arith.remsi %parallel_loop3A_76, %parallel_loop3A_83 : i32
          %parallel_loop3A_101 = arith.constant 0 : i32
          %parallel_loop3A_102 = arith.cmpi ne, %parallel_loop3A_100, %parallel_loop3A_101 : i32
          %parallel_loop3A_103 = arith.andi %parallel_loop3A_99, %parallel_loop3A_102 : i1
          %parallel_loop3A_104 = arith.constant 1 : i32
          %parallel_loop3A_105 = arith.subi %parallel_loop3A_84, %parallel_loop3A_104 : i32
          %parallel_loop3A_106 = arith.select %parallel_loop3A_103, %parallel_loop3A_105, %parallel_loop3A_84 : i32
          %parallel_loop3A_107 = arith.constant 4096 : i32
          %parallel_loop3A_108 = arith.muli %parallel_loop3A_106, %parallel_loop3A_107 : i32
          %parallel_loop3A_109 = arith.constant 8 : i32
          %parallel_loop3A_110 = arith.constant 0 : i32
          %parallel_loop3A_111 = arith.cmpi eq, %parallel_loop3A_109, %parallel_loop3A_110 : i32
          %parallel_loop3A_112 = arith.constant 1 : i32
          %parallel_loop3A_113 = arith.select %parallel_loop3A_111, %parallel_loop3A_112, %parallel_loop3A_109 : i32
          %parallel_loop3A_114 = arith.remsi %parallel_loop3A_76, %parallel_loop3A_113 : i32
          %parallel_loop3A_115 = arith.constant 0 : i32
          %parallel_loop3A_116 = arith.cmpi ne, %parallel_loop3A_114, %parallel_loop3A_115 : i32
          %parallel_loop3A_117 = arith.constant 0 : i32
          %parallel_loop3A_118 = arith.cmpi slt, %parallel_loop3A_114, %parallel_loop3A_117 : i32
          %parallel_loop3A_119 = arith.constant 0 : i32
          %parallel_loop3A_120 = arith.cmpi slt, %parallel_loop3A_113, %parallel_loop3A_119 : i32
          %parallel_loop3A_121 = arith.xori %parallel_loop3A_118, %parallel_loop3A_120 : i1
          %parallel_loop3A_122 = arith.andi %parallel_loop3A_121, %parallel_loop3A_116 : i1
          %parallel_loop3A_123 = arith.addi %parallel_loop3A_114, %parallel_loop3A_113 : i32
          %parallel_loop3A_124 = arith.select %parallel_loop3A_122, %parallel_loop3A_123, %parallel_loop3A_114 : i32
          %parallel_loop3A_125 = arith.constant 128 : i32
          %parallel_loop3A_126 = arith.muli %parallel_loop3A_124, %parallel_loop3A_125 : i32
          %parallel_loop3A_127 = arith.addi %parallel_loop3A_108, %parallel_loop3A_126 : i32
          %parallel_loop3A_128 = arith.constant 0 : i32
          %parallel_loop3A_129 = vector.broadcast %parallel_loop3A_128 : i32 to vector<16xi32>
          %parallel_loop3A_130 = arith.addi %parallel_loop3A_82, %parallel_loop3A_129 : vector<16xi32>
          %parallel_loop3A_131 = tpu.vector_load_idx %arg7[%parallel_loop3A_130] : memref<49152xf32, #tpu.memory_space<vmem>>[vector<16xi32>], vector<16xf32>,
          %parallel_loop3A_132 = arith.constant 0 : i32
          %parallel_loop3A_133 = arith.addi %parallel_loop3A_127, %parallel_loop3A_132 : i32
          %parallel_loop3A_134 = arith.constant 0 : i32
          %parallel_loop3A_135 = arith.addi %parallel_loop3A_133, %parallel_loop3A_134 : i32
          %parallel_loop3A_136 = arith.index_cast %parallel_loop3A_135 : i32 to index
          %parallel_loop3A_137 = tpu.vector_load %arg9[%parallel_loop3A_136] {strides = array<i32>} : memref<32768xf32, #tpu.memory_space<vmem>>, vector<16xf32>,
          tpu.vector_store %arg9[%parallel_loop3A_136], %parallel_loop3A_131 {strides = array<i32>} : memref<32768xf32, #tpu.memory_space<vmem>>, vector<16xf32>,
          %parallel_loop3A_138 = arith.constant 16 : i32
          %parallel_loop3A_139 = vector.broadcast %parallel_loop3A_138 : i32 to vector<16xi32>
          %parallel_loop3A_140 = arith.addi %parallel_loop3A_82, %parallel_loop3A_139 : vector<16xi32>
          %parallel_loop3A_141 = tpu.vector_load_idx %arg7[%parallel_loop3A_140] : memref<49152xf32, #tpu.memory_space<vmem>>[vector<16xi32>], vector<16xf32>,
          %parallel_loop3A_142 = arith.constant 0 : i32
          %parallel_loop3A_143 = arith.addi %parallel_loop3A_127, %parallel_loop3A_142 : i32
          %parallel_loop3A_144 = arith.constant 16 : i32
          %parallel_loop3A_145 = arith.addi %parallel_loop3A_143, %parallel_loop3A_144 : i32
          %parallel_loop3A_146 = arith.index_cast %parallel_loop3A_145 : i32 to index
          %parallel_loop3A_147 = tpu.vector_load %arg9[%parallel_loop3A_146] {strides = array<i32>} : memref<32768xf32, #tpu.memory_space<vmem>>, vector<16xf32>,
          tpu.vector_store %arg9[%parallel_loop3A_146], %parallel_loop3A_141 {strides = array<i32>} : memref<32768xf32, #tpu.memory_space<vmem>>, vector<16xf32>,
          %parallel_loop3A_148 = arith.constant 32 : i32
          %parallel_loop3A_149 = vector.broadcast %parallel_loop3A_148 : i32 to vector<16xi32>
          %parallel_loop3A_150 = arith.addi %parallel_loop3A_82, %parallel_loop3A_149 : vector<16xi32>
          %parallel_loop3A_151 = tpu.vector_load_idx %arg7[%parallel_loop3A_150] : memref<49152xf32, #tpu.memory_space<vmem>>[vector<16xi32>], vector<16xf32>,
          %parallel_loop3A_152 = arith.constant 0 : i32
          %parallel_loop3A_153 = arith.addi %parallel_loop3A_127, %parallel_loop3A_152 : i32
          %parallel_loop3A_154 = arith.constant 32 : i32
          %parallel_loop3A_155 = arith.addi %parallel_loop3A_153, %parallel_loop3A_154 : i32
          %parallel_loop3A_156 = arith.index_cast %parallel_loop3A_155 : i32 to index
          %parallel_loop3A_157 = tpu.vector_load %arg9[%parallel_loop3A_156] {strides = array<i32>} : memref<32768xf32, #tpu.memory_space<vmem>>, vector<16xf32>,
          tpu.vector_store %arg9[%parallel_loop3A_156], %parallel_loop3A_151 {strides = array<i32>} : memref<32768xf32, #tpu.memory_space<vmem>>, vector<16xf32>,
          %parallel_loop3A_158 = arith.constant 48 : i32
          %parallel_loop3A_159 = vector.broadcast %parallel_loop3A_158 : i32 to vector<16xi32>
          %parallel_loop3A_160 = arith.addi %parallel_loop3A_82, %parallel_loop3A_159 : vector<16xi32>
          %parallel_loop3A_161 = tpu.vector_load_idx %arg7[%parallel_loop3A_160] : memref<49152xf32, #tpu.memory_space<vmem>>[vector<16xi32>], vector<16xf32>,
          %parallel_loop3A_162 = arith.constant 0 : i32
          %parallel_loop3A_163 = arith.addi %parallel_loop3A_127, %parallel_loop3A_162 : i32
          %parallel_loop3A_164 = arith.constant 48 : i32
          %parallel_loop3A_165 = arith.addi %parallel_loop3A_163, %parallel_loop3A_164 : i32
          %parallel_loop3A_166 = arith.index_cast %parallel_loop3A_165 : i32 to index
          %parallel_loop3A_167 = tpu.vector_load %arg9[%parallel_loop3A_166] {strides = array<i32>} : memref<32768xf32, #tpu.memory_space<vmem>>, vector<16xf32>,
          tpu.vector_store %arg9[%parallel_loop3A_166], %parallel_loop3A_161 {strides = array<i32>} : memref<32768xf32, #tpu.memory_space<vmem>>, vector<16xf32>,
          %parallel_loop3A_168 = arith.constant 64 : i32
          %parallel_loop3A_169 = vector.broadcast %parallel_loop3A_168 : i32 to vector<16xi32>
          %parallel_loop3A_170 = arith.addi %parallel_loop3A_82, %parallel_loop3A_169 : vector<16xi32>
          %parallel_loop3A_171 = tpu.vector_load_idx %arg7[%parallel_loop3A_170] : memref<49152xf32, #tpu.memory_space<vmem>>[vector<16xi32>], vector<16xf32>,
          %parallel_loop3A_172 = arith.constant 0 : i32
          %parallel_loop3A_173 = arith.addi %parallel_loop3A_127, %parallel_loop3A_172 : i32
          %parallel_loop3A_174 = arith.constant 64 : i32
          %parallel_loop3A_175 = arith.addi %parallel_loop3A_173, %parallel_loop3A_174 : i32
          %parallel_loop3A_176 = arith.index_cast %parallel_loop3A_175 : i32 to index
          %parallel_loop3A_177 = tpu.vector_load %arg9[%parallel_loop3A_176] {strides = array<i32>} : memref<32768xf32, #tpu.memory_space<vmem>>, vector<16xf32>,
          tpu.vector_store %arg9[%parallel_loop3A_176], %parallel_loop3A_171 {strides = array<i32>} : memref<32768xf32, #tpu.memory_space<vmem>>, vector<16xf32>,
          %parallel_loop3A_178 = arith.constant 80 : i32
          %parallel_loop3A_179 = vector.broadcast %parallel_loop3A_178 : i32 to vector<16xi32>
          %parallel_loop3A_180 = arith.addi %parallel_loop3A_82, %parallel_loop3A_179 : vector<16xi32>
          %parallel_loop3A_181 = tpu.vector_load_idx %arg7[%parallel_loop3A_180] : memref<49152xf32, #tpu.memory_space<vmem>>[vector<16xi32>], vector<16xf32>,
          %parallel_loop3A_182 = arith.constant 0 : i32
          %parallel_loop3A_183 = arith.addi %parallel_loop3A_127, %parallel_loop3A_182 : i32
          %parallel_loop3A_184 = arith.constant 80 : i32
          %parallel_loop3A_185 = arith.addi %parallel_loop3A_183, %parallel_loop3A_184 : i32
          %parallel_loop3A_186 = arith.index_cast %parallel_loop3A_185 : i32 to index
          %parallel_loop3A_187 = tpu.vector_load %arg9[%parallel_loop3A_186] {strides = array<i32>} : memref<32768xf32, #tpu.memory_space<vmem>>, vector<16xf32>,
          tpu.vector_store %arg9[%parallel_loop3A_186], %parallel_loop3A_181 {strides = array<i32>} : memref<32768xf32, #tpu.memory_space<vmem>>, vector<16xf32>,
          %parallel_loop3A_188 = arith.constant 96 : i32
          %parallel_loop3A_189 = vector.broadcast %parallel_loop3A_188 : i32 to vector<16xi32>
          %parallel_loop3A_190 = arith.addi %parallel_loop3A_82, %parallel_loop3A_189 : vector<16xi32>
          %parallel_loop3A_191 = tpu.vector_load_idx %arg7[%parallel_loop3A_190] : memref<49152xf32, #tpu.memory_space<vmem>>[vector<16xi32>], vector<16xf32>,
          %parallel_loop3A_192 = arith.constant 0 : i32
          %parallel_loop3A_193 = arith.addi %parallel_loop3A_127, %parallel_loop3A_192 : i32
          %parallel_loop3A_194 = arith.constant 96 : i32
          %parallel_loop3A_195 = arith.addi %parallel_loop3A_193, %parallel_loop3A_194 : i32
          %parallel_loop3A_196 = arith.index_cast %parallel_loop3A_195 : i32 to index
          %parallel_loop3A_197 = tpu.vector_load %arg9[%parallel_loop3A_196] {strides = array<i32>} : memref<32768xf32, #tpu.memory_space<vmem>>, vector<16xf32>,
          tpu.vector_store %arg9[%parallel_loop3A_196], %parallel_loop3A_191 {strides = array<i32>} : memref<32768xf32, #tpu.memory_space<vmem>>, vector<16xf32>,
          %parallel_loop3A_198 = arith.constant 112 : i32
          %parallel_loop3A_199 = vector.broadcast %parallel_loop3A_198 : i32 to vector<16xi32>
          %parallel_loop3A_200 = arith.addi %parallel_loop3A_82, %parallel_loop3A_199 : vector<16xi32>
          %parallel_loop3A_201 = tpu.vector_load_idx %arg7[%parallel_loop3A_200] : memref<49152xf32, #tpu.memory_space<vmem>>[vector<16xi32>], vector<16xf32>,
          %parallel_loop3A_202 = arith.constant 0 : i32
          %parallel_loop3A_203 = arith.addi %parallel_loop3A_127, %parallel_loop3A_202 : i32
          %parallel_loop3A_204 = arith.constant 112 : i32
          %parallel_loop3A_205 = arith.addi %parallel_loop3A_203, %parallel_loop3A_204 : i32
          %parallel_loop3A_206 = arith.index_cast %parallel_loop3A_205 : i32 to index
          %parallel_loop3A_207 = tpu.vector_load %arg9[%parallel_loop3A_206] {strides = array<i32>} : memref<32768xf32, #tpu.memory_space<vmem>>, vector<16xf32>,
          tpu.vector_store %arg9[%parallel_loop3A_206], %parallel_loop3A_201 {strides = array<i32>} : memref<32768xf32, #tpu.memory_space<vmem>>, vector<16xf32>,
          %parallel_loop3A_208 = arith.constant 128 : i32
          %parallel_loop3A_209 = vector.broadcast %parallel_loop3A_208 : i32 to vector<16xi32>
          %parallel_loop3A_210 = arith.addi %parallel_loop3A_82, %parallel_loop3A_209 : vector<16xi32>
          %parallel_loop3A_211 = tpu.vector_load_idx %arg7[%parallel_loop3A_210] : memref<49152xf32, #tpu.memory_space<vmem>>[vector<16xi32>], vector<16xf32>,
          %parallel_loop3A_212 = arith.constant 1024 : i32
          %parallel_loop3A_213 = arith.addi %parallel_loop3A_127, %parallel_loop3A_212 : i32
          %parallel_loop3A_214 = arith.constant 0 : i32
          %parallel_loop3A_215 = arith.addi %parallel_loop3A_213, %parallel_loop3A_214 : i32
          %parallel_loop3A_216 = arith.index_cast %parallel_loop3A_215 : i32 to index
          %parallel_loop3A_217 = tpu.vector_load %arg9[%parallel_loop3A_216] {strides = array<i32>} : memref<32768xf32, #tpu.memory_space<vmem>>, vector<16xf32>,
          tpu.vector_store %arg9[%parallel_loop3A_216], %parallel_loop3A_211 {strides = array<i32>} : memref<32768xf32, #tpu.memory_space<vmem>>, vector<16xf32>,
          %parallel_loop3A_218 = arith.constant 144 : i32
          %parallel_loop3A_219 = vector.broadcast %parallel_loop3A_218 : i32 to vector<16xi32>
          %parallel_loop3A_220 = arith.addi %parallel_loop3A_82, %parallel_loop3A_219 : vector<16xi32>
          %parallel_loop3A_221 = tpu.vector_load_idx %arg7[%parallel_loop3A_220] : memref<49152xf32, #tpu.memory_space<vmem>>[vector<16xi32>], vector<16xf32>,
          %parallel_loop3A_222 = arith.constant 1024 : i32
          %parallel_loop3A_223 = arith.addi %parallel_loop3A_127, %parallel_loop3A_222 : i32
          %parallel_loop3A_224 = arith.constant 16 : i32
          %parallel_loop3A_225 = arith.addi %parallel_loop3A_223, %parallel_loop3A_224 : i32
          %parallel_loop3A_226 = arith.index_cast %parallel_loop3A_225 : i32 to index
          %parallel_loop3A_227 = tpu.vector_load %arg9[%parallel_loop3A_226] {strides = array<i32>} : memref<32768xf32, #tpu.memory_space<vmem>>, vector<16xf32>,
          tpu.vector_store %arg9[%parallel_loop3A_226], %parallel_loop3A_221 {strides = array<i32>} : memref<32768xf32, #tpu.memory_space<vmem>>, vector<16xf32>,
          %parallel_loop3A_228 = arith.constant 160 : i32
          %parallel_loop3A_229 = vector.broadcast %parallel_loop3A_228 : i32 to vector<16xi32>
          %parallel_loop3A_230 = arith.addi %parallel_loop3A_82, %parallel_loop3A_229 : vector<16xi32>
          %parallel_loop3A_231 = tpu.vector_load_idx %arg7[%parallel_loop3A_230] : memref<49152xf32, #tpu.memory_space<vmem>>[vector<16xi32>], vector<16xf32>,
          %parallel_loop3A_232 = arith.constant 1024 : i32
          %parallel_loop3A_233 = arith.addi %parallel_loop3A_127, %parallel_loop3A_232 : i32
          %parallel_loop3A_234 = arith.constant 32 : i32
          %parallel_loop3A_235 = arith.addi %parallel_loop3A_233, %parallel_loop3A_234 : i32
          %parallel_loop3A_236 = arith.index_cast %parallel_loop3A_235 : i32 to index
          %parallel_loop3A_237 = tpu.vector_load %arg9[%parallel_loop3A_236] {strides = array<i32>} : memref<32768xf32, #tpu.memory_space<vmem>>, vector<16xf32>,
          tpu.vector_store %arg9[%parallel_loop3A_236], %parallel_loop3A_231 {strides = array<i32>} : memref<32768xf32, #tpu.memory_space<vmem>>, vector<16xf32>,
          %parallel_loop3A_238 = arith.constant 176 : i32
          %parallel_loop3A_239 = vector.broadcast %parallel_loop3A_238 : i32 to vector<16xi32>
          %parallel_loop3A_240 = arith.addi %parallel_loop3A_82, %parallel_loop3A_239 : vector<16xi32>
          %parallel_loop3A_241 = tpu.vector_load_idx %arg7[%parallel_loop3A_240] : memref<49152xf32, #tpu.memory_space<vmem>>[vector<16xi32>], vector<16xf32>,
          %parallel_loop3A_242 = arith.constant 1024 : i32
          %parallel_loop3A_243 = arith.addi %parallel_loop3A_127, %parallel_loop3A_242 : i32
          %parallel_loop3A_244 = arith.constant 48 : i32
          %parallel_loop3A_245 = arith.addi %parallel_loop3A_243, %parallel_loop3A_244 : i32
          %parallel_loop3A_246 = arith.index_cast %parallel_loop3A_245 : i32 to index
          %parallel_loop3A_247 = tpu.vector_load %arg9[%parallel_loop3A_246] {strides = array<i32>} : memref<32768xf32, #tpu.memory_space<vmem>>, vector<16xf32>,
          tpu.vector_store %arg9[%parallel_loop3A_246], %parallel_loop3A_241 {strides = array<i32>} : memref<32768xf32, #tpu.memory_space<vmem>>, vector<16xf32>,
          %parallel_loop3A_248 = arith.constant 192 : i32
          %parallel_loop3A_249 = vector.broadcast %parallel_loop3A_248 : i32 to vector<16xi32>
          %parallel_loop3A_250 = arith.addi %parallel_loop3A_82, %parallel_loop3A_249 : vector<16xi32>
          %parallel_loop3A_251 = tpu.vector_load_idx %arg7[%parallel_loop3A_250] : memref<49152xf32, #tpu.memory_space<vmem>>[vector<16xi32>], vector<16xf32>,
          %parallel_loop3A_252 = arith.constant 1024 : i32
          %parallel_loop3A_253 = arith.addi %parallel_loop3A_127, %parallel_loop3A_252 : i32
          %parallel_loop3A_254 = arith.constant 64 : i32
          %parallel_loop3A_255 = arith.addi %parallel_loop3A_253, %parallel_loop3A_254 : i32
          %parallel_loop3A_256 = arith.index_cast %parallel_loop3A_255 : i32 to index
          %parallel_loop3A_257 = tpu.vector_load %arg9[%parallel_loop3A_256] {strides = array<i32>} : memref<32768xf32, #tpu.memory_space<vmem>>, vector<16xf32>,
          tpu.vector_store %arg9[%parallel_loop3A_256], %parallel_loop3A_251 {strides = array<i32>} : memref<32768xf32, #tpu.memory_space<vmem>>, vector<16xf32>,
          %parallel_loop3A_258 = arith.constant 208 : i32
          %parallel_loop3A_259 = vector.broadcast %parallel_loop3A_258 : i32 to vector<16xi32>
          %parallel_loop3A_260 = arith.addi %parallel_loop3A_82, %parallel_loop3A_259 : vector<16xi32>
          %parallel_loop3A_261 = tpu.vector_load_idx %arg7[%parallel_loop3A_260] : memref<49152xf32, #tpu.memory_space<vmem>>[vector<16xi32>], vector<16xf32>,
          %parallel_loop3A_262 = arith.constant 1024 : i32
          %parallel_loop3A_263 = arith.addi %parallel_loop3A_127, %parallel_loop3A_262 : i32
          %parallel_loop3A_264 = arith.constant 80 : i32
          %parallel_loop3A_265 = arith.addi %parallel_loop3A_263, %parallel_loop3A_264 : i32
          %parallel_loop3A_266 = arith.index_cast %parallel_loop3A_265 : i32 to index
          %parallel_loop3A_267 = tpu.vector_load %arg9[%parallel_loop3A_266] {strides = array<i32>} : memref<32768xf32, #tpu.memory_space<vmem>>, vector<16xf32>,
          tpu.vector_store %arg9[%parallel_loop3A_266], %parallel_loop3A_261 {strides = array<i32>} : memref<32768xf32, #tpu.memory_space<vmem>>, vector<16xf32>,
          %parallel_loop3A_268 = arith.constant 224 : i32
          %parallel_loop3A_269 = vector.broadcast %parallel_loop3A_268 : i32 to vector<16xi32>
          %parallel_loop3A_270 = arith.addi %parallel_loop3A_82, %parallel_loop3A_269 : vector<16xi32>
          %parallel_loop3A_271 = tpu.vector_load_idx %arg7[%parallel_loop3A_270] : memref<49152xf32, #tpu.memory_space<vmem>>[vector<16xi32>], vector<16xf32>,
          %parallel_loop3A_272 = arith.constant 1024 : i32
          %parallel_loop3A_273 = arith.addi %parallel_loop3A_127, %parallel_loop3A_272 : i32
          %parallel_loop3A_274 = arith.constant 96 : i32
          %parallel_loop3A_275 = arith.addi %parallel_loop3A_273, %parallel_loop3A_274 : i32
          %parallel_loop3A_276 = arith.index_cast %parallel_loop3A_275 : i32 to index
          %parallel_loop3A_277 = tpu.vector_load %arg9[%parallel_loop3A_276] {strides = array<i32>} : memref<32768xf32, #tpu.memory_space<vmem>>, vector<16xf32>,
          tpu.vector_store %arg9[%parallel_loop3A_276], %parallel_loop3A_271 {strides = array<i32>} : memref<32768xf32, #tpu.memory_space<vmem>>, vector<16xf32>,
          %parallel_loop3A_278 = arith.constant 240 : i32
          %parallel_loop3A_279 = vector.broadcast %parallel_loop3A_278 : i32 to vector<16xi32>
          %parallel_loop3A_280 = arith.addi %parallel_loop3A_82, %parallel_loop3A_279 : vector<16xi32>
          %parallel_loop3A_281 = tpu.vector_load_idx %arg7[%parallel_loop3A_280] : memref<49152xf32, #tpu.memory_space<vmem>>[vector<16xi32>], vector<16xf32>,
          %parallel_loop3A_282 = arith.constant 1024 : i32
          %parallel_loop3A_283 = arith.addi %parallel_loop3A_127, %parallel_loop3A_282 : i32
          %parallel_loop3A_284 = arith.constant 112 : i32
          %parallel_loop3A_285 = arith.addi %parallel_loop3A_283, %parallel_loop3A_284 : i32
          %parallel_loop3A_286 = arith.index_cast %parallel_loop3A_285 : i32 to index
          %parallel_loop3A_287 = tpu.vector_load %arg9[%parallel_loop3A_286] {strides = array<i32>} : memref<32768xf32, #tpu.memory_space<vmem>>, vector<16xf32>,
          tpu.vector_store %arg9[%parallel_loop3A_286], %parallel_loop3A_281 {strides = array<i32>} : memref<32768xf32, #tpu.memory_space<vmem>>, vector<16xf32>,
          %parallel_loop3A_288 = arith.constant 256 : i32
          %parallel_loop3A_289 = vector.broadcast %parallel_loop3A_288 : i32 to vector<16xi32>
          %parallel_loop3A_290 = arith.addi %parallel_loop3A_82, %parallel_loop3A_289 : vector<16xi32>
          %parallel_loop3A_291 = tpu.vector_load_idx %arg7[%parallel_loop3A_290] : memref<49152xf32, #tpu.memory_space<vmem>>[vector<16xi32>], vector<16xf32>,
          %parallel_loop3A_292 = arith.constant 2048 : i32
          %parallel_loop3A_293 = arith.addi %parallel_loop3A_127, %parallel_loop3A_292 : i32
          %parallel_loop3A_294 = arith.constant 0 : i32
          %parallel_loop3A_295 = arith.addi %parallel_loop3A_293, %parallel_loop3A_294 : i32
          %parallel_loop3A_296 = arith.index_cast %parallel_loop3A_295 : i32 to index
          %parallel_loop3A_297 = tpu.vector_load %arg9[%parallel_loop3A_296] {strides = array<i32>} : memref<32768xf32, #tpu.memory_space<vmem>>, vector<16xf32>,
          tpu.vector_store %arg9[%parallel_loop3A_296], %parallel_loop3A_291 {strides = array<i32>} : memref<32768xf32, #tpu.memory_space<vmem>>, vector<16xf32>,
          %parallel_loop3A_298 = arith.constant 272 : i32
          %parallel_loop3A_299 = vector.broadcast %parallel_loop3A_298 : i32 to vector<16xi32>
          %parallel_loop3A_300 = arith.addi %parallel_loop3A_82, %parallel_loop3A_299 : vector<16xi32>
          %parallel_loop3A_301 = tpu.vector_load_idx %arg7[%parallel_loop3A_300] : memref<49152xf32, #tpu.memory_space<vmem>>[vector<16xi32>], vector<16xf32>,
          %parallel_loop3A_302 = arith.constant 2048 : i32
          %parallel_loop3A_303 = arith.addi %parallel_loop3A_127, %parallel_loop3A_302 : i32
          %parallel_loop3A_304 = arith.constant 16 : i32
          %parallel_loop3A_305 = arith.addi %parallel_loop3A_303, %parallel_loop3A_304 : i32
          %parallel_loop3A_306 = arith.index_cast %parallel_loop3A_305 : i32 to index
          %parallel_loop3A_307 = tpu.vector_load %arg9[%parallel_loop3A_306] {strides = array<i32>} : memref<32768xf32, #tpu.memory_space<vmem>>, vector<16xf32>,
          tpu.vector_store %arg9[%parallel_loop3A_306], %parallel_loop3A_301 {strides = array<i32>} : memref<32768xf32, #tpu.memory_space<vmem>>, vector<16xf32>,
          %parallel_loop3A_308 = arith.constant 288 : i32
          %parallel_loop3A_309 = vector.broadcast %parallel_loop3A_308 : i32 to vector<16xi32>
          %parallel_loop3A_310 = arith.addi %parallel_loop3A_82, %parallel_loop3A_309 : vector<16xi32>
          %parallel_loop3A_311 = tpu.vector_load_idx %arg7[%parallel_loop3A_310] : memref<49152xf32, #tpu.memory_space<vmem>>[vector<16xi32>], vector<16xf32>,
          %parallel_loop3A_312 = arith.constant 2048 : i32
          %parallel_loop3A_313 = arith.addi %parallel_loop3A_127, %parallel_loop3A_312 : i32
          %parallel_loop3A_314 = arith.constant 32 : i32
          %parallel_loop3A_315 = arith.addi %parallel_loop3A_313, %parallel_loop3A_314 : i32
          %parallel_loop3A_316 = arith.index_cast %parallel_loop3A_315 : i32 to index
          %parallel_loop3A_317 = tpu.vector_load %arg9[%parallel_loop3A_316] {strides = array<i32>} : memref<32768xf32, #tpu.memory_space<vmem>>, vector<16xf32>,
          tpu.vector_store %arg9[%parallel_loop3A_316], %parallel_loop3A_311 {strides = array<i32>} : memref<32768xf32, #tpu.memory_space<vmem>>, vector<16xf32>,
          %parallel_loop3A_318 = arith.constant 304 : i32
          %parallel_loop3A_319 = vector.broadcast %parallel_loop3A_318 : i32 to vector<16xi32>
          %parallel_loop3A_320 = arith.addi %parallel_loop3A_82, %parallel_loop3A_319 : vector<16xi32>
          %parallel_loop3A_321 = tpu.vector_load_idx %arg7[%parallel_loop3A_320] : memref<49152xf32, #tpu.memory_space<vmem>>[vector<16xi32>], vector<16xf32>,
          %parallel_loop3A_322 = arith.constant 2048 : i32
          %parallel_loop3A_323 = arith.addi %parallel_loop3A_127, %parallel_loop3A_322 : i32
          %parallel_loop3A_324 = arith.constant 48 : i32
          %parallel_loop3A_325 = arith.addi %parallel_loop3A_323, %parallel_loop3A_324 : i32
          %parallel_loop3A_326 = arith.index_cast %parallel_loop3A_325 : i32 to index
          %parallel_loop3A_327 = tpu.vector_load %arg9[%parallel_loop3A_326] {strides = array<i32>} : memref<32768xf32, #tpu.memory_space<vmem>>, vector<16xf32>,
          tpu.vector_store %arg9[%parallel_loop3A_326], %parallel_loop3A_321 {strides = array<i32>} : memref<32768xf32, #tpu.memory_space<vmem>>, vector<16xf32>,
          %parallel_loop3A_328 = arith.constant 320 : i32
          %parallel_loop3A_329 = vector.broadcast %parallel_loop3A_328 : i32 to vector<16xi32>
          %parallel_loop3A_330 = arith.addi %parallel_loop3A_82, %parallel_loop3A_329 : vector<16xi32>
          %parallel_loop3A_331 = tpu.vector_load_idx %arg7[%parallel_loop3A_330] : memref<49152xf32, #tpu.memory_space<vmem>>[vector<16xi32>], vector<16xf32>,
          %parallel_loop3A_332 = arith.constant 2048 : i32
          %parallel_loop3A_333 = arith.addi %parallel_loop3A_127, %parallel_loop3A_332 : i32
          %parallel_loop3A_334 = arith.constant 64 : i32
          %parallel_loop3A_335 = arith.addi %parallel_loop3A_333, %parallel_loop3A_334 : i32
          %parallel_loop3A_336 = arith.index_cast %parallel_loop3A_335 : i32 to index
          %parallel_loop3A_337 = tpu.vector_load %arg9[%parallel_loop3A_336] {strides = array<i32>} : memref<32768xf32, #tpu.memory_space<vmem>>, vector<16xf32>,
          tpu.vector_store %arg9[%parallel_loop3A_336], %parallel_loop3A_331 {strides = array<i32>} : memref<32768xf32, #tpu.memory_space<vmem>>, vector<16xf32>,
          %parallel_loop3A_338 = arith.constant 336 : i32
          %parallel_loop3A_339 = vector.broadcast %parallel_loop3A_338 : i32 to vector<16xi32>
          %parallel_loop3A_340 = arith.addi %parallel_loop3A_82, %parallel_loop3A_339 : vector<16xi32>
          %parallel_loop3A_341 = tpu.vector_load_idx %arg7[%parallel_loop3A_340] : memref<49152xf32, #tpu.memory_space<vmem>>[vector<16xi32>], vector<16xf32>,
          %parallel_loop3A_342 = arith.constant 2048 : i32
          %parallel_loop3A_343 = arith.addi %parallel_loop3A_127, %parallel_loop3A_342 : i32
          %parallel_loop3A_344 = arith.constant 80 : i32
          %parallel_loop3A_345 = arith.addi %parallel_loop3A_343, %parallel_loop3A_344 : i32
          %parallel_loop3A_346 = arith.index_cast %parallel_loop3A_345 : i32 to index
          %parallel_loop3A_347 = tpu.vector_load %arg9[%parallel_loop3A_346] {strides = array<i32>} : memref<32768xf32, #tpu.memory_space<vmem>>, vector<16xf32>,
          tpu.vector_store %arg9[%parallel_loop3A_346], %parallel_loop3A_341 {strides = array<i32>} : memref<32768xf32, #tpu.memory_space<vmem>>, vector<16xf32>,
          %parallel_loop3A_348 = arith.constant 352 : i32
          %parallel_loop3A_349 = vector.broadcast %parallel_loop3A_348 : i32 to vector<16xi32>
          %parallel_loop3A_350 = arith.addi %parallel_loop3A_82, %parallel_loop3A_349 : vector<16xi32>
          %parallel_loop3A_351 = tpu.vector_load_idx %arg7[%parallel_loop3A_350] : memref<49152xf32, #tpu.memory_space<vmem>>[vector<16xi32>], vector<16xf32>,
          %parallel_loop3A_352 = arith.constant 2048 : i32
          %parallel_loop3A_353 = arith.addi %parallel_loop3A_127, %parallel_loop3A_352 : i32
          %parallel_loop3A_354 = arith.constant 96 : i32
          %parallel_loop3A_355 = arith.addi %parallel_loop3A_353, %parallel_loop3A_354 : i32
          %parallel_loop3A_356 = arith.index_cast %parallel_loop3A_355 : i32 to index
          %parallel_loop3A_357 = tpu.vector_load %arg9[%parallel_loop3A_356] {strides = array<i32>} : memref<32768xf32, #tpu.memory_space<vmem>>, vector<16xf32>,
          tpu.vector_store %arg9[%parallel_loop3A_356], %parallel_loop3A_351 {strides = array<i32>} : memref<32768xf32, #tpu.memory_space<vmem>>, vector<16xf32>,
          %parallel_loop3A_358 = arith.constant 368 : i32
          %parallel_loop3A_359 = vector.broadcast %parallel_loop3A_358 : i32 to vector<16xi32>
          %parallel_loop3A_360 = arith.addi %parallel_loop3A_82, %parallel_loop3A_359 : vector<16xi32>
          %parallel_loop3A_361 = tpu.vector_load_idx %arg7[%parallel_loop3A_360] : memref<49152xf32, #tpu.memory_space<vmem>>[vector<16xi32>], vector<16xf32>,
          %parallel_loop3A_362 = arith.constant 2048 : i32
          %parallel_loop3A_363 = arith.addi %parallel_loop3A_127, %parallel_loop3A_362 : i32
          %parallel_loop3A_364 = arith.constant 112 : i32
          %parallel_loop3A_365 = arith.addi %parallel_loop3A_363, %parallel_loop3A_364 : i32
          %parallel_loop3A_366 = arith.index_cast %parallel_loop3A_365 : i32 to index
          %parallel_loop3A_367 = tpu.vector_load %arg9[%parallel_loop3A_366] {strides = array<i32>} : memref<32768xf32, #tpu.memory_space<vmem>>, vector<16xf32>,
          tpu.vector_store %arg9[%parallel_loop3A_366], %parallel_loop3A_361 {strides = array<i32>} : memref<32768xf32, #tpu.memory_space<vmem>>, vector<16xf32>,
          %parallel_loop3A_368 = arith.constant 384 : i32
          %parallel_loop3A_369 = vector.broadcast %parallel_loop3A_368 : i32 to vector<16xi32>
          %parallel_loop3A_370 = arith.addi %parallel_loop3A_82, %parallel_loop3A_369 : vector<16xi32>
          %parallel_loop3A_371 = tpu.vector_load_idx %arg7[%parallel_loop3A_370] : memref<49152xf32, #tpu.memory_space<vmem>>[vector<16xi32>], vector<16xf32>,
          %parallel_loop3A_372 = arith.constant 3072 : i32
          %parallel_loop3A_373 = arith.addi %parallel_loop3A_127, %parallel_loop3A_372 : i32
          %parallel_loop3A_374 = arith.constant 0 : i32
          %parallel_loop3A_375 = arith.addi %parallel_loop3A_373, %parallel_loop3A_374 : i32
          %parallel_loop3A_376 = arith.index_cast %parallel_loop3A_375 : i32 to index
          %parallel_loop3A_377 = tpu.vector_load %arg9[%parallel_loop3A_376] {strides = array<i32>} : memref<32768xf32, #tpu.memory_space<vmem>>, vector<16xf32>,
          tpu.vector_store %arg9[%parallel_loop3A_376], %parallel_loop3A_371 {strides = array<i32>} : memref<32768xf32, #tpu.memory_space<vmem>>, vector<16xf32>,
          %parallel_loop3A_378 = arith.constant 400 : i32
          %parallel_loop3A_379 = vector.broadcast %parallel_loop3A_378 : i32 to vector<16xi32>
          %parallel_loop3A_380 = arith.addi %parallel_loop3A_82, %parallel_loop3A_379 : vector<16xi32>
          %parallel_loop3A_381 = tpu.vector_load_idx %arg7[%parallel_loop3A_380] : memref<49152xf32, #tpu.memory_space<vmem>>[vector<16xi32>], vector<16xf32>,
          %parallel_loop3A_382 = arith.constant 3072 : i32
          %parallel_loop3A_383 = arith.addi %parallel_loop3A_127, %parallel_loop3A_382 : i32
          %parallel_loop3A_384 = arith.constant 16 : i32
          %parallel_loop3A_385 = arith.addi %parallel_loop3A_383, %parallel_loop3A_384 : i32
          %parallel_loop3A_386 = arith.index_cast %parallel_loop3A_385 : i32 to index
          %parallel_loop3A_387 = tpu.vector_load %arg9[%parallel_loop3A_386] {strides = array<i32>} : memref<32768xf32, #tpu.memory_space<vmem>>, vector<16xf32>,
          tpu.vector_store %arg9[%parallel_loop3A_386], %parallel_loop3A_381 {strides = array<i32>} : memref<32768xf32, #tpu.memory_space<vmem>>, vector<16xf32>,
          %parallel_loop3A_388 = arith.constant 416 : i32
          %parallel_loop3A_389 = vector.broadcast %parallel_loop3A_388 : i32 to vector<16xi32>
          %parallel_loop3A_390 = arith.addi %parallel_loop3A_82, %parallel_loop3A_389 : vector<16xi32>
          %parallel_loop3A_391 = tpu.vector_load_idx %arg7[%parallel_loop3A_390] : memref<49152xf32, #tpu.memory_space<vmem>>[vector<16xi32>], vector<16xf32>,
          %parallel_loop3A_392 = arith.constant 3072 : i32
          %parallel_loop3A_393 = arith.addi %parallel_loop3A_127, %parallel_loop3A_392 : i32
          %parallel_loop3A_394 = arith.constant 32 : i32
          %parallel_loop3A_395 = arith.addi %parallel_loop3A_393, %parallel_loop3A_394 : i32
          %parallel_loop3A_396 = arith.index_cast %parallel_loop3A_395 : i32 to index
          %parallel_loop3A_397 = tpu.vector_load %arg9[%parallel_loop3A_396] {strides = array<i32>} : memref<32768xf32, #tpu.memory_space<vmem>>, vector<16xf32>,
          tpu.vector_store %arg9[%parallel_loop3A_396], %parallel_loop3A_391 {strides = array<i32>} : memref<32768xf32, #tpu.memory_space<vmem>>, vector<16xf32>,
          %parallel_loop3A_398 = arith.constant 432 : i32
          %parallel_loop3A_399 = vector.broadcast %parallel_loop3A_398 : i32 to vector<16xi32>
          %parallel_loop3A_400 = arith.addi %parallel_loop3A_82, %parallel_loop3A_399 : vector<16xi32>
          %parallel_loop3A_401 = tpu.vector_load_idx %arg7[%parallel_loop3A_400] : memref<49152xf32, #tpu.memory_space<vmem>>[vector<16xi32>], vector<16xf32>,
          %parallel_loop3A_402 = arith.constant 3072 : i32
          %parallel_loop3A_403 = arith.addi %parallel_loop3A_127, %parallel_loop3A_402 : i32
          %parallel_loop3A_404 = arith.constant 48 : i32
          %parallel_loop3A_405 = arith.addi %parallel_loop3A_403, %parallel_loop3A_404 : i32
          %parallel_loop3A_406 = arith.index_cast %parallel_loop3A_405 : i32 to index
          %parallel_loop3A_407 = tpu.vector_load %arg9[%parallel_loop3A_406] {strides = array<i32>} : memref<32768xf32, #tpu.memory_space<vmem>>, vector<16xf32>,
          tpu.vector_store %arg9[%parallel_loop3A_406], %parallel_loop3A_401 {strides = array<i32>} : memref<32768xf32, #tpu.memory_space<vmem>>, vector<16xf32>,
          %parallel_loop3A_408 = arith.constant 448 : i32
          %parallel_loop3A_409 = vector.broadcast %parallel_loop3A_408 : i32 to vector<16xi32>
          %parallel_loop3A_410 = arith.addi %parallel_loop3A_82, %parallel_loop3A_409 : vector<16xi32>
          %parallel_loop3A_411 = tpu.vector_load_idx %arg7[%parallel_loop3A_410] : memref<49152xf32, #tpu.memory_space<vmem>>[vector<16xi32>], vector<16xf32>,
          %parallel_loop3A_412 = arith.constant 3072 : i32
          %parallel_loop3A_413 = arith.addi %parallel_loop3A_127, %parallel_loop3A_412 : i32
          %parallel_loop3A_414 = arith.constant 64 : i32
          %parallel_loop3A_415 = arith.addi %parallel_loop3A_413, %parallel_loop3A_414 : i32
          %parallel_loop3A_416 = arith.index_cast %parallel_loop3A_415 : i32 to index
          %parallel_loop3A_417 = tpu.vector_load %arg9[%parallel_loop3A_416] {strides = array<i32>} : memref<32768xf32, #tpu.memory_space<vmem>>, vector<16xf32>,
          tpu.vector_store %arg9[%parallel_loop3A_416], %parallel_loop3A_411 {strides = array<i32>} : memref<32768xf32, #tpu.memory_space<vmem>>, vector<16xf32>,
          %parallel_loop3A_418 = arith.constant 464 : i32
          %parallel_loop3A_419 = vector.broadcast %parallel_loop3A_418 : i32 to vector<16xi32>
          %parallel_loop3A_420 = arith.addi %parallel_loop3A_82, %parallel_loop3A_419 : vector<16xi32>
          %parallel_loop3A_421 = tpu.vector_load_idx %arg7[%parallel_loop3A_420] : memref<49152xf32, #tpu.memory_space<vmem>>[vector<16xi32>], vector<16xf32>,
          %parallel_loop3A_422 = arith.constant 3072 : i32
          %parallel_loop3A_423 = arith.addi %parallel_loop3A_127, %parallel_loop3A_422 : i32
          %parallel_loop3A_424 = arith.constant 80 : i32
          %parallel_loop3A_425 = arith.addi %parallel_loop3A_423, %parallel_loop3A_424 : i32
          %parallel_loop3A_426 = arith.index_cast %parallel_loop3A_425 : i32 to index
          %parallel_loop3A_427 = tpu.vector_load %arg9[%parallel_loop3A_426] {strides = array<i32>} : memref<32768xf32, #tpu.memory_space<vmem>>, vector<16xf32>,
          tpu.vector_store %arg9[%parallel_loop3A_426], %parallel_loop3A_421 {strides = array<i32>} : memref<32768xf32, #tpu.memory_space<vmem>>, vector<16xf32>,
          %parallel_loop3A_428 = arith.constant 480 : i32
          %parallel_loop3A_429 = vector.broadcast %parallel_loop3A_428 : i32 to vector<16xi32>
          %parallel_loop3A_430 = arith.addi %parallel_loop3A_82, %parallel_loop3A_429 : vector<16xi32>
          %parallel_loop3A_431 = tpu.vector_load_idx %arg7[%parallel_loop3A_430] : memref<49152xf32, #tpu.memory_space<vmem>>[vector<16xi32>], vector<16xf32>,
          %parallel_loop3A_432 = arith.constant 3072 : i32
          %parallel_loop3A_433 = arith.addi %parallel_loop3A_127, %parallel_loop3A_432 : i32
          %parallel_loop3A_434 = arith.constant 96 : i32
          %parallel_loop3A_435 = arith.addi %parallel_loop3A_433, %parallel_loop3A_434 : i32
          %parallel_loop3A_436 = arith.index_cast %parallel_loop3A_435 : i32 to index
          %parallel_loop3A_437 = tpu.vector_load %arg9[%parallel_loop3A_436] {strides = array<i32>} : memref<32768xf32, #tpu.memory_space<vmem>>, vector<16xf32>,
          tpu.vector_store %arg9[%parallel_loop3A_436], %parallel_loop3A_431 {strides = array<i32>} : memref<32768xf32, #tpu.memory_space<vmem>>, vector<16xf32>,
          %parallel_loop3A_438 = arith.constant 496 : i32
          %parallel_loop3A_439 = vector.broadcast %parallel_loop3A_438 : i32 to vector<16xi32>
          %parallel_loop3A_440 = arith.addi %parallel_loop3A_82, %parallel_loop3A_439 : vector<16xi32>
          %parallel_loop3A_441 = tpu.vector_load_idx %arg7[%parallel_loop3A_440] : memref<49152xf32, #tpu.memory_space<vmem>>[vector<16xi32>], vector<16xf32>,
          %parallel_loop3A_442 = arith.constant 3072 : i32
          %parallel_loop3A_443 = arith.addi %parallel_loop3A_127, %parallel_loop3A_442 : i32
          %parallel_loop3A_444 = arith.constant 112 : i32
          %parallel_loop3A_445 = arith.addi %parallel_loop3A_443, %parallel_loop3A_444 : i32
          %parallel_loop3A_446 = arith.index_cast %parallel_loop3A_445 : i32 to index
          %parallel_loop3A_447 = tpu.vector_load %arg9[%parallel_loop3A_446] {strides = array<i32>} : memref<32768xf32, #tpu.memory_space<vmem>>, vector<16xf32>,
          tpu.vector_store %arg9[%parallel_loop3A_446], %parallel_loop3A_441 {strides = array<i32>} : memref<32768xf32, #tpu.memory_space<vmem>>, vector<16xf32>,
        } {sc.loop_unroll_factor = 4 : i64, sc.parallel_access}
        %mul3A_65 = arith.constant 512 : i32
        %mul3A_66 = arith.muli %add3A_56, %mul3A_65 : i32
        %dma_start3A_67 = tpu.memref_slice %arg4[%mul3A_66] : memref<1677721600xf32, #tpu.memory_space<hbm>> -> memref<32768xf32, #tpu.memory_space<hbm>>
        %dma_start3A_68 = tpu.memref_slice %arg4[%mul3A_66] : memref<1677721600xf32, #tpu.memory_space<hbm>> -> memref<32768xf32, #tpu.memory_space<hbm>>
        tpu.enqueue_dma source(%arg9 : memref<32768xf32, #tpu.memory_space<vmem>>) target(%dma_start3A_68 : memref<32768xf32, #tpu.memory_space<hbm>>) target_semaphore(%arg11 : memref<!tpu.dma_semaphore, #tpu.memory_space<semaphore_mem>>)
        %add3A_69 = arith.constant 2 : i32
        %add3A_70 = arith.addi %scan3A_20, %add3A_69 : i32
        %lt3A_71 = arith.constant 1600 : i32
        %lt3A_72 = arith.cmpi slt, %add3A_70, %lt3A_71 : i32
        %convert_element_type3A_73 = arith.extui %lt3A_72 : i1 to i32
        %cond3A_74 = arith.constant 0 : i32
        %cond3A_75 = arith.cmpi ne, %convert_element_type3A_73, %cond3A_74 : i32
        scf.if %cond3A_75 {
          %add3A_76 = arith.constant 128 : i32
          %add3A_77 = arith.addi %add3A_56, %add3A_76 : i32
          %dma_start3A_78 = tpu.memref_slice %arg2[%add3A_77] : memref<3276800xi32, #tpu.memory_space<hbm>> -> memref<64xi32, #tpu.memory_space<hbm>>
          %dma_start3A_79 = tpu.memref_slice %arg2[%add3A_77] : memref<3276800xi32, #tpu.memory_space<hbm>> -> memref<64xi32, #tpu.memory_space<hbm>>
          tpu.enqueue_dma source(%dma_start3A_79 : memref<64xi32, #tpu.memory_space<hbm>>) target(%arg6 : memref<64xi32, #tpu.memory_space<vmem>>) target_semaphore(%arg13 : memref<!tpu.dma_semaphore, #tpu.memory_space<semaphore_mem>>)
        } else {
        }
      } else {
      }
    }
    %scan3A_12 = arith.constant 1600 : i32
    %mul3A_13 = arith.constant 512 : i32
    %mul3A_14 = arith.muli %mul3A_2, %mul3A_13 : i32
    %dma_wait3A = tpu.memref_slice %arg4[%mul3A_14] : memref<1677721600xf32, #tpu.memory_space<hbm>> -> memref<32768xf32, #tpu.memory_space<hbm>>
    %dma_wait3A_15 = tpu.memref_slice %arg4[%mul3A_14] : memref<1677721600xf32, #tpu.memory_space<hbm>> -> memref<32768xf32, #tpu.memory_space<hbm>>
    tpu.wait_dma2 semaphore(%arg10 : memref<!tpu.dma_semaphore, #tpu.memory_space<semaphore_mem>>) src(%arg8 : memref<32768xf32, #tpu.memory_space<vmem>>) dst(%dma_wait3A_15 : memref<32768xf32, #tpu.memory_space<hbm>>)
    %mul3A_16 = arith.constant 512 : i32
    %mul3A_17 = arith.muli %mul3A_2, %mul3A_16 : i32
    %dma_wait3A_18 = tpu.memref_slice %arg4[%mul3A_17] : memref<1677721600xf32, #tpu.memory_space<hbm>> -> memref<32768xf32, #tpu.memory_space<hbm>>
    %dma_wait3A_19 = tpu.memref_slice %arg4[%mul3A_17] : memref<1677721600xf32, #tpu.memory_space<hbm>> -> memref<32768xf32, #tpu.memory_space<hbm>>
    tpu.wait_dma2 semaphore(%arg11 : memref<!tpu.dma_semaphore, #tpu.memory_space<semaphore_mem>>) src(%arg9 : memref<32768xf32, #tpu.memory_space<vmem>>) dst(%dma_wait3A_19 : memref<32768xf32, #tpu.memory_space<hbm>>)
    return
  }
}

module attributes {stable_mosaic.version = 14 : i64} {
  func.func @body(%arg0: memref<4x128xf32, #tpu.memory_space<vmem>>, %arg1: memref<6x128xf32, #tpu.memory_space<vmem>>, %arg2: memref<2x128xf32, #tpu.memory_space<vmem>>, %arg3: memref<2x128xf32, #tpu.memory_space<vmem>>, %arg4: memref<96x512xf32, #tpu.memory_space<vmem>>) attributes {dimension_semantics = [], scalar_prefetch = 0 : i64, scratch_operands = 0 : i64, tpu.core_type = #tpu.core_type<tc>} {
    %iota3A = tpu.iota {dimensions = array<i32: 0>} : vector<96x1xi32>
    %jit3A = arith.constant 24 : i32
    %div3A = vector.broadcast %jit3A : i32 to vector<96x1xi32>
    %div3A_0 = arith.divsi %iota3A, %div3A : vector<96x1xi32>
    %sign3A = arith.constant 0 : i32
    %sign3A_1 = vector.broadcast %sign3A : i32 to vector<96x1xi32>
    %sign3A_2 = arith.cmpi sgt, %iota3A, %sign3A_1 : vector<96x1xi32>
    %sign3A_3 = arith.extui %sign3A_2 : vector<96x1xi1> to vector<96x1xi32>
    %sign3A_4 = arith.constant 0 : i32
    %sign3A_5 = vector.broadcast %sign3A_4 : i32 to vector<96x1xi32>
    %sign3A_6 = arith.cmpi slt, %iota3A, %sign3A_5 : vector<96x1xi32>
    %sign3A_7 = arith.extui %sign3A_6 : vector<96x1xi1> to vector<96x1xi32>
    %sign3A_8 = arith.subi %sign3A_3, %sign3A_7 : vector<96x1xi32>
    %sign3A_9 = arith.constant 0 : i32
    %sign3A_10 = arith.cmpi sgt, %jit3A, %sign3A_9 : i32
    %sign3A_11 = arith.extui %sign3A_10 : i1 to i32
    %sign3A_12 = arith.constant 0 : i32
    %sign3A_13 = arith.cmpi slt, %jit3A, %sign3A_12 : i32
    %sign3A_14 = arith.extui %sign3A_13 : i1 to i32
    %sign3A_15 = arith.subi %sign3A_11, %sign3A_14 : i32
    %ne3A = vector.broadcast %sign3A_15 : i32 to vector<96x1xi32>
    %ne3A_16 = arith.cmpi ne, %sign3A_8, %ne3A : vector<96x1xi32>
    %rem3A = vector.broadcast %jit3A : i32 to vector<96x1xi32>
    %rem3A_17 = arith.remsi %iota3A, %rem3A : vector<96x1xi32>
    %ne3A_18 = arith.constant 0 : i32
    %ne3A_19 = vector.broadcast %ne3A_18 : i32 to vector<96x1xi32>
    %ne3A_20 = arith.cmpi ne, %rem3A_17, %ne3A_19 : vector<96x1xi32>
    %and3A = arith.andi %ne3A_16, %ne3A_20 : vector<96x1xi1>
    %sub3A = arith.constant 1 : i32
    %sub3A_21 = vector.broadcast %sub3A : i32 to vector<96x1xi32>
    %sub3A_22 = arith.subi %div3A_0, %sub3A_21 : vector<96x1xi32>
    %select_n3A = arith.select %and3A, %sub3A_22, %div3A_0 : vector<96x1xi1>, vector<96x1xi32>
    %jit3A_23 = arith.constant 12 : i32
    %div3A_24 = vector.broadcast %jit3A_23 : i32 to vector<96x1xi32>
    %div3A_25 = arith.divsi %iota3A, %div3A_24 : vector<96x1xi32>
    %sign3A_26 = arith.constant 0 : i32
    %sign3A_27 = vector.broadcast %sign3A_26 : i32 to vector<96x1xi32>
    %sign3A_28 = arith.cmpi sgt, %iota3A, %sign3A_27 : vector<96x1xi32>
    %sign3A_29 = arith.extui %sign3A_28 : vector<96x1xi1> to vector<96x1xi32>
    %sign3A_30 = arith.constant 0 : i32
    %sign3A_31 = vector.broadcast %sign3A_30 : i32 to vector<96x1xi32>
    %sign3A_32 = arith.cmpi slt, %iota3A, %sign3A_31 : vector<96x1xi32>
    %sign3A_33 = arith.extui %sign3A_32 : vector<96x1xi1> to vector<96x1xi32>
    %sign3A_34 = arith.subi %sign3A_29, %sign3A_33 : vector<96x1xi32>
    %sign3A_35 = arith.constant 0 : i32
    %sign3A_36 = arith.cmpi sgt, %jit3A_23, %sign3A_35 : i32
    %sign3A_37 = arith.extui %sign3A_36 : i1 to i32
    %sign3A_38 = arith.constant 0 : i32
    %sign3A_39 = arith.cmpi slt, %jit3A_23, %sign3A_38 : i32
    %sign3A_40 = arith.extui %sign3A_39 : i1 to i32
    %sign3A_41 = arith.subi %sign3A_37, %sign3A_40 : i32
    %ne3A_42 = vector.broadcast %sign3A_41 : i32 to vector<96x1xi32>
    %ne3A_43 = arith.cmpi ne, %sign3A_34, %ne3A_42 : vector<96x1xi32>
    %rem3A_44 = vector.broadcast %jit3A_23 : i32 to vector<96x1xi32>
    %rem3A_45 = arith.remsi %iota3A, %rem3A_44 : vector<96x1xi32>
    %ne3A_46 = arith.constant 0 : i32
    %ne3A_47 = vector.broadcast %ne3A_46 : i32 to vector<96x1xi32>
    %ne3A_48 = arith.cmpi ne, %rem3A_45, %ne3A_47 : vector<96x1xi32>
    %and3A_49 = arith.andi %ne3A_43, %ne3A_48 : vector<96x1xi1>
    %sub3A_50 = arith.constant 1 : i32
    %sub3A_51 = vector.broadcast %sub3A_50 : i32 to vector<96x1xi32>
    %sub3A_52 = arith.subi %div3A_25, %sub3A_51 : vector<96x1xi32>
    %select_n3A_53 = arith.select %and3A_49, %sub3A_52, %div3A_25 : vector<96x1xi1>, vector<96x1xi32>
    %jit3A_54 = arith.constant 2 : i32
    %eq3A = arith.constant 0 : i32
    %eq3A_55 = arith.cmpi eq, %jit3A_54, %eq3A : i32
    %jit3A_56 = arith.constant 1 : i32
    %select_n3A_57 = arith.select %eq3A_55, %jit3A_56, %jit3A_54 : i32
    %rem3A_58 = vector.broadcast %select_n3A_57 : i32 to vector<96x1xi32>
    %rem3A_59 = arith.remsi %select_n3A_53, %rem3A_58 : vector<96x1xi32>
    %ne3A_60 = arith.constant 0 : i32
    %ne3A_61 = vector.broadcast %ne3A_60 : i32 to vector<96x1xi32>
    %ne3A_62 = arith.cmpi ne, %rem3A_59, %ne3A_61 : vector<96x1xi32>
    %lt3A = arith.constant 0 : i32
    %lt3A_63 = vector.broadcast %lt3A : i32 to vector<96x1xi32>
    %lt3A_64 = arith.cmpi slt, %rem3A_59, %lt3A_63 : vector<96x1xi32>
    %lt3A_65 = arith.constant 0 : i32
    %lt3A_66 = arith.cmpi slt, %select_n3A_57, %lt3A_65 : i32
    %ne3A_67 = vector.broadcast %lt3A_66 : i1 to vector<96x1xi1>
    %ne3A_68 = vector.broadcast %ne3A_67 : vector<96x1xi1> to vector<96x1xi1>
    %ne3A_69 = arith.xori %lt3A_64, %ne3A_68 : vector<96x1xi1>
    %and3A_70 = arith.andi %ne3A_69, %ne3A_62 : vector<96x1xi1>
    %add3A = vector.broadcast %select_n3A_57 : i32 to vector<96x1xi32>
    %add3A_71 = arith.addi %rem3A_59, %add3A : vector<96x1xi32>
    %select_n3A_72 = arith.select %and3A_70, %add3A_71, %rem3A_59 : vector<96x1xi1>, vector<96x1xi32>
    %jit3A_73 = arith.constant 6 : i32
    %div3A_74 = vector.broadcast %jit3A_73 : i32 to vector<96x1xi32>
    %div3A_75 = arith.divsi %iota3A, %div3A_74 : vector<96x1xi32>
    %sign3A_76 = arith.constant 0 : i32
    %sign3A_77 = vector.broadcast %sign3A_76 : i32 to vector<96x1xi32>
    %sign3A_78 = arith.cmpi sgt, %iota3A, %sign3A_77 : vector<96x1xi32>
    %sign3A_79 = arith.extui %sign3A_78 : vector<96x1xi1> to vector<96x1xi32>
    %sign3A_80 = arith.constant 0 : i32
    %sign3A_81 = vector.broadcast %sign3A_80 : i32 to vector<96x1xi32>
    %sign3A_82 = arith.cmpi slt, %iota3A, %sign3A_81 : vector<96x1xi32>
    %sign3A_83 = arith.extui %sign3A_82 : vector<96x1xi1> to vector<96x1xi32>
    %sign3A_84 = arith.subi %sign3A_79, %sign3A_83 : vector<96x1xi32>
    %sign3A_85 = arith.constant 0 : i32
    %sign3A_86 = arith.cmpi sgt, %jit3A_73, %sign3A_85 : i32
    %sign3A_87 = arith.extui %sign3A_86 : i1 to i32
    %sign3A_88 = arith.constant 0 : i32
    %sign3A_89 = arith.cmpi slt, %jit3A_73, %sign3A_88 : i32
    %sign3A_90 = arith.extui %sign3A_89 : i1 to i32
    %sign3A_91 = arith.subi %sign3A_87, %sign3A_90 : i32
    %ne3A_92 = vector.broadcast %sign3A_91 : i32 to vector<96x1xi32>
    %ne3A_93 = arith.cmpi ne, %sign3A_84, %ne3A_92 : vector<96x1xi32>
    %rem3A_94 = vector.broadcast %jit3A_73 : i32 to vector<96x1xi32>
    %rem3A_95 = arith.remsi %iota3A, %rem3A_94 : vector<96x1xi32>
    %ne3A_96 = arith.constant 0 : i32
    %ne3A_97 = vector.broadcast %ne3A_96 : i32 to vector<96x1xi32>
    %ne3A_98 = arith.cmpi ne, %rem3A_95, %ne3A_97 : vector<96x1xi32>
    %and3A_99 = arith.andi %ne3A_93, %ne3A_98 : vector<96x1xi1>
    %sub3A_100 = arith.constant 1 : i32
    %sub3A_101 = vector.broadcast %sub3A_100 : i32 to vector<96x1xi32>
    %sub3A_102 = arith.subi %div3A_75, %sub3A_101 : vector<96x1xi32>
    %select_n3A_103 = arith.select %and3A_99, %sub3A_102, %div3A_75 : vector<96x1xi1>, vector<96x1xi32>
    %jit3A_104 = arith.constant 2 : i32
    %eq3A_105 = arith.constant 0 : i32
    %eq3A_106 = arith.cmpi eq, %jit3A_104, %eq3A_105 : i32
    %jit3A_107 = arith.constant 1 : i32
    %select_n3A_108 = arith.select %eq3A_106, %jit3A_107, %jit3A_104 : i32
    %rem3A_109 = vector.broadcast %select_n3A_108 : i32 to vector<96x1xi32>
    %rem3A_110 = arith.remsi %select_n3A_103, %rem3A_109 : vector<96x1xi32>
    %ne3A_111 = arith.constant 0 : i32
    %ne3A_112 = vector.broadcast %ne3A_111 : i32 to vector<96x1xi32>
    %ne3A_113 = arith.cmpi ne, %rem3A_110, %ne3A_112 : vector<96x1xi32>
    %lt3A_114 = arith.constant 0 : i32
    %lt3A_115 = vector.broadcast %lt3A_114 : i32 to vector<96x1xi32>
    %lt3A_116 = arith.cmpi slt, %rem3A_110, %lt3A_115 : vector<96x1xi32>
    %lt3A_117 = arith.constant 0 : i32
    %lt3A_118 = arith.cmpi slt, %select_n3A_108, %lt3A_117 : i32
    %ne3A_119 = vector.broadcast %lt3A_118 : i1 to vector<96x1xi1>
    %ne3A_120 = vector.broadcast %ne3A_119 : vector<96x1xi1> to vector<96x1xi1>
    %ne3A_121 = arith.xori %lt3A_116, %ne3A_120 : vector<96x1xi1>
    %and3A_122 = arith.andi %ne3A_121, %ne3A_113 : vector<96x1xi1>
    %add3A_123 = vector.broadcast %select_n3A_108 : i32 to vector<96x1xi32>
    %add3A_124 = arith.addi %rem3A_110, %add3A_123 : vector<96x1xi32>
    %select_n3A_125 = arith.select %and3A_122, %add3A_124, %rem3A_110 : vector<96x1xi1>, vector<96x1xi32>
    %jit3A_126 = arith.constant 6 : i32
    %eq3A_127 = arith.constant 0 : i32
    %eq3A_128 = arith.cmpi eq, %jit3A_126, %eq3A_127 : i32
    %jit3A_129 = arith.constant 1 : i32
    %select_n3A_130 = arith.select %eq3A_128, %jit3A_129, %jit3A_126 : i32
    %rem3A_131 = vector.broadcast %select_n3A_130 : i32 to vector<96x1xi32>
    %rem3A_132 = arith.remsi %iota3A, %rem3A_131 : vector<96x1xi32>
    %ne3A_133 = arith.constant 0 : i32
    %ne3A_134 = vector.broadcast %ne3A_133 : i32 to vector<96x1xi32>
    %ne3A_135 = arith.cmpi ne, %rem3A_132, %ne3A_134 : vector<96x1xi32>
    %lt3A_136 = arith.constant 0 : i32
    %lt3A_137 = vector.broadcast %lt3A_136 : i32 to vector<96x1xi32>
    %lt3A_138 = arith.cmpi slt, %rem3A_132, %lt3A_137 : vector<96x1xi32>
    %lt3A_139 = arith.constant 0 : i32
    %lt3A_140 = arith.cmpi slt, %select_n3A_130, %lt3A_139 : i32
    %ne3A_141 = vector.broadcast %lt3A_140 : i1 to vector<96x1xi1>
    %ne3A_142 = vector.broadcast %ne3A_141 : vector<96x1xi1> to vector<96x1xi1>
    %ne3A_143 = arith.xori %lt3A_138, %ne3A_142 : vector<96x1xi1>
    %and3A_144 = arith.andi %ne3A_143, %ne3A_135 : vector<96x1xi1>
    %add3A_145 = vector.broadcast %select_n3A_130 : i32 to vector<96x1xi32>
    %add3A_146 = arith.addi %rem3A_132, %add3A_145 : vector<96x1xi32>
    %select_n3A_147 = arith.select %and3A_144, %add3A_146, %rem3A_132 : vector<96x1xi1>, vector<96x1xi32>
    %get3A = arith.constant 3 : index
    %get3A_148 = arith.constant 0 : index
    %get3A_149 = vector.load %arg0[%get3A, %get3A_148] : memref<4x128xf32, #tpu.memory_space<vmem>>, vector<1x128xf32>
    %broadcast_in_dim3A = vector.shape_cast %get3A_149 : vector<1x128xf32> to vector<1x128xf32>
    %broadcast_in_dim3A_150 = vector.broadcast %broadcast_in_dim3A : vector<1x128xf32> to vector<96x128xf32>
    %get3A_151 = arith.constant 2 : index
    %get3A_152 = arith.constant 0 : index
    %get3A_153 = vector.load %arg0[%get3A_151, %get3A_152] : memref<4x128xf32, #tpu.memory_space<vmem>>, vector<1x128xf32>
    %broadcast_in_dim3A_154 = vector.shape_cast %get3A_153 : vector<1x128xf32> to vector<1x128xf32>
    %broadcast_in_dim3A_155 = vector.broadcast %broadcast_in_dim3A_154 : vector<1x128xf32> to vector<96x128xf32>
    %eq3A_156 = arith.constant 2 : i32
    %eq3A_157 = vector.broadcast %eq3A_156 : i32 to vector<96x1xi32>
    %eq3A_158 = arith.cmpi eq, %select_n3A, %eq3A_157 : vector<96x1xi32>
    %broadcast_in_dim3A_159 = vector.shape_cast %eq3A_158 : vector<96x1xi1> to vector<96x1xi1>
    %broadcast_in_dim3A_160 = vector.broadcast %broadcast_in_dim3A_159 : vector<96x1xi1> to vector<96x128xi1>
    %select_n3A_161 = arith.select %broadcast_in_dim3A_160, %broadcast_in_dim3A_155, %broadcast_in_dim3A_150 : vector<96x128xi1>, vector<96x128xf32>
    %get3A_162 = arith.constant 1 : index
    %get3A_163 = arith.constant 0 : index
    %get3A_164 = vector.load %arg0[%get3A_162, %get3A_163] : memref<4x128xf32, #tpu.memory_space<vmem>>, vector<1x128xf32>
    %broadcast_in_dim3A_165 = vector.shape_cast %get3A_164 : vector<1x128xf32> to vector<1x128xf32>
    %broadcast_in_dim3A_166 = vector.broadcast %broadcast_in_dim3A_165 : vector<1x128xf32> to vector<96x128xf32>
    %eq3A_167 = arith.constant 1 : i32
    %eq3A_168 = vector.broadcast %eq3A_167 : i32 to vector<96x1xi32>
    %eq3A_169 = arith.cmpi eq, %select_n3A, %eq3A_168 : vector<96x1xi32>
    %broadcast_in_dim3A_170 = vector.shape_cast %eq3A_169 : vector<96x1xi1> to vector<96x1xi1>
    %broadcast_in_dim3A_171 = vector.broadcast %broadcast_in_dim3A_170 : vector<96x1xi1> to vector<96x128xi1>
    %select_n3A_172 = arith.select %broadcast_in_dim3A_171, %broadcast_in_dim3A_166, %select_n3A_161 : vector<96x128xi1>, vector<96x128xf32>
    %get3A_173 = arith.constant 0 : index
    %get3A_174 = arith.constant 0 : index
    %get3A_175 = vector.load %arg0[%get3A_173, %get3A_174] : memref<4x128xf32, #tpu.memory_space<vmem>>, vector<1x128xf32>
    %broadcast_in_dim3A_176 = vector.shape_cast %get3A_175 : vector<1x128xf32> to vector<1x128xf32>
    %broadcast_in_dim3A_177 = vector.broadcast %broadcast_in_dim3A_176 : vector<1x128xf32> to vector<96x128xf32>
    %eq3A_178 = arith.constant 0 : i32
    %eq3A_179 = vector.broadcast %eq3A_178 : i32 to vector<96x1xi32>
    %eq3A_180 = arith.cmpi eq, %select_n3A, %eq3A_179 : vector<96x1xi32>
    %broadcast_in_dim3A_181 = vector.shape_cast %eq3A_180 : vector<96x1xi1> to vector<96x1xi1>
    %broadcast_in_dim3A_182 = vector.broadcast %broadcast_in_dim3A_181 : vector<96x1xi1> to vector<96x128xi1>
    %select_n3A_183 = arith.select %broadcast_in_dim3A_182, %broadcast_in_dim3A_177, %select_n3A_172 : vector<96x128xi1>, vector<96x128xf32>
    %swap3A = arith.constant 0 : index
    %swap3A_184 = arith.constant 0 : index
    %swap3A_185 = vector.load %arg4[%swap3A, %swap3A_184] : memref<96x512xf32, #tpu.memory_space<vmem>>, vector<96x128xf32>
    tpu.vector_store %arg4[%swap3A, %swap3A_184], %select_n3A_183 {strides = array<i32>} : memref<96x512xf32, #tpu.memory_space<vmem>>, vector<96x128xf32>,
    %get3A_186 = arith.constant 1 : index
    %get3A_187 = arith.constant 0 : index
    %get3A_188 = vector.load %arg2[%get3A_186, %get3A_187] : memref<2x128xf32, #tpu.memory_space<vmem>>, vector<1x128xf32>
    %broadcast_in_dim3A_189 = vector.shape_cast %get3A_188 : vector<1x128xf32> to vector<1x128xf32>
    %broadcast_in_dim3A_190 = vector.broadcast %broadcast_in_dim3A_189 : vector<1x128xf32> to vector<96x128xf32>
    %get3A_191 = arith.constant 0 : index
    %get3A_192 = arith.constant 0 : index
    %get3A_193 = vector.load %arg2[%get3A_191, %get3A_192] : memref<2x128xf32, #tpu.memory_space<vmem>>, vector<1x128xf32>
    %broadcast_in_dim3A_194 = vector.shape_cast %get3A_193 : vector<1x128xf32> to vector<1x128xf32>
    %broadcast_in_dim3A_195 = vector.broadcast %broadcast_in_dim3A_194 : vector<1x128xf32> to vector<96x128xf32>
    %eq3A_196 = arith.constant 0 : i32
    %eq3A_197 = vector.broadcast %eq3A_196 : i32 to vector<96x1xi32>
    %eq3A_198 = arith.cmpi eq, %select_n3A_72, %eq3A_197 : vector<96x1xi32>
    %broadcast_in_dim3A_199 = vector.shape_cast %eq3A_198 : vector<96x1xi1> to vector<96x1xi1>
    %broadcast_in_dim3A_200 = vector.broadcast %broadcast_in_dim3A_199 : vector<96x1xi1> to vector<96x128xi1>
    %select_n3A_201 = arith.select %broadcast_in_dim3A_200, %broadcast_in_dim3A_195, %broadcast_in_dim3A_190 : vector<96x128xi1>, vector<96x128xf32>
    %get3A_202 = arith.constant 0 : index
    %get3A_203 = arith.constant 0 : index
    %get3A_204 = vector.load %arg3[%get3A_202, %get3A_203] : memref<2x128xf32, #tpu.memory_space<vmem>>, vector<1x128xf32>
    %add3A_205 = vector.broadcast %get3A_204 : vector<1x128xf32> to vector<96x128xf32>
    %add3A_206 = arith.addf %select_n3A_201, %add3A_205 : vector<96x128xf32>
    %swap3A_207 = arith.constant 0 : index
    %swap3A_208 = arith.constant 128 : index
    %swap3A_209 = vector.load %arg4[%swap3A_207, %swap3A_208] : memref<96x512xf32, #tpu.memory_space<vmem>>, vector<96x128xf32>
    tpu.vector_store %arg4[%swap3A_207, %swap3A_208], %add3A_206 {strides = array<i32>} : memref<96x512xf32, #tpu.memory_space<vmem>>, vector<96x128xf32>,
    %get3A_210 = arith.constant 1 : index
    %get3A_211 = arith.constant 0 : index
    %get3A_212 = vector.load %arg2[%get3A_210, %get3A_211] : memref<2x128xf32, #tpu.memory_space<vmem>>, vector<1x128xf32>
    %broadcast_in_dim3A_213 = vector.shape_cast %get3A_212 : vector<1x128xf32> to vector<1x128xf32>
    %broadcast_in_dim3A_214 = vector.broadcast %broadcast_in_dim3A_213 : vector<1x128xf32> to vector<96x128xf32>
    %get3A_215 = arith.constant 0 : index
    %get3A_216 = arith.constant 0 : index
    %get3A_217 = vector.load %arg2[%get3A_215, %get3A_216] : memref<2x128xf32, #tpu.memory_space<vmem>>, vector<1x128xf32>
    %broadcast_in_dim3A_218 = vector.shape_cast %get3A_217 : vector<1x128xf32> to vector<1x128xf32>
    %broadcast_in_dim3A_219 = vector.broadcast %broadcast_in_dim3A_218 : vector<1x128xf32> to vector<96x128xf32>
    %eq3A_220 = arith.constant 0 : i32
    %eq3A_221 = vector.broadcast %eq3A_220 : i32 to vector<96x1xi32>
    %eq3A_222 = arith.cmpi eq, %select_n3A_125, %eq3A_221 : vector<96x1xi32>
    %broadcast_in_dim3A_223 = vector.shape_cast %eq3A_222 : vector<96x1xi1> to vector<96x1xi1>
    %broadcast_in_dim3A_224 = vector.broadcast %broadcast_in_dim3A_223 : vector<96x1xi1> to vector<96x128xi1>
    %select_n3A_225 = arith.select %broadcast_in_dim3A_224, %broadcast_in_dim3A_219, %broadcast_in_dim3A_214 : vector<96x128xi1>, vector<96x128xf32>
    %get3A_226 = arith.constant 1 : index
    %get3A_227 = arith.constant 0 : index
    %get3A_228 = vector.load %arg3[%get3A_226, %get3A_227] : memref<2x128xf32, #tpu.memory_space<vmem>>, vector<1x128xf32>
    %add3A_229 = vector.broadcast %get3A_228 : vector<1x128xf32> to vector<96x128xf32>
    %add3A_230 = arith.addf %select_n3A_225, %add3A_229 : vector<96x128xf32>
    %swap3A_231 = arith.constant 0 : index
    %swap3A_232 = arith.constant 256 : index
    %swap3A_233 = vector.load %arg4[%swap3A_231, %swap3A_232] : memref<96x512xf32, #tpu.memory_space<vmem>>, vector<96x128xf32>
    tpu.vector_store %arg4[%swap3A_231, %swap3A_232], %add3A_230 {strides = array<i32>} : memref<96x512xf32, #tpu.memory_space<vmem>>, vector<96x128xf32>,
    %get3A_234 = arith.constant 5 : index
    %get3A_235 = arith.constant 0 : index
    %get3A_236 = vector.load %arg1[%get3A_234, %get3A_235] : memref<6x128xf32, #tpu.memory_space<vmem>>, vector<1x128xf32>
    %broadcast_in_dim3A_237 = vector.shape_cast %get3A_236 : vector<1x128xf32> to vector<1x128xf32>
    %broadcast_in_dim3A_238 = vector.broadcast %broadcast_in_dim3A_237 : vector<1x128xf32> to vector<96x128xf32>
    %get3A_239 = arith.constant 4 : index
    %get3A_240 = arith.constant 0 : index
    %get3A_241 = vector.load %arg1[%get3A_239, %get3A_240] : memref<6x128xf32, #tpu.memory_space<vmem>>, vector<1x128xf32>
    %broadcast_in_dim3A_242 = vector.shape_cast %get3A_241 : vector<1x128xf32> to vector<1x128xf32>
    %broadcast_in_dim3A_243 = vector.broadcast %broadcast_in_dim3A_242 : vector<1x128xf32> to vector<96x128xf32>
    %eq3A_244 = arith.constant 4 : i32
    %eq3A_245 = vector.broadcast %eq3A_244 : i32 to vector<96x1xi32>
    %eq3A_246 = arith.cmpi eq, %select_n3A_147, %eq3A_245 : vector<96x1xi32>
    %broadcast_in_dim3A_247 = vector.shape_cast %eq3A_246 : vector<96x1xi1> to vector<96x1xi1>
    %broadcast_in_dim3A_248 = vector.broadcast %broadcast_in_dim3A_247 : vector<96x1xi1> to vector<96x128xi1>
    %select_n3A_249 = arith.select %broadcast_in_dim3A_248, %broadcast_in_dim3A_243, %broadcast_in_dim3A_238 : vector<96x128xi1>, vector<96x128xf32>
    %get3A_250 = arith.constant 3 : index
    %get3A_251 = arith.constant 0 : index
    %get3A_252 = vector.load %arg1[%get3A_250, %get3A_251] : memref<6x128xf32, #tpu.memory_space<vmem>>, vector<1x128xf32>
    %broadcast_in_dim3A_253 = vector.shape_cast %get3A_252 : vector<1x128xf32> to vector<1x128xf32>
    %broadcast_in_dim3A_254 = vector.broadcast %broadcast_in_dim3A_253 : vector<1x128xf32> to vector<96x128xf32>
    %eq3A_255 = arith.constant 3 : i32
    %eq3A_256 = vector.broadcast %eq3A_255 : i32 to vector<96x1xi32>
    %eq3A_257 = arith.cmpi eq, %select_n3A_147, %eq3A_256 : vector<96x1xi32>
    %broadcast_in_dim3A_258 = vector.shape_cast %eq3A_257 : vector<96x1xi1> to vector<96x1xi1>
    %broadcast_in_dim3A_259 = vector.broadcast %broadcast_in_dim3A_258 : vector<96x1xi1> to vector<96x128xi1>
    %select_n3A_260 = arith.select %broadcast_in_dim3A_259, %broadcast_in_dim3A_254, %select_n3A_249 : vector<96x128xi1>, vector<96x128xf32>
    %get3A_261 = arith.constant 2 : index
    %get3A_262 = arith.constant 0 : index
    %get3A_263 = vector.load %arg1[%get3A_261, %get3A_262] : memref<6x128xf32, #tpu.memory_space<vmem>>, vector<1x128xf32>
    %broadcast_in_dim3A_264 = vector.shape_cast %get3A_263 : vector<1x128xf32> to vector<1x128xf32>
    %broadcast_in_dim3A_265 = vector.broadcast %broadcast_in_dim3A_264 : vector<1x128xf32> to vector<96x128xf32>
    %eq3A_266 = arith.constant 2 : i32
    %eq3A_267 = vector.broadcast %eq3A_266 : i32 to vector<96x1xi32>
    %eq3A_268 = arith.cmpi eq, %select_n3A_147, %eq3A_267 : vector<96x1xi32>
    %broadcast_in_dim3A_269 = vector.shape_cast %eq3A_268 : vector<96x1xi1> to vector<96x1xi1>
    %broadcast_in_dim3A_270 = vector.broadcast %broadcast_in_dim3A_269 : vector<96x1xi1> to vector<96x128xi1>
    %select_n3A_271 = arith.select %broadcast_in_dim3A_270, %broadcast_in_dim3A_265, %select_n3A_260 : vector<96x128xi1>, vector<96x128xf32>
    %get3A_272 = arith.constant 1 : index
    %get3A_273 = arith.constant 0 : index
    %get3A_274 = vector.load %arg1[%get3A_272, %get3A_273] : memref<6x128xf32, #tpu.memory_space<vmem>>, vector<1x128xf32>
    %broadcast_in_dim3A_275 = vector.shape_cast %get3A_274 : vector<1x128xf32> to vector<1x128xf32>
    %broadcast_in_dim3A_276 = vector.broadcast %broadcast_in_dim3A_275 : vector<1x128xf32> to vector<96x128xf32>
    %eq3A_277 = arith.constant 1 : i32
    %eq3A_278 = vector.broadcast %eq3A_277 : i32 to vector<96x1xi32>
    %eq3A_279 = arith.cmpi eq, %select_n3A_147, %eq3A_278 : vector<96x1xi32>
    %broadcast_in_dim3A_280 = vector.shape_cast %eq3A_279 : vector<96x1xi1> to vector<96x1xi1>
    %broadcast_in_dim3A_281 = vector.broadcast %broadcast_in_dim3A_280 : vector<96x1xi1> to vector<96x128xi1>
    %select_n3A_282 = arith.select %broadcast_in_dim3A_281, %broadcast_in_dim3A_276, %select_n3A_271 : vector<96x128xi1>, vector<96x128xf32>
    %get3A_283 = arith.constant 0 : index
    %get3A_284 = arith.constant 0 : index
    %get3A_285 = vector.load %arg1[%get3A_283, %get3A_284] : memref<6x128xf32, #tpu.memory_space<vmem>>, vector<1x128xf32>
    %broadcast_in_dim3A_286 = vector.shape_cast %get3A_285 : vector<1x128xf32> to vector<1x128xf32>
    %broadcast_in_dim3A_287 = vector.broadcast %broadcast_in_dim3A_286 : vector<1x128xf32> to vector<96x128xf32>
    %eq3A_288 = arith.constant 0 : i32
    %eq3A_289 = vector.broadcast %eq3A_288 : i32 to vector<96x1xi32>
    %eq3A_290 = arith.cmpi eq, %select_n3A_147, %eq3A_289 : vector<96x1xi32>
    %broadcast_in_dim3A_291 = vector.shape_cast %eq3A_290 : vector<96x1xi1> to vector<96x1xi1>
    %broadcast_in_dim3A_292 = vector.broadcast %broadcast_in_dim3A_291 : vector<96x1xi1> to vector<96x128xi1>
    %select_n3A_293 = arith.select %broadcast_in_dim3A_292, %broadcast_in_dim3A_287, %select_n3A_282 : vector<96x128xi1>, vector<96x128xf32>
    %swap3A_294 = arith.constant 0 : index
    %swap3A_295 = arith.constant 384 : index
    %swap3A_296 = vector.load %arg4[%swap3A_294, %swap3A_295] : memref<96x512xf32, #tpu.memory_space<vmem>>, vector<96x128xf32>
    tpu.vector_store %arg4[%swap3A_294, %swap3A_295], %select_n3A_293 {strides = array<i32>} : memref<96x512xf32, #tpu.memory_space<vmem>>, vector<96x128xf32>,
    return
  }
}

</mosaic_0001>

<sc_bundles>
// kernel: kernel.4.cloned.1.call-start
scs
__scs_entry_jumppad:
0x0: {  	(pc) =	sbr.rel $0x88, $3  }
0x1: {  	(tag) =	ssettag $0x0;
	lr =	simm.s32 $0x1  }
0x2: {  	[smem:$0x3F9C] =	sst lr;
	_ =	strace $0xD0000000  }
0x3: {  	_ = 	snop  }
0x4: {  	_ = 	snop  }
0x5: {  	_ = 	snop  }
0x6: {  	_ = 	snop  }
0x7: {  	_ = 	snop  }
__scs_overlays_trampoline_lowered:
0x8: {  	[smem:$0x3FAB] =	sst s0  }
0x9: {  	[smem:$0x3FAC] =	sst s1  }
0xa: {  	[smem:$0x3FAD] =	sst s2  }
0xb: {  	[smem:$0x3FAE] =	sst s3  }
0xc: {  	[smem:$0x3FAF] =	sst s4  }
0xd: {  	[smem:$0x3FB0] =	sst s5  }
0xe: {  	[smem:$0x3FB1] =	sst s6  }
0xf: {  	[smem:$0x3FB2] =	sst s7  }
0x10: {  	[smem:$0x3FB3] =	sst s8  }
0x11: {  	[smem:$0x3FB4] =	sst s9;
	s0 =	simm.s32 @!p0 $0x0  }
0x12: {  	s1 =	sld [smem:$0x3F9A];
	s0 =	simm.s32 @p0 $0x1  }
0x13: {  	[smem:$0x3FB5] =	sst s0;
	s0 =	simm.s32 @!p1 $0x0  }
0x14: {  	s2 =	sld [smem:$0x3F99];
	s0 =	simm.s32 @p1 $0x1  }
0x15: {  	[smem:$0x3FB6] =	sst s0;
	s0 =	simm.s32 @!p2 $0x0  }
0x16: {  	s3 =	sld [smem:$0x3FDB];
	s0 =	simm.s32 @p2 $0x1  }
0x17: {  	s4 =	simm.s32 $0x1BF5;
	[smem:$0x3FB8] =	sst s0  }
0x18: {  	s0 =	sld [smem:$0x3F9B];
	_ =	swait.ge [sflag:s4], $0x0  }
0x19: {  	s7 =	sld [smem:$0x3F9C]  }
0x1a: {  	s8 =	sadd.s32 $0xFFFFE003, lr  }
0x1b: {  	s9 =	sadd.s32 $0xFFFFFEF7, lr;
	s5 =	simm.s32 $0xFFFFFFFF;
	p2 =	slt.u32 s8, $0xFFFFF086  }
0x1c: {  	p1 =	slt.u32 s9, $0xF7A;
	s5 =	simm.s32 @!p2 $0x0  }
0x1d: {  	s5 =	simm.s32 @p1 $0x1;
	p0 =	seq.s32 s7, s2  }
0x1e: {  	s7 =	smul.u32 @!p0 $0xF7A, s2;
	p2 =	seq.s32 @!p0 s5, $0x0  }
0x1f: {  	s9 =	smul.u32 $0xF7A, s1;
	s8 =	simm.s32 @!p0 $0x1BF5;
	p2 =	por !p2, p0  }
0x20: {  	[sflag:s8] =	ssyncset.s32 @!p0 $0xFFFFF086;
	s6 =	sadd.s32 @!p0 s3, s7;
	s7 =	simm.s32 @!p0 $0x108  }
0x21: {  	s3 =	sadd.s32 s3, s9;
	s6 =	sadd.s32 @!p0 $0x88, s6;
	s7 =	simm.s32 @p2 $0x1082  }
0x22: {  	[simem:s7], [sflag:s8] =	dma.local @!p0 [hbm:s6], $0xF7A  }
0x23: {  	s9 =	sor.u32 $0xD0000000, s2;
	s6 =	simm.s32 $0x108;
	_ =	swait.ge @!p0 [sflag:s8], $0x0  }
0x24: {  	s3 =	sadd.s32 $0x88, s3;
	s6 =	simm.s32 @!p1 $0x1082;
	[sflag:s4] =	ssyncset.s32 $0xFFFFF086  }
0x25: {  	[simem:s6], [sflag:s4] =	dma.local [hbm:s3], $0xF7A  }
0x26: {  	[smem:$0x3F9C] =	sst s1;
	(tag) =	ssettag s2;
	_ =	strace s9  }
0x27: {  	s1 =	sld [smem:$0x3FAC]  }
0x28: {  	s2 =	sld [smem:$0x3FAD]  }
0x29: {  	s4 =	sld [smem:$0x3FAF]  }
0x2a: {  	p0 =	seq.s32 s5, $0x0;
	s5 =	sld [smem:$0x3FB0]  }
0x2b: {  	s6 =	sld [smem:$0x3FB1]  }
0x2c: {  	s7 =	sld [smem:$0x3FB2]  }
0x2d: {  	s3 =	simm.s32 $0x108;
	s8 =	sld [smem:$0x3FB3]  }
0x2e: {  	s3 =	simm.s32 @!p0 $0x1082;
	s9 =	sld [smem:$0x3FB4]  }
0x2f: {  	lr =	sadd.s32 s0, s3;
	s0 =	sld [smem:$0x3FAB]  }
0x30: {  	s3 =	sld [smem:$0x3FAE]  }
0x31: {  	[smem:$0x3FB7] =	sst s10  }
0x32: {  	s10 =	sld [smem:$0x3FB5];
	_ =	sdelay $0x3  }
0x33: {  	p0 =	seq.s32 s10, $0x1;
	s10 =	sld [smem:$0x3FB7];
	_ =	sdelay $0x3  }
0x34: {  	[smem:$0x3FB7] =	sst s10  }
0x35: {  	s10 =	sld [smem:$0x3FB6];
	_ =	sdelay $0x3  }
0x36: {  	p1 =	seq.s32 s10, $0x1;
	s10 =	sld [smem:$0x3FB7];
	_ =	sdelay $0x3  }
0x37: {  	[smem:$0x3FB7] =	sst s10  }
0x38: {  	s10 =	sld [smem:$0x3FB8]  }
0x39: {  	_ = 	snop;
	(pc) =	sbr.ind lr, $3  }
0x3a: {  	_ = 	snop  }
0x3b: {  	_ = 	snop  }
0x3c: {  	p2 =	seq.s32 s10, $0x1;
	s10 =	sld [smem:$0x3FB7]  }
0x3d: {  	_ =	shalt  }
0x3e: {  	_ =	shalt  }
0x3f: {  	_ =	shalt  }
0x40: {  	_ =	shalt  }
0x41: {  	_ =	shalt  }
0x42: {  	_ =	shalt  }
0x43: {  	_ =	shalt  }
0x44: {  	_ =	shalt  }
0x45: {  	_ =	shalt  }
0x46: {  	_ =	shalt  }
0x47: {  	_ =	shalt  }
0x48: {  	_ =	shalt  }
0x49: {  	_ =	shalt  }
0x4a: {  	_ =	shalt  }
0x4b: {  	_ =	shalt  }
0x4c: {  	_ =	shalt  }
0x4d: {  	_ =	shalt  }
0x4e: {  	_ =	shalt  }
0x4f: {  	_ =	shalt  }
0x50: {  	_ =	shalt  }
0x51: {  	_ =	shalt  }
0x52: {  	_ =	shalt  }
0x53: {  	_ =	shalt  }
0x54: {  	_ =	shalt  }
0x55: {  	_ =	shalt  }
0x56: {  	_ =	shalt  }
0x57: {  	_ =	shalt  }
0x58: {  	_ =	shalt  }
0x59: {  	_ =	shalt  }
0x5a: {  	_ =	shalt  }
0x5b: {  	_ =	shalt  }
0x5c: {  	_ =	shalt  }
0x5d: {  	_ =	shalt  }
0x5e: {  	_ =	shalt  }
0x5f: {  	_ =	shalt  }
0x60: {  	_ =	shalt  }
0x61: {  	_ =	shalt  }
0x62: {  	_ =	shalt  }
0x63: {  	_ =	shalt  }
0x64: {  	_ =	shalt  }
0x65: {  	_ =	shalt  }
0x66: {  	_ =	shalt  }
0x67: {  	_ =	shalt  }
0x68: {  	_ =	shalt  }
0x69: {  	_ =	shalt  }
0x6a: {  	_ =	shalt  }
0x6b: {  	_ =	shalt  }
0x6c: {  	_ =	shalt  }
0x6d: {  	_ =	shalt  }
0x6e: {  	_ =	shalt  }
0x6f: {  	_ =	shalt  }
0x70: {  	_ =	shalt  }
0x71: {  	_ =	shalt  }
0x72: {  	_ =	shalt  }
0x73: {  	_ =	shalt  }
0x74: {  	_ =	shalt  }
0x75: {  	_ =	shalt  }
0x76: {  	_ =	shalt  }
0x77: {  	_ =	shalt  }
0x78: {  	_ =	shalt  }
0x79: {  	_ =	shalt  }
0x7a: {  	_ =	shalt  }
0x7b: {  	_ =	shalt  }
0x7c: {  	_ =	shalt  }
0x7d: {  	_ =	shalt  }
0x7e: {  	_ =	shalt  }
0x7f: {  	_ =	shalt  }
0x80: {  	_ =	shalt  }
0x81: {  	_ =	shalt  }
0x82: {  	_ =	shalt  }
0x83: {  	_ =	shalt  }
0x84: {  	_ =	shalt  }
0x85: {  	_ =	shalt  }
0x86: {  	_ =	shalt  }
0x87: {  	_ =	shalt  }
.Lfunc_end0:
.L_simem_size_0:
called_computation_lowered:
.L_overlay_start_0:
0x88: {  	s2 =	sld [smem:$0x3FD9]  }
0x89: {  	s3 =	sld [smem:$0x3FFE];
	_ =	sdelay $0x1  }
0x8a: {  	s1 =	srdreg.scid  }
0x8b: {  	s0 =	sand.u32 $0x1, s1  }
0x8c: {  	s17 =	sshll.u32 s0, $0xA;
	s2 =	sadd.s32 s3, s2  }
0x8d: {  	s2 =	sadd.s32 s2, s17  }
0x8e: {  	[smem:$0x3FC3] =	sst s2  }
0x8f: {  	_ = 	snop  }
0x90: {  	s2 =	sld [smem:$0x3FD0];
	(tm) =	ssettm $0x1  }
0x91: {  	s18 =	sld [smem:$0x3FFB];
	_ =	sdelay $0x3  }
0x92: {  	_ =	strace s18  }
0x93: {  	s3 =	sld [smem:$0x3FFC];
	_ =	sdelay $0x3  }
0x94: {  	_ =	strace s3  }
0x95: {  	s3 =	sld [smem:$0x3FFD];
	_ =	sdelay $0x3  }
0x96: {  	_ =	strace s3  }
0x97: {  	_ =	strace $0x8FFFFFFF  }
0x98: {  	s19 =	sld [smem:$0x3FDB];
	_ =	sdelay $0x1  }
0x99: {  	s4 =	simm.s32 $_scs_section_size  }
0x9a: {  	s5 =	simm.s32 $_size__tile_overlayer_lowered;
	s6 =	simm.s32 $_tile_overlayer_lowered  }
0x9b: {  	s22 =	simm.s32 $0x1BFF;
	s21 =	sshll.u32 s6, $0x1;
	s3 =	sadd.s32 s4, s19  }
0x9c: {  	s7 =	simm.s32 $0x0;
	s20 =	sshll.u32 s5, $0x1;
	s5 =	sadd.s32 s21, s3  }
0x9d: {  	[timem:s7], [sflag:s22] =	dma.local [hbm:s5], s20  }
0x9e: {  	_ =	swait.ge [sflag:s22], s20  }
0x9f: {  	s4 =	ssub.s32 $0x0, s20;
	[sflag:s22] =	ssyncset.done $0x0  }
0xa0: {  	[sflag:s22] =	ssyncadd.s32 s4;
	_ =	sdelay $0x1  }
0xa1: {  	s23 =	simm.s32 $0x1B8B  }
0xa2: {  	_ =	swait.ge [sflag:s23], $0x1  }
0xa3: {  	[sflag:s23] =	ssyncset.done $0x0  }
0xa4: {  	s25 =	simm.s32 $0x1B8E;
	s24 =	sld [smem:$0x3FFE];
	[sflag:s23] =	ssyncadd.s32 $0xFFFFFFFF  }
0xa5: {  	s26 =	simm.s32 $execute0_lowered;
	[smem:$0x3FD2] =	sst s25  }
0xa6: {  	s5 =	sshll.u32 s26, $0x1;
	_ =	strace $0x80000046;
	[dreg:$0x1] =	wrdreg $0xFFFFFFFF  }
0xa7: {  	s28 =	simm.s32 $_size_execute0_lowered;
	s3 =	sadd.s32 s3, s5;
	[dreg:$0x0] =	wrdreg $0x0  }
0xa8: {  	s5 =	sshll.u32 s28, $0x1;
	[dreg:$0x2] =	wrdreg s3  }
0xa9: {  	[dreg:$0x3] =	wrdreg s5  }
0xaa: {  	[dreg:$0x4] =	wrdreg $0xC0  }
0xab: {  	_ =	task [dreg:s7], $0x5FFFF  }
0xac: {  	[dreg:$0x1] =	wrdreg $0xFFFFFFFF  }
0xad: {  	[dreg:$0x0] =	wrdreg $0x60  }
0xae: {  	[dreg:$0x2] =	wrdreg s24  }
0xaf: {  	[dreg:$0x3] =	wrdreg s2  }
0xb0: {  	[dreg:$0x4] =	wrdreg $0x9  }
0xb1: {  	_ =	task.clear_ibuf [dreg:s7], $0x5FFFF;
	_ =	strace $0x90000046  }
0xb2: {  	s29 =	simm.s32 $0x9;
	_ =	strace $0x80000048  }
0xb3: {  	_ =	swait.ge [sflag:s29], $0x1  }
0xb4: {  	[sflag:s29] =	ssyncadd.s32 $0xFFFFFFFF  }
0xb5: {  	_ =	strace $0x90000048  }
0xb6: {  	_ =	sfence  }
0xb7: {  	s30 =	sld [smem:$0x0];
	_ =	sdelay $0x2  }
0xb8: {  	s31 =	sshll.u32 s1, $0xD;
	s1 =	sshrl.u32 s1, $0x2  }
0xb9: {  	s3 =	sand.u32 $0x4000, s31;
	s1 =	sadd.s32 s1, s30  }
0xba: {  	s0 =	sor.u32 s3, s0;
	s1 =	sshll.u32 s1, $0x11  }
0xbb: {  	s0 =	sor.u32 s1, s0  }
0xbc: {  	s0 =	sadd.s32 $0x8F2B, s0  }
0xbd: {  	[sflag:s0] =	ssyncadd.remote.s32 $0x1  }
0xbe: {  	_ =	sfence.sel $0xFFFF  }
0xbf: {  	[dreg:$0x0] =	wrdreg $0xFFFFFFFF;
	(pc) =	sbr.abs _section_cstart, $3  }
0xc0: {  	[dreg:$0x1] =	wrdreg $0xFFFFFFFF  }
0xc1: {  	_ =	task.clear_ibuf [dreg:s7], $0x2FFFF;
	_ =	strace $0x9FFFFFFF  }
0xc2: {  	(tm) =	ssettm $0x7FFFFFFF  }
0xc3: {  	_ =	shalt  }
tec
execute0_lowered:
.L_overlay_start_1:
0x0: {  	(tag) =	ssettag $0x1  }
0x1: {  	s0 =	rddreg [dreg:$0x0];
	v0 =	vlaneseq.u32  }
0x2: {  	s1 =	srdreg.scid;
	s3 =	stileid.u32;
	v1 =	vor.u32 $0x10, v0  }
0x3: {  	s2 =	rddreg [dreg:$0x1];
	s10 =	simm.s32 $0x100;
	s11 =	simm.s32 $0x5;
	v2 =	vor.u32 $0x20, v0;
	v3 =	vor.u32 $0x30, v0;
	v4 =	vor.u32 $0x40, v0  }
0x4: {  	s12 =	simm.s32 $0x80;
	s13 =	simm.s32 $0x4;
	s14 =	simm.s32 $0x14100;
	v5 =	vor.u32 $0x50, v0;
	v6 =	vor.u32 $0x60, v0;
	v7 =	vor.u32 $0x70, v0  }
0x5: {  	s15 =	simm.s32 $0x1;
	s1 =	sand.u32 $0x1, s1;
	s4 =	sshll.u32 s3, $0x1;
	v8 =	vor.u32 $0x80, v0;
	v9 =	vor.u32 $0x90, v0;
	v10 =	vor.u32 $0xA0, v0  }
0x6: {  	s16 =	simm.s32 $0x2;
	s17 =	simm.s32 $0x3;
	v11 =	vor.u32 $0xB0, v0;
	v12 =	vor.u32 $0xC0, v0;
	v13 =	vor.u32 $0xD0, v0;
	s4 =	sor.u32 s1, s4  }
0x7: {  	s18 =	simm.s32 $0xC100;
	s3 =	simm.s32 $0x0;
	v14 =	vor.u32 $0xE0, v0;
	v15 =	vor.u32 $0xF0, v0;
	v16 =	vor.u32 $0x100, v0;
	s4 =	smul.u32 $0x19000, s4  }
.Ltmp0:
0x8: {  	s5 =	sadd.s32 $0x2000, s0;
	s0 =	sadd.s32 $0x800, s0;
	v17 =	vor.u32 $0x110, v0;
	v18 =	vor.u32 $0x120, v0;
	v19 =	vor.u32 $0x130, v0;
	(pc) =	sbr.rel .LBB2_1-.Ltmp0, $4  }
0x9: {  	v20 =	vor.u32 $0x140, v0;
	v21 =	vor.u32 $0x150, v0;
	v22 =	vor.u32 $0x160, v0;
	[smem:$0x7FF] =	sst s3;
	s1 =	ssub.s32 $0x2, s1;
	s7 =	sshrl.u32 s4, $0x3  }
0xa: {  	v23 =	vor.u32 $0x170, v0;
	v24 =	vor.u32 $0x180, v0;
	v25 =	vor.u32 $0x190, v0;
	_ =	strace $0x80000047;
	s6 =	sshrl.u32 s1, $0x1;
	s7 =	sadd.s32 s5, s7  }
0xb: {  	v26 =	vor.u32 $0x1A0, v0;
	v27 =	vor.u32 $0x1B0, v0;
	v28 =	vor.u32 $0x1C0, v0;
	[dreg:$0x3] =	wrdreg s0;
	s30 =	ssub.s32 s1, s6;
	s31 =	sadd.s32 $0x8, s7  }
0xc: {  	s19 =	simm.s32 $0x0;
	v29 =	vor.u32 $0x1D0, v0;
	v30 =	vor.u32 $0x1E0, v0;
	v31 =	vor.u32 $0x1F0, v0;
	s9 =	smax.u32 s30, $0x1;
	[dreg:$0x4] =	wrdreg s31  }
.LBB2_10:
0xd: {  	s19 =	sadd.s32 $0x1, s19  }
0xe: {  	_ =	swait.ge [sflag:s15], $0x8000;
	p0 =	sne.s32 s19, s9  }
.Ltmp1:
0xf: {  	[sflag:s15] =	ssyncset.done $0x0;
	(pc) =	sbr.rel @!p0 .LBB2_11-.Ltmp1, $4  }
0x10: {  	[sflag:s15] =	ssyncadd.s32 $0xFFFF8000  }
0x11: {  	_ =	swait.ge [sflag:s16], $0x8000  }
0x12: {  	[sflag:s16] =	ssyncset.done $0x0  }
0x13: {  	[sflag:s16] =	ssyncadd.s32 $0xFFFF8000  }
.LBB2_1:
0x14: {  	s0 =	rddreg [dreg:$0x3]  }
0x15: {  	[tilespmem:s10], [sflag:$0x5] =	stream.linear.gather [hbm4b:s0+s3], $0xC000, $0x38;
	[tilespmem:$0x1C100] =	vst v63  }
0x16: {  	_ =	swait.ge [sflag:s11], $0xC000  }
.Ltmp2:
0x17: {  	[sflag:s11] =	ssyncset.done $0x0;
	(pc) =	sbr.rel .LBB2_2-.Ltmp2, $4  }
0x18: {  	[sflag:s11] =	ssyncadd.s32 $0xFFFF4000  }
0x19: {  	[tilespmem:s3], [sflag:$0x3] =	stream.linear.gather [hbm4b:s7+s3], $0x40, $0x38;
	[tilespmem:$0x1C100] =	vst v63  }
0x1a: {  	s20 =	simm.s32 $0x0;
	s31 =	rddreg [dreg:$0x4]  }
0x1b: {  	[tilespmem:s12], [sflag:$0x4] =	stream.linear.gather [hbm4b:s31+s3], $0x40, $0x38;
	[tilespmem:$0x1C100] =	vst v63  }
.LBB2_9:
0x1c: {  	s20 =	sadd.s32 $0x1, s20  }
0x1d: {  	p0 =	sne.s32 s20, $0x640  }
.Ltmp3:
0x1e: {  	_ = 	snop;
	(pc) =	sbr.rel @!p0 .LBB2_10-.Ltmp3, $1  }
0x1f: {  	_ =	sdelay $0x3  }
.LBB2_2:
0x20: {  	s22 =	sand.u32 $0x1, s20  }
0x21: {  	p0 =	seq.s32 s22, $0x1  }
.Ltmp4:
0x22: {  	_ = 	snop;
	(pc) =	sbr.rel @p0 .LBB2_6-.Ltmp4, $3  }
0x23: {  	_ =	sdelay $0x1  }
0x24: {  	s0 =	sshll.u32 s20, $0x6  }
0x25: {  	s21 =	sadd.s32 s4, s0  }
0x26: {  	s0 =	simm.s32 $0x2;
	p0 =	slt.u32 s20, $0x2  }
0x27: {  	v32 =	vmov s0;
	s0 =	simm.s32 @!p0 $0x1  }
0x28: {  	s1 =	simm.s32 $0x1;
	s24 =	simm.s32 $0x3;
	v32 =	vand.u32 $0xFFFFFFFE, v32;
	_ =	swait.ge @!p0 [sflag:s0], $0x8000  }
0x29: {  	s6 =	simm.s32 $0x0;
	v33 =	vmov s1;
	v35 =	vmov s24;
	v32 =	vbroadcast v32, $0x0;
	[sflag:s0] =	ssyncset.done @!p0 $0x0  }
0x2a: {  	v34 =	vmov s6;
	v33 =	vand.u32 $0xFFFFFFFD, v33;
	[sflag:s0] =	ssyncadd.s32 @!p0 $0xFFFF8000  }
0x2b: {  	v34 =	vand.u32 $0xFFFFFFFC, v34;
	v33 =	vbroadcast v33, $0x0;
	_ =	swait.ge [sflag:s17], $0x40  }
0x2c: {  	v34 =	vbroadcast v34, $0x0;
	[sflag:s17] =	ssyncset.done $0x0  }
0x2d: {  	[sflag:s17] =	ssyncadd.s32 $0xFFFFFFC0  }
0x2e: {  	v35 =	vld.idx.msk [tilespmem:v35+s3+$0x0], $0xffff  }
0x2f: {  	v32 =	vld.idx.msk [tilespmem:v32+s3+$0x0], $0xffff;
	_ =	sdelay $0x1  }
0x30: {  	v33 =	vld.idx.msk [tilespmem:v33+s3+$0x0], $0xffff  }
0x31: {  	v34 =	vld.idx.msk [tilespmem:v34+s3+$0x0], $0xffff  }
0x32: {  	v36 =	vshll.u32 v35, $0x9  }
0x33: {  	v41 =	vshll.u32 v32, $0x9;
	v35 =	vor.u32 v0, v36  }
0x34: {  	v32 =	vor.u32 v0, v41  }
0x35: {  	v38 =	vshll.u32 v33, $0x9  }
0x36: {  	v37 =	vshll.u32 v34, $0x9;
	v33 =	vor.u32 v0, v38  }
0x37: {  	v34 =	vor.u32 v0, v37  }
0x38: {  	v35 =	vld.idx.msk [tilespmem:v35+s10+$0x0], $0xffff  }
0x39: {  	v50 =	vor.u32 v1, v36;
	v32 =	vld.idx.msk [tilespmem:v32+s10+$0x0], $0xffff  }
0x3a: {  	s25 =	sand.u32 $0x7000, s6;
	s24 =	simm.s32 $0x180;
	v39 =	vor.u32 v1, v41  }
0x3b: {  	s26 =	simm.s32 $0x100;
	s6 =	sadd.s32 $0xC100, s25;
	s24 =	sand.u32 $0x380, s24;
	v33 =	vld.idx.msk [tilespmem:v33+s10+$0x0], $0xffff  }
0x3c: {  	s1 =	sand.u32 $0x300, s26;
	s28 =	sadd.s32 s24, s6;
	v40 =	vor.u32 v1, v38;
	v34 =	vld.idx.msk [tilespmem:v34+s10+$0x0], $0xffff  }
0x3d: {  	s8 =	simm.s32 $0x80;
	s0 =	sadd.s32 s1, s6;
	v42 =	vor.u32 v1, v37;
	[tilespmem:s28+$0x0] =	vst v35  }
0x3e: {  	s23 =	simm.s32 $0x0;
	s1 =	sand.u32 $0x280, s8;
	[tilespmem:s0+$0x0] =	vst v32;
	v32 =	vld.idx.msk [tilespmem:v50+s10+$0x0], $0xffff  }
0x3f: {  	s23 =	sand.u32 $0x200, s23;
	s30 =	sor.u32 s1, s6;
	v56 =	vor.u32 v2, v36;
	v39 =	vld.idx.msk [tilespmem:v39+s10+$0x0], $0xffff  }
0x40: {  	s29 =	sor.u32 s23, s6;
	v51 =	vor.u32 v2, v41;
	[tilespmem:s30+$0x0] =	vst v33  }
0x41: {  	[tilespmem:s29+$0x0] =	vst v34;
	v52 =	vld.idx.msk [tilespmem:v40+s10+$0x0], $0xffff  }
0x42: {  	v54 =	vor.u32 v2, v38;
	v53 =	vld.idx.msk [tilespmem:v42+s10+$0x0], $0xffff  }
0x43: {  	v55 =	vor.u32 v2, v37;
	[tilespmem:s28+$0x10] =	vst v32  }
0x44: {  	[tilespmem:s0+$0x10] =	vst v39;
	v39 =	vld.idx.msk [tilespmem:v56+s10+$0x0], $0xffff  }
0x45: {  	v60 =	vor.u32 v3, v36;
	v33 =	vld.idx.msk [tilespmem:v51+s10+$0x0], $0xffff  }
0x46: {  	v57 =	vor.u32 v3, v41;
	[tilespmem:s30+$0x10] =	vst v52  }
0x47: {  	[tilespmem:s29+$0x10] =	vst v53;
	v35 =	vld.idx.msk [tilespmem:v54+s10+$0x0], $0xffff  }
0x48: {  	v58 =	vor.u32 v3, v38;
	v40 =	vld.idx.msk [tilespmem:v55+s10+$0x0], $0xffff  }
0x49: {  	v59 =	vor.u32 v3, v37;
	[tilespmem:s28+$0x20] =	vst v39  }
0x4a: {  	[tilespmem:s0+$0x20] =	vst v33;
	v33 =	vld.idx.msk [tilespmem:v60+s10+$0x0], $0xffff  }
0x4b: {  	v45 =	vor.u32 v4, v36;
	v34 =	vld.idx.msk [tilespmem:v57+s10+$0x0], $0xffff  }
0x4c: {  	v61 =	vor.u32 v4, v41;
	[tilespmem:s30+$0x20] =	vst v35  }
0x4d: {  	[tilespmem:s29+$0x20] =	vst v40;
	v32 =	vld.idx.msk [tilespmem:v58+s10+$0x0], $0xffff  }
0x4e: {  	v62 =	vor.u32 v4, v38;
	v40 =	vld.idx.msk [tilespmem:v59+s10+$0x0], $0xffff  }
0x4f: {  	v63 =	vor.u32 v4, v37;
	[tilespmem:s28+$0x30] =	vst v33  }
0x50: {  	[tilespmem:s0+$0x30] =	vst v34;
	v34 =	vld.idx.msk [tilespmem:v45+s10+$0x0], $0xffff  }
0x51: {  	v49 =	vor.u32 v5, v36;
	v35 =	vld.idx.msk [tilespmem:v61+s10+$0x0], $0xffff  }
0x52: {  	v46 =	vor.u32 v5, v41;
	[tilespmem:s30+$0x30] =	vst v32  }
0x53: {  	[tilespmem:s29+$0x30] =	vst v40;
	v39 =	vld.idx.msk [tilespmem:v62+s10+$0x0], $0xffff  }
0x54: {  	v47 =	vor.u32 v5, v38;
	v40 =	vld.idx.msk [tilespmem:v63+s10+$0x0], $0xffff  }
0x55: {  	v48 =	vor.u32 v5, v37;
	[tilespmem:s28+$0x40] =	vst v34  }
0x56: {  	[tilespmem:s0+$0x40] =	vst v35;
	v35 =	vld.idx.msk [tilespmem:v49+s10+$0x0], $0xffff  }
0x57: {  	v53 =	vor.u32 v6, v36;
	v32 =	vld.idx.msk [tilespmem:v46+s10+$0x0], $0xffff  }
0x58: {  	v50 =	vor.u32 v6, v41;
	[tilespmem:s30+$0x40] =	vst v39  }
0x59: {  	[tilespmem:s29+$0x40] =	vst v40;
	v33 =	vld.idx.msk [tilespmem:v47+s10+$0x0], $0xffff  }
0x5a: {  	v51 =	vor.u32 v6, v38;
	v40 =	vld.idx.msk [tilespmem:v48+s10+$0x0], $0xffff  }
0x5b: {  	v52 =	vor.u32 v6, v37;
	[tilespmem:s28+$0x50] =	vst v35  }
0x5c: {  	[tilespmem:s0+$0x50] =	vst v32;
	v32 =	vld.idx.msk [tilespmem:v53+s10+$0x0], $0xffff  }
0x5d: {  	v57 =	vor.u32 v7, v36;
	v39 =	vld.idx.msk [tilespmem:v50+s10+$0x0], $0xffff  }
0x5e: {  	v54 =	vor.u32 v7, v41;
	[tilespmem:s30+$0x50] =	vst v33  }
0x5f: {  	[tilespmem:s29+$0x50] =	vst v40;
	v34 =	vld.idx.msk [tilespmem:v51+s10+$0x0], $0xffff  }
0x60: {  	v55 =	vor.u32 v7, v38;
	v40 =	vld.idx.msk [tilespmem:v52+s10+$0x0], $0xffff  }
0x61: {  	v56 =	vor.u32 v7, v37;
	[tilespmem:s28+$0x60] =	vst v32  }
0x62: {  	[tilespmem:s0+$0x60] =	vst v39;
	v39 =	vld.idx.msk [tilespmem:v57+s10+$0x0], $0xffff  }
0x63: {  	v61 =	vor.u32 v8, v36;
	v33 =	vld.idx.msk [tilespmem:v54+s10+$0x0], $0xffff  }
0x64: {  	v58 =	vor.u32 v8, v41;
	[tilespmem:s30+$0x60] =	vst v34  }
0x65: {  	[tilespmem:s29+$0x60] =	vst v40;
	v35 =	vld.idx.msk [tilespmem:v55+s10+$0x0], $0xffff  }
0x66: {  	v59 =	vor.u32 v8, v38;
	v40 =	vld.idx.msk [tilespmem:v56+s10+$0x0], $0xffff  }
0x67: {  	v60 =	vor.u32 v8, v37;
	[tilespmem:s28+$0x70] =	vst v39  }
0x68: {  	[tilespmem:s0+$0x70] =	vst v33;
	v33 =	vld.idx.msk [tilespmem:v61+s10+$0x0], $0xffff  }
0x69: {  	v46 =	vor.u32 v9, v36;
	v34 =	vld.idx.msk [tilespmem:v58+s10+$0x0], $0xffff  }
0x6a: {  	v62 =	vor.u32 v9, v41;
	[tilespmem:s30+$0x70] =	vst v35  }
0x6b: {  	[tilespmem:s29+$0x70] =	vst v40;
	v32 =	vld.idx.msk [tilespmem:v59+s10+$0x0], $0xffff  }
0x6c: {  	v63 =	vor.u32 v9, v38;
	v40 =	vld.idx.msk [tilespmem:v60+s10+$0x0], $0xffff  }
0x6d: {  	v45 =	vor.u32 v9, v37;
	[tilespmem:s28+$0x400] =	vst v33  }
0x6e: {  	[tilespmem:s0+$0x400] =	vst v34;
	v34 =	vld.idx.msk [tilespmem:v46+s10+$0x0], $0xffff  }
0x6f: {  	v50 =	vor.u32 v10, v36;
	v35 =	vld.idx.msk [tilespmem:v62+s10+$0x0], $0xffff  }
0x70: {  	v47 =	vor.u32 v10, v41;
	[tilespmem:s30+$0x400] =	vst v32  }
0x71: {  	[tilespmem:s29+$0x400] =	vst v40;
	v39 =	vld.idx.msk [tilespmem:v63+s10+$0x0], $0xffff  }
0x72: {  	v48 =	vor.u32 v10, v38;
	v40 =	vld.idx.msk [tilespmem:v45+s10+$0x0], $0xffff  }
0x73: {  	v49 =	vor.u32 v10, v37;
	[tilespmem:s28+$0x410] =	vst v34  }
0x74: {  	[tilespmem:s0+$0x410] =	vst v35;
	v35 =	vld.idx.msk [tilespmem:v50+s10+$0x0], $0xffff  }
0x75: {  	v54 =	vor.u32 v11, v36;
	v32 =	vld.idx.msk [tilespmem:v47+s10+$0x0], $0xffff  }
0x76: {  	v51 =	vor.u32 v11, v41;
	[tilespmem:s30+$0x410] =	vst v39  }
0x77: {  	[tilespmem:s29+$0x410] =	vst v40;
	v33 =	vld.idx.msk [tilespmem:v48+s10+$0x0], $0xffff  }
0x78: {  	v52 =	vor.u32 v11, v38;
	v40 =	vld.idx.msk [tilespmem:v49+s10+$0x0], $0xffff  }
0x79: {  	v53 =	vor.u32 v11, v37;
	[tilespmem:s28+$0x420] =	vst v35  }
0x7a: {  	[tilespmem:s0+$0x420] =	vst v32;
	v32 =	vld.idx.msk [tilespmem:v54+s10+$0x0], $0xffff  }
0x7b: {  	v58 =	vor.u32 v12, v36;
	v39 =	vld.idx.msk [tilespmem:v51+s10+$0x0], $0xffff  }
0x7c: {  	v55 =	vor.u32 v12, v41;
	[tilespmem:s30+$0x420] =	vst v33  }
0x7d: {  	[tilespmem:s29+$0x420] =	vst v40;
	v34 =	vld.idx.msk [tilespmem:v52+s10+$0x0], $0xffff  }
0x7e: {  	v56 =	vor.u32 v12, v38;
	v40 =	vld.idx.msk [tilespmem:v53+s10+$0x0], $0xffff  }
0x7f: {  	v57 =	vor.u32 v12, v37;
	[tilespmem:s28+$0x430] =	vst v32  }
0x80: {  	[tilespmem:s0+$0x430] =	vst v39;
	v39 =	vld.idx.msk [tilespmem:v58+s10+$0x0], $0xffff  }
0x81: {  	v62 =	vor.u32 v13, v36;
	v33 =	vld.idx.msk [tilespmem:v55+s10+$0x0], $0xffff  }
0x82: {  	v59 =	vor.u32 v13, v41;
	[tilespmem:s30+$0x430] =	vst v34  }
0x83: {  	[tilespmem:s29+$0x430] =	vst v40;
	v35 =	vld.idx.msk [tilespmem:v56+s10+$0x0], $0xffff  }
0x84: {  	v60 =	vor.u32 v13, v38;
	v40 =	vld.idx.msk [tilespmem:v57+s10+$0x0], $0xffff  }
0x85: {  	v61 =	vor.u32 v13, v37;
	[tilespmem:s28+$0x440] =	vst v39  }
0x86: {  	[tilespmem:s0+$0x440] =	vst v33;
	v33 =	vld.idx.msk [tilespmem:v62+s10+$0x0], $0xffff  }
0x87: {  	v47 =	vor.u32 v14, v36;
	v34 =	vld.idx.msk [tilespmem:v59+s10+$0x0], $0xffff  }
0x88: {  	v63 =	vor.u32 v14, v41;
	[tilespmem:s30+$0x440] =	vst v35  }
0x89: {  	[tilespmem:s29+$0x440] =	vst v40;
	v32 =	vld.idx.msk [tilespmem:v60+s10+$0x0], $0xffff  }
0x8a: {  	v45 =	vor.u32 v14, v38;
	v40 =	vld.idx.msk [tilespmem:v61+s10+$0x0], $0xffff  }
0x8b: {  	v46 =	vor.u32 v14, v37;
	[tilespmem:s28+$0x450] =	vst v33  }
0x8c: {  	[tilespmem:s0+$0x450] =	vst v34;
	v34 =	vld.idx.msk [tilespmem:v47+s10+$0x0], $0xffff  }
0x8d: {  	s26 =	simm.s32 $0x7;
	s25 =	simm.s32 $0x4;
	v51 =	vor.u32 v15, v36;
	v35 =	vld.idx.msk [tilespmem:v63+s10+$0x0], $0xffff  }
0x8e: {  	v44 =	vmov s26;
	v43 =	vmov s25;
	[tilespmem:s30+$0x450] =	vst v32  }
0x8f: {  	v43 =	vand.u32 $0xFFFFFFFC, v43;
	v48 =	vor.u32 v15, v41;
	[tilespmem:s29+$0x450] =	vst v40;
	v39 =	vld.idx.msk [tilespmem:v45+s10+$0x0], $0xffff  }
0x90: {  	s8 =	simm.s32 $0x6;
	v43 =	vbroadcast v43, $0x0;
	v49 =	vor.u32 v15, v38;
	v40 =	vld.idx.msk [tilespmem:v46+s10+$0x0], $0xffff  }
0x91: {  	v46 =	vmov s8;
	[tilespmem:s28+$0x460] =	vst v34  }
0x92: {  	v50 =	vor.u32 v15, v37;
	v46 =	vand.u32 $0xFFFFFFFE, v46;
	[tilespmem:s0+$0x460] =	vst v35;
	v35 =	vld.idx.msk [tilespmem:v51+s10+$0x0], $0xffff  }
0x93: {  	s6 =	simm.s32 $0x5;
	v44 =	vld.idx.msk [tilespmem:v44+s3+$0x0], $0xffff;
	v55 =	vor.u32 v16, v36;
	v56 =	vbroadcast v46, $0x0  }
0x94: {  	v53 =	vmov s6;
	[tilespmem:s30+$0x460] =	vst v39;
	v32 =	vld.idx.msk [tilespmem:v48+s10+$0x0], $0xffff  }
0x95: {  	v52 =	vor.u32 v16, v41;
	[tilespmem:s29+$0x460] =	vst v40;
	v40 =	vand.u32 $0xFFFFFFFD, v53;
	v33 =	vld.idx.msk [tilespmem:v49+s10+$0x0], $0xffff  }
0x96: {  	v43 =	vld.idx.msk [tilespmem:v43+s3+$0x0], $0xffff;
	v54 =	vor.u32 v16, v38;
	v40 =	vbroadcast v40, $0x0  }
0x97: {  	v42 =	vld.idx.msk [tilespmem:v50+s10+$0x0], $0xffff;
	[tilespmem:s28+$0x470] =	vst v35  }
0x98: {  	v45 =	vor.u32 v16, v37;
	v59 =	vld.idx.msk [tilespmem:v55+s10+$0x0], $0xffff  }
0x99: {  	s23 =	simm.s32 $0xB;
	v60 =	vor.u32 v17, v36;
	v49 =	vld.idx.msk [tilespmem:v56+s3+$0x0], $0xffff;
	[tilespmem:s0+$0x470] =	vst v32  }
0x9a: {  	v48 =	vmov s23;
	[tilespmem:s30+$0x470] =	vst v33;
	v39 =	vld.idx.msk [tilespmem:v52+s10+$0x0], $0xffff  }
0x9b: {  	v57 =	vor.u32 v17, v41;
	v34 =	vld.idx.msk [tilespmem:v54+s10+$0x0], $0xffff  }
0x9c: {  	v58 =	vor.u32 v17, v38;
	[tilespmem:s29+$0x470] =	vst v42;
	v32 =	vshll.u32 v44, $0x9;
	v40 =	vld.idx.msk [tilespmem:v40+s3+$0x0], $0xffff  }
0x9d: {  	v42 =	vld.idx.msk [tilespmem:v45+s10+$0x0], $0xffff;
	v44 =	vor.u32 v0, v32;
	[tilespmem:s28+$0x800] =	vst v59  }
0x9e: {  	v47 =	vor.u32 v17, v37;
	v35 =	vshll.u32 v49, $0x9;
	v50 =	vld.idx.msk [tilespmem:v60+s10+$0x0], $0xffff  }
0x9f: {  	v49 =	vor.u32 v0, v35;
	[tilespmem:s0+$0x800] =	vst v39;
	v39 =	vld.idx.msk [tilespmem:v48+s3+$0x0], $0xffff  }
0xa0: {  	v33 =	vshll.u32 v43, $0x9;
	v54 =	vor.u32 v18, v36;
	[tilespmem:s30+$0x800] =	vst v34;
	v46 =	vld.idx.msk [tilespmem:v57+s10+$0x0], $0xffff  }
0xa1: {  	v55 =	vor.u32 v0, v33;
	v34 =	vshll.u32 v40, $0x9;
	v62 =	vld.idx.msk [tilespmem:v58+s10+$0x0], $0xffff  }
0xa2: {  	[tilespmem:s29+$0x800] =	vst v42;
	v44 =	vld.idx.msk [tilespmem:v44+s10+$0x0], $0xffff;
	v59 =	vor.u32 v0, v34  }
0xa3: {  	s24 =	simm.s32 $0x8;
	v61 =	vor.u32 v18, v41;
	v47 =	vld.idx.msk [tilespmem:v47+s10+$0x0], $0xffff  }
0xa4: {  	v63 =	vor.u32 v18, v38;
	v60 =	vmov s24;
	v49 =	vld.idx.msk [tilespmem:v49+s10+$0x0], $0xffff;
	[tilespmem:s28+$0x810] =	vst v50  }
0xa5: {  	v51 =	vor.u32 v18, v37;
	v50 =	vand.u32 $0xFFFFFFFC, v60;
	[tilespmem:s0+$0x810] =	vst v46;
	v43 =	vld.idx.msk [tilespmem:v54+s10+$0x0], $0xffff  }
0xa6: {  	[tilespmem:s30+$0x810] =	vst v62;
	v46 =	vld.idx.msk [tilespmem:v55+s10+$0x0], $0xffff;
	v50 =	vbroadcast v50, $0x0;
	v62 =	vor.u32 v19, v36  }
0xa7: {  	s31 =	simm.s32 $0x800;
	v45 =	vld.idx.msk [tilespmem:v59+s10+$0x0], $0xffff  }
0xa8: {  	s26 =	simm.s32 $0x300;
	s25 =	sand.u32 $0x7000, s31;
	v53 =	vor.u32 v1, v35;
	v56 =	vld.idx.msk [tilespmem:v61+s10+$0x0], $0xffff  }
0xa9: {  	s8 =	sand.u32 $0x300, s26;
	s23 =	sadd.s32 $0xC100, s25;
	s24 =	simm.s32 $0x280;
	v58 =	vor.u32 v19, v41;
	[tilespmem:s29+$0x810] =	vst v47;
	v57 =	vld.idx.msk [tilespmem:v63+s10+$0x0], $0xffff  }
0xaa: {  	s25 =	simm.s32 $0x200;
	s26 =	sadd.s32 s8, s23;
	s6 =	sand.u32 $0x280, s24;
	v47 =	vld.idx.msk [tilespmem:v51+s10+$0x0], $0xffff;
	v61 =	vor.u32 v19, v38;
	[tilespmem:s28+$0x820] =	vst v43  }
0xab: {  	s24 =	sand.u32 $0x200, s25;
	s25 =	sor.u32 s6, s23;
	v54 =	vor.u32 v1, v34;
	[tilespmem:s26+$0x0] =	vst v49;
	v48 =	vld.idx.msk [tilespmem:v62+s10+$0x0], $0xffff  }
0xac: {  	v52 =	vor.u32 v19, v37;
	[tilespmem:s25+$0x0] =	vst v45;
	v40 =	vld.idx.msk [tilespmem:v50+s3+$0x0], $0xffff  }
0xad: {  	v49 =	vor.u32 v1, v32;
	[tilespmem:s0+$0x820] =	vst v56;
	v50 =	vld.idx.msk [tilespmem:v53+s10+$0x0], $0xffff  }
0xae: {  	s1 =	simm.s32 $0x380;
	[tilespmem:s30+$0x820] =	vst v57;
	v56 =	vor.u32 v1, v33;
	v42 =	vld.idx.msk [tilespmem:v58+s10+$0x0], $0xffff  }
0xaf: {  	s8 =	sand.u32 $0x380, s1;
	[tilespmem:s29+$0x820] =	vst v47;
	v47 =	vld.idx.msk [tilespmem:v61+s10+$0x0], $0xffff;
	v61 =	vor.u32 v2, v35  }
0xb0: {  	s24 =	sor.u32 s24, s23;
	s23 =	sadd.s32 s8, s23;
	v63 =	vor.u32 v20, v41;
	v60 =	vld.idx.msk [tilespmem:v54+s10+$0x0], $0xffff  }
0xb1: {  	[tilespmem:s23+$0x0] =	vst v44;
	v57 =	vor.u32 v20, v38;
	v52 =	vld.idx.msk [tilespmem:v52+s10+$0x0], $0xffff  }
0xb2: {  	[tilespmem:s24+$0x0] =	vst v46;
	v49 =	vld.idx.msk [tilespmem:v49+s10+$0x0], $0xffff;
	v58 =	vor.u32 v20, v37  }
0xb3: {  	v43 =	vld.idx.msk [tilespmem:v56+s10+$0x0], $0xffff;
	[tilespmem:s26+$0x10] =	vst v50  }
0xb4: {  	v56 =	vor.u32 v2, v33;
	[tilespmem:s0+$0x830] =	vst v42;
	v51 =	vld.idx.msk [tilespmem:v61+s10+$0x0], $0xffff  }
0xb5: {  	[tilespmem:s30+$0x830] =	vst v47;
	v59 =	vld.idx.msk [tilespmem:v63+s10+$0x0], $0xffff;
	v63 =	vor.u32 v2, v34  }
0xb6: {  	[tilespmem:s29+$0x830] =	vst v52;
	v52 =	vld.idx.msk [tilespmem:v57+s10+$0x0], $0xffff;
	v57 =	vor.u32 v2, v32  }
0xb7: {  	[tilespmem:s25+$0x10] =	vst v60;
	v42 =	vld.idx.msk [tilespmem:v58+s10+$0x0], $0xffff;
	v58 =	vor.u32 v20, v36  }
0xb8: {  	v62 =	vor.u32 v21, v41;
	[tilespmem:s24+$0x10] =	vst v43  }
0xb9: {  	[tilespmem:s23+$0x10] =	vst v49;
	v61 =	vor.u32 v3, v35;
	v47 =	vld.idx.msk [tilespmem:v56+s10+$0x0], $0xffff  }
0xba: {  	[tilespmem:s0+$0x840] =	vst v59;
	v59 =	vor.u32 v21, v38;
	v60 =	vld.idx.msk [tilespmem:v63+s10+$0x0], $0xffff  }
0xbb: {  	[tilespmem:s28+$0x830] =	vst v48;
	v56 =	vor.u32 v3, v33;
	v50 =	vld.idx.msk [tilespmem:v57+s10+$0x0], $0xffff  }
0xbc: {  	[tilespmem:s26+$0x20] =	vst v51;
	v63 =	vor.u32 v3, v34;
	v45 =	vld.idx.msk [tilespmem:v58+s10+$0x0], $0xffff  }
0xbd: {  	v51 =	vor.u32 v3, v32;
	[tilespmem:s30+$0x840] =	vst v52;
	v44 =	vld.idx.msk [tilespmem:v62+s10+$0x0], $0xffff  }
0xbe: {  	v52 =	vld.idx.msk [tilespmem:v61+s10+$0x0], $0xffff;
	[tilespmem:s29+$0x840] =	vst v42;
	v62 =	vor.u32 v22, v41  }
0xbf: {  	v57 =	vor.u32 v21, v37;
	[tilespmem:s24+$0x20] =	vst v47;
	v46 =	vld.idx.msk [tilespmem:v59+s10+$0x0], $0xffff  }
0xc0: {  	v61 =	vor.u32 v4, v35;
	[tilespmem:s25+$0x20] =	vst v60;
	v48 =	vld.idx.msk [tilespmem:v56+s10+$0x0], $0xffff  }
0xc1: {  	v59 =	vor.u32 v21, v36;
	[tilespmem:s23+$0x20] =	vst v50;
	v60 =	vld.idx.msk [tilespmem:v63+s10+$0x0], $0xffff  }
0xc2: {  	v56 =	vor.u32 v4, v33;
	[tilespmem:s0+$0x850] =	vst v44;
	v51 =	vld.idx.msk [tilespmem:v51+s10+$0x0], $0xffff  }
0xc3: {  	[tilespmem:s28+$0x840] =	vst v45;
	v63 =	vor.u32 v4, v34;
	v58 =	vld.idx.msk [tilespmem:v62+s10+$0x0], $0xffff  }
0xc4: {  	v53 =	vld.idx.msk [tilespmem:v57+s10+$0x0], $0xffff;
	[tilespmem:s26+$0x30] =	vst v52;
	v45 =	vor.u32 v4, v32  }
0xc5: {  	v49 =	vld.idx.msk [tilespmem:v61+s10+$0x0], $0xffff;
	v62 =	vor.u32 v23, v41;
	[tilespmem:s24+$0x30] =	vst v48  }
0xc6: {  	v57 =	vor.u32 v22, v38;
	v44 =	vld.idx.msk [tilespmem:v59+s10+$0x0], $0xffff;
	[tilespmem:s25+$0x30] =	vst v60  }
0xc7: {  	v61 =	vor.u32 v5, v35;
	v42 =	vld.idx.msk [tilespmem:v56+s10+$0x0], $0xffff;
	[tilespmem:s23+$0x30] =	vst v51  }
0xc8: {  	[tilespmem:s0+$0x860] =	vst v58;
	v58 =	vor.u32 v22, v37;
	v60 =	vld.idx.msk [tilespmem:v63+s10+$0x0], $0xffff  }
0xc9: {  	[tilespmem:s30+$0x850] =	vst v46;
	v56 =	vor.u32 v5, v33;
	v45 =	vld.idx.msk [tilespmem:v45+s10+$0x0], $0xffff  }
0xca: {  	[tilespmem:s29+$0x850] =	vst v53;
	v63 =	vor.u32 v5, v34;
	v59 =	vld.idx.msk [tilespmem:v62+s10+$0x0], $0xffff  }
0xcb: {  	v52 =	vld.idx.msk [tilespmem:v57+s10+$0x0], $0xffff;
	[tilespmem:s26+$0x40] =	vst v49;
	v57 =	vor.u32 v5, v32  }
0xcc: {  	v50 =	vld.idx.msk [tilespmem:v61+s10+$0x0], $0xffff;
	v62 =	vor.u32 v24, v41;
	[tilespmem:s24+$0x40] =	vst v42  }
0xcd: {  	v61 =	vor.u32 v6, v35;
	v43 =	vld.idx.msk [tilespmem:v58+s10+$0x0], $0xffff;
	[tilespmem:s25+$0x40] =	vst v60  }
0xce: {  	v58 =	vor.u32 v22, v36;
	v46 =	vld.idx.msk [tilespmem:v56+s10+$0x0], $0xffff;
	[tilespmem:s23+$0x40] =	vst v45  }
0xcf: {  	[tilespmem:s0+$0x870] =	vst v59;
	v59 =	vor.u32 v23, v38;
	v60 =	vld.idx.msk [tilespmem:v63+s10+$0x0], $0xffff  }
0xd0: {  	[tilespmem:s28+$0x850] =	vst v44;
	v49 =	vld.idx.msk [tilespmem:v57+s10+$0x0], $0xffff;
	v57 =	vor.u32 v6, v33  }
0xd1: {  	[tilespmem:s26+$0x50] =	vst v50;
	v63 =	vor.u32 v6, v34;
	v51 =	vld.idx.msk [tilespmem:v62+s10+$0x0], $0xffff  }
0xd2: {  	[tilespmem:s30+$0x860] =	vst v52;
	v52 =	vld.idx.msk [tilespmem:v61+s10+$0x0], $0xffff;
	v62 =	vor.u32 v25, v41  }
0xd3: {  	v47 =	vld.idx.msk [tilespmem:v58+s10+$0x0], $0xffff  }
0xd4: {  	v58 =	vor.u32 v6, v32;
	[tilespmem:s24+$0x50] =	vst v46;
	v48 =	vld.idx.msk [tilespmem:v59+s10+$0x0], $0xffff  }
0xd5: {  	v59 =	vor.u32 v23, v37;
	[tilespmem:s25+$0x50] =	vst v60;
	v44 =	vld.idx.msk [tilespmem:v57+s10+$0x0], $0xffff  }
0xd6: {  	v60 =	vor.u32 v23, v36;
	[tilespmem:s0+$0xC00] =	vst v51;
	v61 =	vld.idx.msk [tilespmem:v63+s10+$0x0], $0xffff  }
0xd7: {  	[tilespmem:s29+$0x860] =	vst v43;
	v42 =	vld.idx.msk [tilespmem:v62+s10+$0x0], $0xffff;
	v62 =	vor.u32 v7, v35  }
0xd8: {  	[tilespmem:s23+$0x50] =	vst v49;
	v57 =	vor.u32 v7, v34  }
0xd9: {  	[tilespmem:s26+$0x60] =	vst v52;
	v63 =	vor.u32 v26, v41;
	v50 =	vld.idx.msk [tilespmem:v58+s10+$0x0], $0xffff  }
0xda: {  	v58 =	vor.u32 v7, v33;
	[tilespmem:s28+$0x860] =	vst v47;
	v53 =	vld.idx.msk [tilespmem:v59+s10+$0x0], $0xffff  }
0xdb: {  	v59 =	vor.u32 v7, v32;
	v45 =	vld.idx.msk [tilespmem:v60+s10+$0x0], $0xffff;
	[tilespmem:s24+$0x60] =	vst v44  }
0xdc: {  	v60 =	vor.u32 v24, v38;
	[tilespmem:s25+$0x60] =	vst v61;
	v51 =	vld.idx.msk [tilespmem:v62+s10+$0x0], $0xffff  }
0xdd: {  	[tilespmem:s0+$0xC10] =	vst v42;
	v42 =	vor.u32 v24, v37;
	v62 =	vld.idx.msk [tilespmem:v57+s10+$0x0], $0xffff  }
0xde: {  	[tilespmem:s30+$0x870] =	vst v48;
	v61 =	vld.idx.msk [tilespmem:v63+s10+$0x0], $0xffff;
	v63 =	vor.u32 v8, v35  }
0xdf: {  	v57 =	vor.u32 v27, v41;
	v43 =	vld.idx.msk [tilespmem:v58+s10+$0x0], $0xffff;
	[tilespmem:s23+$0x60] =	vst v50  }
0xe0: {  	v58 =	vor.u32 v8, v34;
	v47 =	vld.idx.msk [tilespmem:v59+s10+$0x0], $0xffff;
	[tilespmem:s29+$0x870] =	vst v53  }
0xe1: {  	v59 =	vor.u32 v8, v33;
	v52 =	vld.idx.msk [tilespmem:v60+s10+$0x0], $0xffff;
	[tilespmem:s26+$0x70] =	vst v51  }
0xe2: {  	v60 =	vor.u32 v8, v32;
	v42 =	vld.idx.msk [tilespmem:v42+s10+$0x0], $0xffff;
	[tilespmem:s25+$0x70] =	vst v62  }
0xe3: {  	v62 =	vor.u32 v25, v38;
	v49 =	vld.idx.msk [tilespmem:v63+s10+$0x0], $0xffff;
	[tilespmem:s0+$0xC20] =	vst v61  }
0xe4: {  	v61 =	vor.u32 v24, v36;
	v50 =	vld.idx.msk [tilespmem:v57+s10+$0x0], $0xffff  }
0xe5: {  	[tilespmem:s24+$0x70] =	vst v43;
	v63 =	vld.idx.msk [tilespmem:v58+s10+$0x0], $0xffff;
	v57 =	vor.u32 v9, v35  }
0xe6: {  	v58 =	vor.u32 v28, v41;
	v48 =	vld.idx.msk [tilespmem:v59+s10+$0x0], $0xffff;
	[tilespmem:s23+$0x70] =	vst v47  }
0xe7: {  	v59 =	vor.u32 v9, v34;
	[tilespmem:s30+$0xC00] =	vst v52;
	v51 =	vld.idx.msk [tilespmem:v60+s10+$0x0], $0xffff  }
0xe8: {  	[tilespmem:s28+$0x870] =	vst v45;
	v60 =	vor.u32 v9, v33;
	v44 =	vld.idx.msk [tilespmem:v62+s10+$0x0], $0xffff  }
0xe9: {  	v62 =	vor.u32 v25, v37;
	v46 =	vld.idx.msk [tilespmem:v61+s10+$0x0], $0xffff;
	[tilespmem:s26+$0x400] =	vst v49  }
0xea: {  	v61 =	vor.u32 v9, v32;
	v52 =	vld.idx.msk [tilespmem:v57+s10+$0x0], $0xffff;
	[tilespmem:s0+$0xC30] =	vst v50  }
0xeb: {  	[tilespmem:s25+$0x400] =	vst v63;
	v63 =	vor.u32 v25, v36;
	v43 =	vld.idx.msk [tilespmem:v58+s10+$0x0], $0xffff  }
0xec: {  	[tilespmem:s24+$0x400] =	vst v48;
	v57 =	vld.idx.msk [tilespmem:v59+s10+$0x0], $0xffff;
	v58 =	vor.u32 v10, v35  }
0xed: {  	[tilespmem:s29+$0xC00] =	vst v42;
	v59 =	vor.u32 v29, v41;
	v45 =	vld.idx.msk [tilespmem:v60+s10+$0x0], $0xffff  }
0xee: {  	[tilespmem:s23+$0x400] =	vst v51;
	v60 =	vor.u32 v10, v34;
	v53 =	vld.idx.msk [tilespmem:v62+s10+$0x0], $0xffff  }
0xef: {  	v49 =	vld.idx.msk [tilespmem:v61+s10+$0x0], $0xffff;
	v61 =	vor.u32 v10, v33;
	[tilespmem:s28+$0xC00] =	vst v46  }
0xf0: {  	v62 =	vor.u32 v10, v32;
	[tilespmem:s26+$0x410] =	vst v52;
	v47 =	vld.idx.msk [tilespmem:v63+s10+$0x0], $0xffff  }
0xf1: {  	v63 =	vor.u32 v26, v38;
	v50 =	vld.idx.msk [tilespmem:v58+s10+$0x0], $0xffff;
	[tilespmem:s0+$0xC40] =	vst v43  }
0xf2: {  	[tilespmem:s25+$0x410] =	vst v57;
	v43 =	vor.u32 v26, v37;
	v57 =	vld.idx.msk [tilespmem:v59+s10+$0x0], $0xffff  }
0xf3: {  	v56 =	vor.u32 v26, v36;
	[tilespmem:s24+$0x410] =	vst v45;
	v58 =	vld.idx.msk [tilespmem:v60+s10+$0x0], $0xffff  }
0xf4: {  	v59 =	vor.u32 v11, v35;
	v42 =	vld.idx.msk [tilespmem:v61+s10+$0x0], $0xffff;
	[tilespmem:s23+$0x410] =	vst v49  }
0xf5: {  	[tilespmem:s30+$0xC10] =	vst v44;
	v60 =	vor.u32 v30, v41;
	v46 =	vld.idx.msk [tilespmem:v62+s10+$0x0], $0xffff  }
0xf6: {  	[tilespmem:s29+$0xC10] =	vst v53;
	v61 =	vor.u32 v11, v34;
	v52 =	vld.idx.msk [tilespmem:v63+s10+$0x0], $0xffff  }
0xf7: {  	v62 =	vor.u32 v11, v33;
	[tilespmem:s28+$0xC10] =	vst v47;
	v43 =	vld.idx.msk [tilespmem:v43+s10+$0x0], $0xffff  }
0xf8: {  	v63 =	vor.u32 v11, v32;
	[tilespmem:s26+$0x420] =	vst v50;
	v48 =	vld.idx.msk [tilespmem:v56+s10+$0x0], $0xffff  }
0xf9: {  	v51 =	vld.idx.msk [tilespmem:v59+s10+$0x0], $0xffff;
	[tilespmem:s0+$0xC50] =	vst v57;
	v57 =	vor.u32 v27, v38  }
0xfa: {  	[tilespmem:s25+$0x420] =	vst v58;
	v59 =	vor.u32 v12, v35;
	v49 =	vld.idx.msk [tilespmem:v60+s10+$0x0], $0xffff  }
0xfb: {  	v41 =	vor.u32 v31, v41;
	[tilespmem:s24+$0x420] =	vst v42;
	v58 =	vld.idx.msk [tilespmem:v61+s10+$0x0], $0xffff  }
0xfc: {  	v60 =	vor.u32 v12, v34;
	v44 =	vld.idx.msk [tilespmem:v62+s10+$0x0], $0xffff;
	[tilespmem:s23+$0x420] =	vst v46  }
0xfd: {  	s8 =	simm.s32 $0x9;
	v61 =	vor.u32 v12, v33;
	[tilespmem:s30+$0xC20] =	vst v52;
	v50 =	vld.idx.msk [tilespmem:v63+s10+$0x0], $0xffff  }
0xfe: {  	v62 =	vmov s8;
	v63 =	vor.u32 v27, v37;
	[tilespmem:s26+$0x430] =	vst v51;
	v45 =	vld.idx.msk [tilespmem:v57+s10+$0x0], $0xffff  }
0xff: {  	v51 =	vor.u32 v12, v32;
	v57 =	vand.u32 $0xFFFFFFFD, v62;
	v53 =	vld.idx.msk [tilespmem:v59+s10+$0x0], $0xffff;
	[tilespmem:s0+$0xC60] =	vst v49  }
0x100: {  	v49 =	vbroadcast v57, $0x0;
	[tilespmem:s25+$0x430] =	vst v58;
	v41 =	vld.idx.msk [tilespmem:v41+s10+$0x0], $0xffff;
	v58 =	vor.u32 v27, v36  }
0x101: {  	[tilespmem:s24+$0x430] =	vst v44;
	v59 =	vld.idx.msk [tilespmem:v60+s10+$0x0], $0xffff  }
0x102: {  	[tilespmem:s29+$0xC20] =	vst v43;
	v60 =	vor.u32 v13, v35;
	v47 =	vld.idx.msk [tilespmem:v61+s10+$0x0], $0xffff  }
0x103: {  	[tilespmem:s23+$0x430] =	vst v50;
	v61 =	vor.u32 v13, v34;
	v52 =	vld.idx.msk [tilespmem:v63+s10+$0x0], $0xffff  }
0x104: {  	[tilespmem:s28+$0xC20] =	vst v48;
	v62 =	vor.u32 v13, v33;
	v51 =	vld.idx.msk [tilespmem:v51+s10+$0x0], $0xffff  }
0x105: {  	v63 =	vor.u32 v13, v32;
	[tilespmem:s26+$0x440] =	vst v53;
	v53 =	vld.idx.msk [tilespmem:v58+s10+$0x0], $0xffff  }
0x106: {  	v57 =	vor.u32 v28, v38;
	[tilespmem:s30+$0xC30] =	vst v45;
	v42 =	vld.idx.msk [tilespmem:v49+s3+$0x0], $0xffff  }
0x107: {  	v58 =	vor.u32 v28, v37;
	v46 =	vld.idx.msk [tilespmem:v60+s10+$0x0], $0xffff;
	[tilespmem:s25+$0x440] =	vst v59  }
0x108: {  	v60 =	vor.u32 v28, v36;
	[tilespmem:s24+$0x440] =	vst v47;
	v44 =	vld.idx.msk [tilespmem:v61+s10+$0x0], $0xffff  }
0x109: {  	v59 =	vor.u32 v14, v35;
	v43 =	vld.idx.msk [tilespmem:v62+s10+$0x0], $0xffff;
	[tilespmem:s23+$0x440] =	vst v51  }
0x10a: {  	[tilespmem:s0+$0xC70] =	vst v41;
	v61 =	vor.u32 v14, v34;
	v48 =	vld.idx.msk [tilespmem:v63+s10+$0x0], $0xffff  }
0x10b: {  	[tilespmem:s29+$0xC30] =	vst v52;
	v62 =	vor.u32 v14, v33;
	v63 =	vld.idx.msk [tilespmem:v57+s10+$0x0], $0xffff  }
0x10c: {  	v56 =	vor.u32 v14, v32;
	v41 =	vld.idx.msk [tilespmem:v58+s10+$0x0], $0xffff;
	[tilespmem:s28+$0xC30] =	vst v53  }
0x10d: {  	v57 =	vor.u32 v29, v38;
	[tilespmem:s26+$0x450] =	vst v46;
	v49 =	vld.idx.msk [tilespmem:v60+s10+$0x0], $0xffff  }
0x10e: {  	v58 =	vor.u32 v29, v37;
	v47 =	vld.idx.msk [tilespmem:v59+s10+$0x0], $0xffff;
	[tilespmem:s25+$0x450] =	vst v44  }
0x10f: {  	v59 =	vor.u32 v15, v35;
	[tilespmem:s24+$0x450] =	vst v43;
	v43 =	vld.idx.msk [tilespmem:v61+s10+$0x0], $0xffff  }
0x110: {  	v45 =	vld.idx.msk [tilespmem:v62+s10+$0x0], $0xffff;
	[tilespmem:s23+$0x450] =	vst v48;
	v48 =	vor.u32 v29, v36  }
0x111: {  	v60 =	vor.u32 v15, v34;
	[tilespmem:s30+$0xC40] =	vst v63;
	v46 =	vld.idx.msk [tilespmem:v56+s10+$0x0], $0xffff  }
0x112: {  	v61 =	vor.u32 v15, v33;
	[tilespmem:s29+$0xC40] =	vst v41;
	v62 =	vld.idx.msk [tilespmem:v57+s10+$0x0], $0xffff  }
0x113: {  	v63 =	vor.u32 v15, v32;
	v55 =	vld.idx.msk [tilespmem:v58+s10+$0x0], $0xffff;
	[tilespmem:s26+$0x460] =	vst v47  }
0x114: {  	v56 =	vor.u32 v30, v38;
	[tilespmem:s28+$0xC40] =	vst v49;
	v50 =	vld.idx.msk [tilespmem:v59+s10+$0x0], $0xffff  }
0x115: {  	v57 =	vor.u32 v30, v37;
	[tilespmem:s25+$0x460] =	vst v43;
	v49 =	vld.idx.msk [tilespmem:v48+s10+$0x0], $0xffff  }
0x116: {  	v52 =	vor.u32 v16, v35;
	[tilespmem:s24+$0x460] =	vst v45;
	v41 =	vld.idx.msk [tilespmem:v60+s10+$0x0], $0xffff  }
0x117: {  	v51 =	vor.u32 v30, v36;
	v44 =	vld.idx.msk [tilespmem:v61+s10+$0x0], $0xffff;
	[tilespmem:s23+$0x460] =	vst v46  }
0x118: {  	[tilespmem:s30+$0xC50] =	vst v62;
	v46 =	vor.u32 v16, v34;
	v43 =	vld.idx.msk [tilespmem:v63+s10+$0x0], $0xffff  }
0x119: {  	v47 =	vor.u32 v16, v33;
	[tilespmem:s29+$0xC50] =	vst v55;
	v45 =	vld.idx.msk [tilespmem:v56+s10+$0x0], $0xffff  }
0x11a: {  	s6 =	simm.s32 $0xA;
	s0 =	simm.s32 $0xC;
	v48 =	vld.idx.msk [tilespmem:v57+s10+$0x0], $0xffff;
	[tilespmem:s26+$0x470] =	vst v50;
	v50 =	vor.u32 v16, v32  }
.LBB2_4:
0x11b: {  	p0 =	slt.u32 s0, $0x3C;
	v53 =	vmov s6;
	v52 =	vld.idx.msk [tilespmem:v52+s10+$0x0], $0xffff;
	v54 =	vor.u32 v31, v38;
	[tilespmem:s28+$0xC50] =	vst v49;
	v38 =	vmov v34  }
0x11c: {  	v34 =	vand.u32 $0xFFFFFFFE, v53;
	[tilespmem:s25+$0x470] =	vst v41;
	v41 =	vor.u32 v31, v37;
	v49 =	vld.idx.msk [tilespmem:v51+s10+$0x0], $0xffff;
	v37 =	vmov v33  }
0x11d: {  	v33 =	vbroadcast v34, $0x0;
	[tilespmem:s24+$0x470] =	vst v44;
	v34 =	vld.idx.msk [tilespmem:v46+s10+$0x0], $0xffff;
	v44 =	vor.u32 v17, v35  }
0x11e: {  	v46 =	vld.idx.msk [tilespmem:v47+s10+$0x0], $0xffff;
	[tilespmem:s23+$0x470] =	vst v43  }
0x11f: {  	v43 =	vor.u32 v17, v38;
	v47 =	vld.idx.msk [tilespmem:v50+s10+$0x0], $0xffff;
	[tilespmem:s30+$0xC60] =	vst v45  }
0x120: {  	v45 =	vor.u32 v17, v37;
	[tilespmem:s29+$0xC60] =	vst v48;
	v48 =	vld.idx.msk [tilespmem:v54+s10+$0x0], $0xffff  }
0x121: {  	v50 =	vor.u32 v17, v32;
	[tilespmem:s26+$0x800] =	vst v52;
	v41 =	vld.idx.msk [tilespmem:v41+s10+$0x0], $0xffff  }
0x122: {  	s6 =	sadd.s32 $0x3, s0;
	v44 =	vld.idx.msk [tilespmem:v44+s10+$0x0], $0xffff;
	[tilespmem:s28+$0xC60] =	vst v49;
	v49 =	vor.u32 v31, v36;
	v36 =	vmov v32  }
0x123: {  	v51 =	vmov s6;
	v52 =	vld.idx.msk [tilespmem:v33+s3+$0x0], $0xffff;
	[tilespmem:s25+$0x800] =	vst v34  }
0x124: {  	v32 =	vshll.u32 v39, $0x9;
	[tilespmem:s24+$0x800] =	vst v46;
	v34 =	vld.idx.msk [tilespmem:v43+s10+$0x0], $0xffff;
	v43 =	vor.u32 v18, v35  }
0x125: {  	v46 =	vor.u32 v0, v32;
	v45 =	vld.idx.msk [tilespmem:v45+s10+$0x0], $0xffff;
	[tilespmem:s23+$0x800] =	vst v47  }
0x126: {  	v47 =	vor.u32 v18, v38;
	v50 =	vld.idx.msk [tilespmem:v50+s10+$0x0], $0xffff;
	[tilespmem:s30+$0xC70] =	vst v48;
	s30 =	smov.u32 s25  }
0x127: {  	v48 =	vor.u32 v18, v37;
	[tilespmem:s29+$0xC70] =	vst v41;
	v49 =	vld.idx.msk [tilespmem:v49+s10+$0x0], $0xffff;
	s29 =	smov.u32 s24  }
0x128: {  	v33 =	vshll.u32 v40, $0x9;
	v40 =	vor.u32 v18, v36;
	v39 =	vld.idx.msk [tilespmem:v51+s3+$0x0], $0xffff;
	[tilespmem:s26+$0x810] =	vst v44  }
0x129: {  	v44 =	vor.u32 v0, v33;
	v41 =	vshll.u32 v52, $0x9;
	v43 =	vld.idx.msk [tilespmem:v43+s10+$0x0], $0xffff  }
0x12a: {  	v51 =	vor.u32 v0, v41;
	v46 =	vld.idx.msk [tilespmem:v46+s10+$0x0], $0xffff;
	[tilespmem:s30+$0x810] =	vst v34  }
0x12b: {  	v34 =	vshll.u32 v42, $0x9;
	[tilespmem:s29+$0x810] =	vst v45;
	v42 =	vld.idx.msk [tilespmem:v47+s10+$0x0], $0xffff;
	v45 =	vor.u32 v19, v35  }
0x12c: {  	v47 =	vor.u32 v0, v34;
	v48 =	vld.idx.msk [tilespmem:v48+s10+$0x0], $0xffff;
	[tilespmem:s23+$0x810] =	vst v50  }
0x12d: {  	v52 =	vor.u32 v19, v38;
	v50 =	vmov s0;
	v40 =	vld.idx.msk [tilespmem:v40+s10+$0x0], $0xffff;
	[tilespmem:s28+$0xC70] =	vst v49;
	s28 =	smov.u32 s23  }
0x12e: {  	v49 =	vand.u32 $0xFFFFFFFC, v50;
	v50 =	vor.u32 v19, v37;
	v44 =	vld.idx.msk [tilespmem:v44+s10+$0x0], $0xffff  }
0x12f: {  	v49 =	vbroadcast v49, $0x0;
	v51 =	vld.idx.msk [tilespmem:v51+s10+$0x0], $0xffff;
	[tilespmem:s26+$0x820] =	vst v43;
	v43 =	vor.u32 v19, v36  }
0x130: {  	v45 =	vld.idx.msk [tilespmem:v45+s10+$0x0], $0xffff  }
0x131: {  	s1 =	sadd.s32 $0x200, s1;
	s31 =	sadd.s32 $0x800, s31;
	v53 =	vor.u32 v1, v41;
	v47 =	vld.idx.msk [tilespmem:v47+s10+$0x0], $0xffff;
	[tilespmem:s30+$0x820] =	vst v42  }
0x132: {  	s6 =	sand.u32 $0x7000, s31;
	s24 =	sadd.s32 $0xFFFFFF80, s1;
	s23 =	sadd.s32 $0xFFFFFE80, s1;
	[tilespmem:s29+$0x820] =	vst v48;
	v42 =	vld.idx.msk [tilespmem:v52+s10+$0x0], $0xffff;
	v48 =	vor.u32 v20, v35  }
0x133: {  	s8 =	sadd.s32 $0xC100, s6;
	s6 =	sadd.s32 $0xFFFFFF00, s1;
	s24 =	sand.u32 $0x300, s24;
	v52 =	vor.u32 v1, v34;
	v50 =	vld.idx.msk [tilespmem:v50+s10+$0x0], $0xffff;
	[tilespmem:s28+$0x820] =	vst v40  }
0x134: {  	v54 =	vor.u32 v1, v33;
	s25 =	sand.u32 $0x280, s6;
	s6 =	sadd.s32 s24, s8;
	s23 =	sand.u32 $0x200, s23;
	v43 =	vld.idx.msk [tilespmem:v43+s10+$0x0], $0xffff  }
0x135: {  	s25 =	sor.u32 s25, s8;
	s24 =	sor.u32 s23, s8;
	s23 =	sand.u32 $0x380, s1;
	v40 =	vld.idx.msk [tilespmem:v49+s3+$0x0], $0xffff;
	[tilespmem:s6+$0x0] =	vst v51;
	v49 =	vor.u32 v1, v32  }
0x136: {  	s23 =	sadd.s32 s23, s8;
	v51 =	vld.idx.msk [tilespmem:v53+s10+$0x0], $0xffff;
	v53 =	vor.u32 v20, v38;
	[tilespmem:s26+$0x830] =	vst v45  }
0x137: {  	v45 =	vor.u32 v20, v37;
	[tilespmem:s25+$0x0] =	vst v47;
	v47 =	vld.idx.msk [tilespmem:v48+s10+$0x0], $0xffff  }
0x138: {  	v48 =	vor.u32 v2, v41;
	[tilespmem:s24+$0x0] =	vst v44;
	v44 =	vld.idx.msk [tilespmem:v52+s10+$0x0], $0xffff  }
0x139: {  	v52 =	vld.idx.msk [tilespmem:v54+s10+$0x0], $0xffff;
	[tilespmem:s23+$0x0] =	vst v46;
	v46 =	vor.u32 v21, v35  }
0x13a: {  	v54 =	vor.u32 v2, v34;
	v49 =	vld.idx.msk [tilespmem:v49+s10+$0x0], $0xffff;
	[tilespmem:s30+$0x830] =	vst v42  }
0x13b: {  	v42 =	vor.u32 v2, v33;
	[tilespmem:s29+$0x830] =	vst v50;
	v50 =	vld.idx.msk [tilespmem:v53+s10+$0x0], $0xffff  }
0x13c: {  	[tilespmem:s6+$0x10] =	vst v51;
	v51 =	vor.u32 v2, v32;
	v45 =	vld.idx.msk [tilespmem:v45+s10+$0x0], $0xffff  }
0x13d: {  	v48 =	vld.idx.msk [tilespmem:v48+s10+$0x0], $0xffff;
	[tilespmem:s26+$0x840] =	vst v47;
	v47 =	vor.u32 v20, v36  }
0x13e: {  	[tilespmem:s25+$0x10] =	vst v44;
	v44 =	vor.u32 v21, v38;
	v46 =	vld.idx.msk [tilespmem:v46+s10+$0x0], $0xffff  }
0x13f: {  	v53 =	vor.u32 v3, v41;
	[tilespmem:s24+$0x10] =	vst v52;
	v52 =	vld.idx.msk [tilespmem:v54+s10+$0x0], $0xffff  }
0x140: {  	v42 =	vld.idx.msk [tilespmem:v42+s10+$0x0], $0xffff;
	[tilespmem:s23+$0x10] =	vst v49;
	v49 =	vor.u32 v22, v35  }
0x141: {  	v54 =	vor.u32 v3, v34;
	v51 =	vld.idx.msk [tilespmem:v51+s10+$0x0], $0xffff;
	[tilespmem:s28+$0x830] =	vst v43  }
0x142: {  	v43 =	vor.u32 v3, v33;
	[tilespmem:s30+$0x840] =	vst v50;
	v47 =	vld.idx.msk [tilespmem:v47+s10+$0x0], $0xffff  }
0x143: {  	[tilespmem:s6+$0x20] =	vst v48;
	v48 =	vor.u32 v3, v32;
	v44 =	vld.idx.msk [tilespmem:v44+s10+$0x0], $0xffff  }
0x144: {  	v50 =	vld.idx.msk [tilespmem:v53+s10+$0x0], $0xffff;
	v53 =	vor.u32 v21, v37;
	[tilespmem:s26+$0x850] =	vst v46  }
0x145: {  	[tilespmem:s25+$0x20] =	vst v52;
	v46 =	vld.idx.msk [tilespmem:v49+s10+$0x0], $0xffff;
	v49 =	vor.u32 v21, v36  }
0x146: {  	v52 =	vor.u32 v4, v41;
	[tilespmem:s24+$0x20] =	vst v42;
	v42 =	vld.idx.msk [tilespmem:v54+s10+$0x0], $0xffff  }
0x147: {  	v43 =	vld.idx.msk [tilespmem:v43+s10+$0x0], $0xffff;
	[tilespmem:s23+$0x20] =	vst v51;
	v51 =	vor.u32 v23, v35  }
0x148: {  	v54 =	vor.u32 v4, v34;
	v48 =	vld.idx.msk [tilespmem:v48+s10+$0x0], $0xffff;
	[tilespmem:s29+$0x840] =	vst v45  }
0x149: {  	v45 =	vor.u32 v4, v33;
	v53 =	vld.idx.msk [tilespmem:v53+s10+$0x0], $0xffff;
	[tilespmem:s28+$0x840] =	vst v47  }
0x14a: {  	v47 =	vor.u32 v4, v32;
	[tilespmem:s6+$0x30] =	vst v50;
	v49 =	vld.idx.msk [tilespmem:v49+s10+$0x0], $0xffff  }
0x14b: {  	v50 =	vld.idx.msk [tilespmem:v52+s10+$0x0], $0xffff;
	v52 =	vor.u32 v22, v38;
	[tilespmem:s26+$0x860] =	vst v46  }
0x14c: {  	[tilespmem:s25+$0x30] =	vst v42;
	v42 =	vor.u32 v22, v37;
	v46 =	vld.idx.msk [tilespmem:v51+s10+$0x0], $0xffff  }
0x14d: {  	v51 =	vor.u32 v5, v41;
	[tilespmem:s24+$0x30] =	vst v43;
	v43 =	vld.idx.msk [tilespmem:v54+s10+$0x0], $0xffff  }
0x14e: {  	v45 =	vld.idx.msk [tilespmem:v45+s10+$0x0], $0xffff;
	[tilespmem:s23+$0x30] =	vst v48;
	v48 =	vor.u32 v24, v35  }
0x14f: {  	v54 =	vor.u32 v5, v34;
	v47 =	vld.idx.msk [tilespmem:v47+s10+$0x0], $0xffff;
	[tilespmem:s30+$0x850] =	vst v44  }
0x150: {  	v44 =	vor.u32 v5, v33;
	[tilespmem:s29+$0x850] =	vst v53;
	v52 =	vld.idx.msk [tilespmem:v52+s10+$0x0], $0xffff  }
0x151: {  	[tilespmem:s6+$0x40] =	vst v50;
	v50 =	vor.u32 v5, v32;
	v42 =	vld.idx.msk [tilespmem:v42+s10+$0x0], $0xffff  }
0x152: {  	v51 =	vld.idx.msk [tilespmem:v51+s10+$0x0], $0xffff;
	[tilespmem:s26+$0x870] =	vst v46;
	v46 =	vor.u32 v22, v36  }
0x153: {  	[tilespmem:s25+$0x40] =	vst v43;
	v43 =	vor.u32 v23, v38;
	v48 =	vld.idx.msk [tilespmem:v48+s10+$0x0], $0xffff  }
0x154: {  	v53 =	vor.u32 v6, v41;
	[tilespmem:s24+$0x40] =	vst v45;
	v45 =	vld.idx.msk [tilespmem:v54+s10+$0x0], $0xffff  }
0x155: {  	v44 =	vld.idx.msk [tilespmem:v44+s10+$0x0], $0xffff;
	[tilespmem:s23+$0x40] =	vst v47;
	v47 =	vor.u32 v25, v35  }
0x156: {  	v54 =	vor.u32 v6, v34;
	v50 =	vld.idx.msk [tilespmem:v50+s10+$0x0], $0xffff;
	[tilespmem:s28+$0x850] =	vst v49  }
0x157: {  	v49 =	vor.u32 v6, v33;
	[tilespmem:s30+$0x860] =	vst v52;
	v46 =	vld.idx.msk [tilespmem:v46+s10+$0x0], $0xffff  }
0x158: {  	[tilespmem:s6+$0x50] =	vst v51;
	v51 =	vor.u32 v6, v32;
	v43 =	vld.idx.msk [tilespmem:v43+s10+$0x0], $0xffff  }
0x159: {  	v52 =	vld.idx.msk [tilespmem:v53+s10+$0x0], $0xffff;
	v53 =	vor.u32 v23, v37;
	[tilespmem:s26+$0xC00] =	vst v48  }
0x15a: {  	[tilespmem:s25+$0x50] =	vst v45;
	v45 =	vld.idx.msk [tilespmem:v47+s10+$0x0], $0xffff;
	v47 =	vor.u32 v23, v36  }
0x15b: {  	v48 =	vor.u32 v7, v41;
	[tilespmem:s24+$0x50] =	vst v44;
	v44 =	vld.idx.msk [tilespmem:v54+s10+$0x0], $0xffff  }
0x15c: {  	v49 =	vld.idx.msk [tilespmem:v49+s10+$0x0], $0xffff;
	[tilespmem:s23+$0x50] =	vst v50;
	v50 =	vor.u32 v26, v35  }
0x15d: {  	v54 =	vor.u32 v7, v34;
	v51 =	vld.idx.msk [tilespmem:v51+s10+$0x0], $0xffff;
	[tilespmem:s29+$0x860] =	vst v42  }
0x15e: {  	v42 =	vor.u32 v7, v33;
	v53 =	vld.idx.msk [tilespmem:v53+s10+$0x0], $0xffff;
	[tilespmem:s28+$0x860] =	vst v46  }
0x15f: {  	v46 =	vor.u32 v7, v32;
	[tilespmem:s6+$0x60] =	vst v52;
	v47 =	vld.idx.msk [tilespmem:v47+s10+$0x0], $0xffff  }
0x160: {  	v52 =	vor.u32 v24, v38;
	v48 =	vld.idx.msk [tilespmem:v48+s10+$0x0], $0xffff;
	[tilespmem:s26+$0xC10] =	vst v45  }
0x161: {  	[tilespmem:s25+$0x60] =	vst v44;
	v44 =	vor.u32 v24, v37;
	v45 =	vld.idx.msk [tilespmem:v50+s10+$0x0], $0xffff  }
0x162: {  	v50 =	vor.u32 v8, v41;
	[tilespmem:s24+$0x60] =	vst v49;
	v49 =	vld.idx.msk [tilespmem:v54+s10+$0x0], $0xffff  }
0x163: {  	v42 =	vld.idx.msk [tilespmem:v42+s10+$0x0], $0xffff;
	[tilespmem:s23+$0x60] =	vst v51;
	v51 =	vor.u32 v27, v35  }
0x164: {  	v54 =	vor.u32 v8, v34;
	v46 =	vld.idx.msk [tilespmem:v46+s10+$0x0], $0xffff;
	[tilespmem:s30+$0x870] =	vst v43  }
0x165: {  	v43 =	vor.u32 v8, v33;
	[tilespmem:s29+$0x870] =	vst v53;
	v52 =	vld.idx.msk [tilespmem:v52+s10+$0x0], $0xffff  }
0x166: {  	[tilespmem:s6+$0x70] =	vst v48;
	v48 =	vor.u32 v8, v32;
	v44 =	vld.idx.msk [tilespmem:v44+s10+$0x0], $0xffff  }
0x167: {  	v50 =	vld.idx.msk [tilespmem:v50+s10+$0x0], $0xffff;
	[tilespmem:s26+$0xC20] =	vst v45;
	v45 =	vor.u32 v24, v36  }
0x168: {  	[tilespmem:s25+$0x70] =	vst v49;
	v49 =	vor.u32 v25, v38;
	v51 =	vld.idx.msk [tilespmem:v51+s10+$0x0], $0xffff  }
0x169: {  	v53 =	vor.u32 v9, v41;
	[tilespmem:s24+$0x70] =	vst v42;
	v42 =	vld.idx.msk [tilespmem:v54+s10+$0x0], $0xffff  }
0x16a: {  	v43 =	vld.idx.msk [tilespmem:v43+s10+$0x0], $0xffff;
	[tilespmem:s23+$0x70] =	vst v46;
	v46 =	vor.u32 v28, v35  }
0x16b: {  	v54 =	vor.u32 v9, v34;
	v48 =	vld.idx.msk [tilespmem:v48+s10+$0x0], $0xffff;
	[tilespmem:s28+$0x870] =	vst v47  }
0x16c: {  	v47 =	vor.u32 v9, v33;
	[tilespmem:s30+$0xC00] =	vst v52;
	v45 =	vld.idx.msk [tilespmem:v45+s10+$0x0], $0xffff  }
0x16d: {  	[tilespmem:s6+$0x400] =	vst v50;
	v50 =	vor.u32 v9, v32;
	v49 =	vld.idx.msk [tilespmem:v49+s10+$0x0], $0xffff  }
0x16e: {  	v52 =	vld.idx.msk [tilespmem:v53+s10+$0x0], $0xffff;
	v53 =	vor.u32 v25, v37;
	[tilespmem:s26+$0xC30] =	vst v51  }
0x16f: {  	[tilespmem:s25+$0x400] =	vst v42;
	v42 =	vld.idx.msk [tilespmem:v46+s10+$0x0], $0xffff;
	v46 =	vor.u32 v25, v36  }
0x170: {  	v51 =	vor.u32 v10, v41;
	[tilespmem:s24+$0x400] =	vst v43;
	v43 =	vld.idx.msk [tilespmem:v54+s10+$0x0], $0xffff  }
0x171: {  	v47 =	vld.idx.msk [tilespmem:v47+s10+$0x0], $0xffff;
	[tilespmem:s23+$0x400] =	vst v48;
	v48 =	vor.u32 v29, v35  }
0x172: {  	v54 =	vor.u32 v10, v34;
	v50 =	vld.idx.msk [tilespmem:v50+s10+$0x0], $0xffff;
	[tilespmem:s29+$0xC00] =	vst v44  }
0x173: {  	v44 =	vor.u32 v10, v33;
	v53 =	vld.idx.msk [tilespmem:v53+s10+$0x0], $0xffff;
	[tilespmem:s28+$0xC00] =	vst v45  }
0x174: {  	v45 =	vor.u32 v10, v32;
	[tilespmem:s6+$0x410] =	vst v52;
	v46 =	vld.idx.msk [tilespmem:v46+s10+$0x0], $0xffff  }
0x175: {  	v52 =	vor.u32 v26, v38;
	v51 =	vld.idx.msk [tilespmem:v51+s10+$0x0], $0xffff;
	[tilespmem:s26+$0xC40] =	vst v42  }
0x176: {  	v42 =	vor.u32 v26, v37;
	[tilespmem:s25+$0x410] =	vst v43;
	v43 =	vld.idx.msk [tilespmem:v48+s10+$0x0], $0xffff  }
0x177: {  	v48 =	vor.u32 v11, v41;
	[tilespmem:s24+$0x410] =	vst v47;
	v47 =	vld.idx.msk [tilespmem:v54+s10+$0x0], $0xffff  }
0x178: {  	v44 =	vld.idx.msk [tilespmem:v44+s10+$0x0], $0xffff;
	[tilespmem:s23+$0x410] =	vst v50;
	v50 =	vor.u32 v30, v35  }
0x179: {  	v54 =	vor.u32 v11, v34;
	v45 =	vld.idx.msk [tilespmem:v45+s10+$0x0], $0xffff;
	[tilespmem:s30+$0xC10] =	vst v49  }
0x17a: {  	v49 =	vor.u32 v11, v33;
	[tilespmem:s29+$0xC10] =	vst v53;
	v52 =	vld.idx.msk [tilespmem:v52+s10+$0x0], $0xffff  }
0x17b: {  	[tilespmem:s6+$0x420] =	vst v51;
	v51 =	vor.u32 v11, v32;
	v42 =	vld.idx.msk [tilespmem:v42+s10+$0x0], $0xffff  }
0x17c: {  	v48 =	vld.idx.msk [tilespmem:v48+s10+$0x0], $0xffff;
	[tilespmem:s26+$0xC50] =	vst v43;
	v43 =	vor.u32 v26, v36  }
0x17d: {  	[tilespmem:s25+$0x420] =	vst v47;
	v47 =	vor.u32 v27, v38;
	v50 =	vld.idx.msk [tilespmem:v50+s10+$0x0], $0xffff  }
0x17e: {  	v53 =	vor.u32 v12, v41;
	[tilespmem:s24+$0x420] =	vst v44;
	v44 =	vld.idx.msk [tilespmem:v54+s10+$0x0], $0xffff  }
0x17f: {  	v49 =	vld.idx.msk [tilespmem:v49+s10+$0x0], $0xffff;
	[tilespmem:s23+$0x420] =	vst v45;
	v45 =	vor.u32 v31, v35;
	v35 =	vmov v41  }
0x180: {  	v41 =	vor.u32 v12, v34;
	v51 =	vld.idx.msk [tilespmem:v51+s10+$0x0], $0xffff;
	[tilespmem:s28+$0xC10] =	vst v46  }
0x181: {  	v46 =	vor.u32 v12, v33;
	[tilespmem:s30+$0xC20] =	vst v52;
	v43 =	vld.idx.msk [tilespmem:v43+s10+$0x0], $0xffff  }
0x182: {  	s8 =	sadd.s32 $0x1, s0;
	[tilespmem:s6+$0x430] =	vst v48;
	v48 =	vor.u32 v12, v32;
	v47 =	vld.idx.msk [tilespmem:v47+s10+$0x0], $0xffff  }
0x183: {  	v54 =	vor.u32 v27, v37;
	v52 =	vmov s8;
	v53 =	vld.idx.msk [tilespmem:v53+s10+$0x0], $0xffff;
	[tilespmem:s26+$0xC60] =	vst v50  }
0x184: {  	v50 =	vand.u32 $0xFFFFFFFD, v52;
	[tilespmem:s25+$0x430] =	vst v44;
	v44 =	vld.idx.msk [tilespmem:v45+s10+$0x0], $0xffff;
	v45 =	vor.u32 v27, v36  }
0x185: {  	v50 =	vbroadcast v50, $0x0;
	[tilespmem:s24+$0x430] =	vst v49;
	v41 =	vld.idx.msk [tilespmem:v41+s10+$0x0], $0xffff;
	v49 =	vor.u32 v13, v35  }
0x186: {  	v46 =	vld.idx.msk [tilespmem:v46+s10+$0x0], $0xffff;
	[tilespmem:s23+$0x430] =	vst v51  }
0x187: {  	v51 =	vor.u32 v13, v34;
	v48 =	vld.idx.msk [tilespmem:v48+s10+$0x0], $0xffff;
	[tilespmem:s29+$0xC20] =	vst v42  }
0x188: {  	v52 =	vor.u32 v13, v33;
	v54 =	vld.idx.msk [tilespmem:v54+s10+$0x0], $0xffff;
	[tilespmem:s28+$0xC20] =	vst v43  }
0x189: {  	v43 =	vor.u32 v13, v32;
	[tilespmem:s6+$0x440] =	vst v53;
	v45 =	vld.idx.msk [tilespmem:v45+s10+$0x0], $0xffff  }
0x18a: {  	v53 =	vor.u32 v28, v38;
	v49 =	vld.idx.msk [tilespmem:v49+s10+$0x0], $0xffff;
	[tilespmem:s26+$0xC70] =	vst v44;
	s26 =	smov.u32 s6  }
0x18b: {  	v42 =	vld.idx.msk [tilespmem:v50+s3+$0x0], $0xffff;
	[tilespmem:s25+$0x440] =	vst v41;
	v41 =	vor.u32 v28, v37  }
0x18c: {  	[tilespmem:s24+$0x440] =	vst v46;
	v44 =	vld.idx.msk [tilespmem:v51+s10+$0x0], $0xffff;
	v46 =	vor.u32 v14, v35  }
0x18d: {  	v50 =	vld.idx.msk [tilespmem:v52+s10+$0x0], $0xffff;
	[tilespmem:s23+$0x440] =	vst v48;
	v48 =	vor.u32 v28, v36  }
0x18e: {  	v51 =	vor.u32 v14, v34;
	v43 =	vld.idx.msk [tilespmem:v43+s10+$0x0], $0xffff;
	[tilespmem:s30+$0xC30] =	vst v47  }
0x18f: {  	v47 =	vor.u32 v14, v33;
	[tilespmem:s29+$0xC30] =	vst v54;
	v52 =	vld.idx.msk [tilespmem:v53+s10+$0x0], $0xffff  }
0x190: {  	[tilespmem:s26+$0x450] =	vst v49;
	v49 =	vor.u32 v14, v32;
	v41 =	vld.idx.msk [tilespmem:v41+s10+$0x0], $0xffff  }
0x191: {  	v53 =	vor.u32 v29, v38;
	v46 =	vld.idx.msk [tilespmem:v46+s10+$0x0], $0xffff;
	[tilespmem:s28+$0xC30] =	vst v45  }
0x192: {  	[tilespmem:s25+$0x450] =	vst v44;
	v44 =	vor.u32 v29, v37;
	v45 =	vld.idx.msk [tilespmem:v48+s10+$0x0], $0xffff  }
0x193: {  	[tilespmem:s24+$0x450] =	vst v50;
	v48 =	vld.idx.msk [tilespmem:v51+s10+$0x0], $0xffff;
	v50 =	vor.u32 v15, v35  }
0x194: {  	v47 =	vld.idx.msk [tilespmem:v47+s10+$0x0], $0xffff;
	[tilespmem:s23+$0x450] =	vst v43;
	v43 =	vor.u32 v29, v36  }
0x195: {  	v51 =	vor.u32 v15, v34;
	v54 =	vld.idx.msk [tilespmem:v49+s10+$0x0], $0xffff;
	[tilespmem:s30+$0xC40] =	vst v52  }
0x196: {  	v55 =	vor.u32 v15, v33;
	[tilespmem:s29+$0xC40] =	vst v41;
	v53 =	vld.idx.msk [tilespmem:v53+s10+$0x0], $0xffff  }
0x197: {  	v56 =	vor.u32 v15, v32;
	[tilespmem:s26+$0x460] =	vst v46;
	v57 =	vld.idx.msk [tilespmem:v44+s10+$0x0], $0xffff  }
0x198: {  	v58 =	vor.u32 v30, v38;
	v50 =	vld.idx.msk [tilespmem:v50+s10+$0x0], $0xffff;
	[tilespmem:s28+$0xC40] =	vst v45  }
0x199: {  	[tilespmem:s25+$0x460] =	vst v48;
	v48 =	vor.u32 v30, v37;
	v49 =	vld.idx.msk [tilespmem:v43+s10+$0x0], $0xffff  }
.Ltmp5:
0x19a: {  	v52 =	vor.u32 v16, v35;
	[tilespmem:s24+$0x460] =	vst v47;
	v41 =	vld.idx.msk [tilespmem:v51+s10+$0x0], $0xffff;
	(pc) =	sbr.rel @p0 .LBB2_4-.Ltmp5, $4  }
0x19b: {  	v51 =	vor.u32 v30, v36;
	v44 =	vld.idx.msk [tilespmem:v55+s10+$0x0], $0xffff;
	[tilespmem:s23+$0x460] =	vst v54  }
0x19c: {  	v46 =	vor.u32 v16, v34;
	v43 =	vld.idx.msk [tilespmem:v56+s10+$0x0], $0xffff;
	[tilespmem:s30+$0xC50] =	vst v53  }
0x19d: {  	v47 =	vor.u32 v16, v33;
	[tilespmem:s29+$0xC50] =	vst v57;
	v45 =	vld.idx.msk [tilespmem:v58+s10+$0x0], $0xffff  }
0x19e: {  	s6 =	sadd.s32 $0x2, s0;
	s0 =	sadd.s32 $0x4, s0;
	[tilespmem:s26+$0x470] =	vst v50;
	v50 =	vor.u32 v16, v32;
	v48 =	vld.idx.msk [tilespmem:v48+s10+$0x0], $0xffff  }
0x19f: {  	v53 =	vmov s6  }
0x1a0: {  	v53 =	vand.u32 $0xFFFFFFFE, v53  }
0x1a1: {  	v53 =	vbroadcast v53, $0x0;
	_ =	sdelay $0x5  }
0x1a2: {  	v53 =	vld.idx.msk [tilespmem:v53+s3+$0x0], $0xffff;
	_ =	sdelay $0x1  }
0x1a3: {  	v63 =	vor.u32 v31, v38  }
0x1a4: {  	[tilespmem:s28+$0xC50] =	vst v49;
	v62 =	vld.idx.msk [tilespmem:v52+s10+$0x0], $0xffff;
	v42 =	vshll.u32 v42, $0x9  }
0x1a5: {  	[tilespmem:s25+$0x470] =	vst v41;
	v40 =	vshll.u32 v40, $0x9;
	v51 =	vld.idx.msk [tilespmem:v51+s10+$0x0], $0xffff;
	v57 =	vor.u32 v0, v42  }
0x1a6: {  	[tilespmem:s24+$0x470] =	vst v44;
	v46 =	vld.idx.msk [tilespmem:v46+s10+$0x0], $0xffff;
	v58 =	vor.u32 v0, v40;
	v41 =	vshll.u32 v53, $0x9  }
0x1a7: {  	v47 =	vld.idx.msk [tilespmem:v47+s10+$0x0], $0xffff;
	[tilespmem:s30+$0xC60] =	vst v45;
	v56 =	vor.u32 v0, v41  }
0x1a8: {  	v38 =	vshll.u32 v39, $0x9;
	v37 =	vor.u32 v31, v37;
	[tilespmem:s23+$0x470] =	vst v43;
	v61 =	vld.idx.msk [tilespmem:v63+s10+$0x0], $0xffff  }
0x1a9: {  	v60 =	vor.u32 v0, v38;
	v59 =	vld.idx.msk [tilespmem:v50+s10+$0x0], $0xffff  }
0x1aa: {  	s0 =	sadd.s32 $0x800, s31;
	[tilespmem:s26+$0x800] =	vst v62;
	v62 =	vor.u32 v17, v35;
	v43 =	vld.idx.msk [tilespmem:v57+s10+$0x0], $0xffff  }
0x1ab: {  	s6 =	sadd.s32 $0x200, s1;
	s0 =	sand.u32 $0x7000, s0;
	v54 =	vor.u32 v1, v42;
	[tilespmem:s29+$0xC60] =	vst v48;
	v39 =	vld.idx.msk [tilespmem:v58+s10+$0x0], $0xffff  }
0x1ac: {  	s1 =	sadd.s32 $0xFFFFFF80, s6;
	s31 =	sadd.s32 $0xFFFFFF00, s6;
	s8 =	sadd.s32 $0xC100, s0;
	[tilespmem:s28+$0xC60] =	vst v51;
	v44 =	vld.idx.msk [tilespmem:v56+s10+$0x0], $0xffff;
	v56 =	vor.u32 v1, v40  }
0x1ad: {  	s1 =	sand.u32 $0x300, s1;
	s31 =	sand.u32 $0x280, s31;
	v37 =	vld.idx.msk [tilespmem:v37+s10+$0x0], $0xffff;
	[tilespmem:s30+$0xC70] =	vst v61;
	s30 =	sadd.s32 $0xFFFFFE80, s6;
	v63 =	vor.u32 v1, v41  }
0x1ae: {  	s0 =	sadd.s32 s1, s8;
	s1 =	sor.u32 s31, s8;
	[tilespmem:s25+$0x800] =	vst v46;
	v55 =	vld.idx.msk [tilespmem:v60+s10+$0x0], $0xffff;
	s30 =	sand.u32 $0x200, s30  }
0x1af: {  	v36 =	vor.u32 v31, v36;
	v49 =	vld.idx.msk [tilespmem:v62+s10+$0x0], $0xffff;
	[tilespmem:s1+$0x0] =	vst v43;
	s30 =	sor.u32 s30, s8  }
0x1b0: {  	v57 =	vor.u32 v1, v38;
	v60 =	vld.idx.msk [tilespmem:v54+s10+$0x0], $0xffff;
	[tilespmem:s30+$0x0] =	vst v39  }
0x1b1: {  	v58 =	vor.u32 v17, v34;
	s6 =	sand.u32 $0x380, s6;
	[tilespmem:s0+$0x0] =	vst v44;
	v62 =	vld.idx.msk [tilespmem:v56+s10+$0x0], $0xffff  }
0x1b2: {  	[tilespmem:s24+$0x800] =	vst v47;
	s8 =	sadd.s32 s6, s8;
	v46 =	vld.idx.msk [tilespmem:v63+s10+$0x0], $0xffff;
	v63 =	vor.u32 v2, v42  }
0x1b3: {  	[tilespmem:s8+$0x0] =	vst v55;
	v55 =	vor.u32 v2, v40  }
0x1b4: {  	v36 =	vld.idx.msk [tilespmem:v36+s10+$0x0], $0xffff;
	[tilespmem:s23+$0x800] =	vst v59;
	v61 =	vor.u32 v2, v41  }
0x1b5: {  	v59 =	vor.u32 v17, v33;
	[tilespmem:s29+$0xC70] =	vst v37;
	v54 =	vld.idx.msk [tilespmem:v57+s10+$0x0], $0xffff  }
0x1b6: {  	v57 =	vor.u32 v2, v38;
	[tilespmem:s1+$0x10] =	vst v60;
	v56 =	vld.idx.msk [tilespmem:v58+s10+$0x0], $0xffff  }
0x1b7: {  	[tilespmem:s30+$0x10] =	vst v62;
	v39 =	vld.idx.msk [tilespmem:v63+s10+$0x0], $0xffff  }
0x1b8: {  	v58 =	vor.u32 v17, v32;
	[tilespmem:s0+$0x10] =	vst v46;
	v60 =	vld.idx.msk [tilespmem:v55+s10+$0x0], $0xffff  }
0x1b9: {  	[tilespmem:s28+$0xC70] =	vst v36;
	v43 =	vld.idx.msk [tilespmem:v61+s10+$0x0], $0xffff;
	v61 =	vor.u32 v3, v42  }
0x1ba: {  	[tilespmem:s8+$0x10] =	vst v54;
	v44 =	vld.idx.msk [tilespmem:v59+s10+$0x0], $0xffff;
	v63 =	vor.u32 v3, v40  }
0x1bb: {  	[tilespmem:s26+$0x810] =	vst v49;
	v59 =	vor.u32 v3, v41;
	v62 =	vld.idx.msk [tilespmem:v57+s10+$0x0], $0xffff  }
0x1bc: {  	v53 =	vor.u32 v3, v38;
	[tilespmem:s25+$0x810] =	vst v56  }
0x1bd: {  	v52 =	vld.idx.msk [tilespmem:v58+s10+$0x0], $0xffff;
	v55 =	vor.u32 v18, v34;
	[tilespmem:s1+$0x20] =	vst v39  }
0x1be: {  	v54 =	vor.u32 v18, v35;
	[tilespmem:s30+$0x20] =	vst v60;
	v37 =	vld.idx.msk [tilespmem:v61+s10+$0x0], $0xffff  }
0x1bf: {  	v57 =	vor.u32 v4, v42;
	[tilespmem:s0+$0x20] =	vst v43;
	v46 =	vld.idx.msk [tilespmem:v63+s10+$0x0], $0xffff  }
0x1c0: {  	v58 =	vor.u32 v4, v40;
	[tilespmem:s8+$0x20] =	vst v62;
	v45 =	vld.idx.msk [tilespmem:v59+s10+$0x0], $0xffff  }
0x1c1: {  	[tilespmem:s24+$0x810] =	vst v44;
	v56 =	vor.u32 v4, v41;
	v44 =	vld.idx.msk [tilespmem:v53+s10+$0x0], $0xffff  }
0x1c2: {  	[tilespmem:s23+$0x810] =	vst v52;
	v60 =	vor.u32 v4, v38;
	v43 =	vld.idx.msk [tilespmem:v55+s10+$0x0], $0xffff  }
0x1c3: {  	v61 =	vor.u32 v18, v33;
	v59 =	vld.idx.msk [tilespmem:v54+s10+$0x0], $0xffff;
	[tilespmem:s1+$0x30] =	vst v37  }
0x1c4: {  	v62 =	vor.u32 v18, v32;
	[tilespmem:s30+$0x30] =	vst v46;
	v37 =	vld.idx.msk [tilespmem:v57+s10+$0x0], $0xffff  }
0x1c5: {  	v53 =	vor.u32 v5, v42;
	[tilespmem:s0+$0x30] =	vst v45;
	v52 =	vld.idx.msk [tilespmem:v58+s10+$0x0], $0xffff  }
0x1c6: {  	v54 =	vor.u32 v5, v40;
	[tilespmem:s8+$0x30] =	vst v44;
	v39 =	vld.idx.msk [tilespmem:v56+s10+$0x0], $0xffff  }
0x1c7: {  	v63 =	vor.u32 v5, v41;
	v36 =	vld.idx.msk [tilespmem:v60+s10+$0x0], $0xffff;
	[tilespmem:s25+$0x820] =	vst v43  }
0x1c8: {  	v55 =	vld.idx.msk [tilespmem:v61+s10+$0x0], $0xffff;
	[tilespmem:s26+$0x820] =	vst v59;
	v56 =	vor.u32 v5, v38  }
0x1c9: {  	v57 =	vor.u32 v19, v35;
	v45 =	vld.idx.msk [tilespmem:v62+s10+$0x0], $0xffff;
	[tilespmem:s1+$0x40] =	vst v37  }
0x1ca: {  	v58 =	vor.u32 v19, v34;
	[tilespmem:s30+$0x40] =	vst v52;
	v37 =	vld.idx.msk [tilespmem:v53+s10+$0x0], $0xffff  }
0x1cb: {  	v60 =	vor.u32 v6, v42;
	[tilespmem:s0+$0x40] =	vst v39;
	v47 =	vld.idx.msk [tilespmem:v54+s10+$0x0], $0xffff  }
0x1cc: {  	v61 =	vor.u32 v6, v40;
	[tilespmem:s8+$0x40] =	vst v36;
	v46 =	vld.idx.msk [tilespmem:v63+s10+$0x0], $0xffff  }
0x1cd: {  	v59 =	vor.u32 v6, v41;
	[tilespmem:s24+$0x820] =	vst v55;
	v43 =	vld.idx.msk [tilespmem:v56+s10+$0x0], $0xffff  }
0x1ce: {  	v62 =	vld.idx.msk [tilespmem:v57+s10+$0x0], $0xffff;
	[tilespmem:s23+$0x820] =	vst v45;
	v63 =	vor.u32 v6, v38  }
0x1cf: {  	v52 =	vor.u32 v19, v33;
	v39 =	vld.idx.msk [tilespmem:v58+s10+$0x0], $0xffff;
	[tilespmem:s1+$0x50] =	vst v37  }
0x1d0: {  	v53 =	vor.u32 v20, v35;
	[tilespmem:s30+$0x50] =	vst v47;
	v36 =	vld.idx.msk [tilespmem:v60+s10+$0x0], $0xffff  }
0x1d1: {  	v55 =	vor.u32 v7, v42;
	[tilespmem:s0+$0x50] =	vst v46;
	v47 =	vld.idx.msk [tilespmem:v61+s10+$0x0], $0xffff  }
0x1d2: {  	v56 =	vor.u32 v7, v40;
	[tilespmem:s8+$0x50] =	vst v43;
	v44 =	vld.idx.msk [tilespmem:v59+s10+$0x0], $0xffff  }
0x1d3: {  	v54 =	vor.u32 v7, v41;
	[tilespmem:s26+$0x830] =	vst v62;
	v45 =	vld.idx.msk [tilespmem:v63+s10+$0x0], $0xffff  }
0x1d4: {  	v58 =	vor.u32 v7, v38;
	v57 =	vld.idx.msk [tilespmem:v52+s10+$0x0], $0xffff;
	[tilespmem:s25+$0x830] =	vst v39  }
0x1d5: {  	v46 =	vld.idx.msk [tilespmem:v53+s10+$0x0], $0xffff;
	v59 =	vor.u32 v19, v32;
	[tilespmem:s1+$0x60] =	vst v36  }
0x1d6: {  	v60 =	vor.u32 v20, v34;
	[tilespmem:s30+$0x60] =	vst v47;
	v36 =	vld.idx.msk [tilespmem:v55+s10+$0x0], $0xffff  }
0x1d7: {  	v62 =	vor.u32 v8, v42;
	[tilespmem:s0+$0x60] =	vst v44;
	v47 =	vld.idx.msk [tilespmem:v56+s10+$0x0], $0xffff  }
0x1d8: {  	v63 =	vor.u32 v8, v40;
	[tilespmem:s8+$0x60] =	vst v45;
	v37 =	vld.idx.msk [tilespmem:v54+s10+$0x0], $0xffff  }
0x1d9: {  	v61 =	vor.u32 v8, v41;
	[tilespmem:s24+$0x830] =	vst v57;
	v39 =	vld.idx.msk [tilespmem:v58+s10+$0x0], $0xffff  }
0x1da: {  	v53 =	vor.u32 v8, v38;
	[tilespmem:s26+$0x840] =	vst v46;
	v52 =	vld.idx.msk [tilespmem:v59+s10+$0x0], $0xffff  }
0x1db: {  	v44 =	vld.idx.msk [tilespmem:v60+s10+$0x0], $0xffff;
	v54 =	vor.u32 v21, v35;
	[tilespmem:s1+$0x70] =	vst v36  }
0x1dc: {  	v55 =	vor.u32 v20, v33;
	[tilespmem:s30+$0x70] =	vst v47;
	v36 =	vld.idx.msk [tilespmem:v62+s10+$0x0], $0xffff  }
0x1dd: {  	v57 =	vor.u32 v9, v42;
	[tilespmem:s0+$0x70] =	vst v37;
	v47 =	vld.idx.msk [tilespmem:v63+s10+$0x0], $0xffff  }
0x1de: {  	v58 =	vor.u32 v9, v40;
	[tilespmem:s8+$0x70] =	vst v39;
	v43 =	vld.idx.msk [tilespmem:v61+s10+$0x0], $0xffff  }
0x1df: {  	v56 =	vor.u32 v9, v41;
	[tilespmem:s23+$0x830] =	vst v52;
	v46 =	vld.idx.msk [tilespmem:v53+s10+$0x0], $0xffff  }
0x1e0: {  	v60 =	vor.u32 v9, v38;
	[tilespmem:s25+$0x840] =	vst v44;
	v59 =	vld.idx.msk [tilespmem:v54+s10+$0x0], $0xffff  }
0x1e1: {  	v37 =	vld.idx.msk [tilespmem:v55+s10+$0x0], $0xffff;
	v61 =	vor.u32 v20, v32;
	[tilespmem:s1+$0x400] =	vst v36  }
0x1e2: {  	v62 =	vor.u32 v22, v35;
	[tilespmem:s30+$0x400] =	vst v47;
	v36 =	vld.idx.msk [tilespmem:v57+s10+$0x0], $0xffff  }
0x1e3: {  	v52 =	vor.u32 v10, v42;
	[tilespmem:s0+$0x400] =	vst v43;
	v47 =	vld.idx.msk [tilespmem:v58+s10+$0x0], $0xffff  }
0x1e4: {  	v53 =	vor.u32 v10, v40;
	[tilespmem:s8+$0x400] =	vst v46;
	v45 =	vld.idx.msk [tilespmem:v56+s10+$0x0], $0xffff  }
0x1e5: {  	v63 =	vor.u32 v10, v41;
	[tilespmem:s26+$0x850] =	vst v59;
	v44 =	vld.idx.msk [tilespmem:v60+s10+$0x0], $0xffff  }
0x1e6: {  	v55 =	vor.u32 v10, v38;
	[tilespmem:s24+$0x840] =	vst v37;
	v54 =	vld.idx.msk [tilespmem:v61+s10+$0x0], $0xffff  }
0x1e7: {  	v43 =	vld.idx.msk [tilespmem:v62+s10+$0x0], $0xffff;
	v56 =	vor.u32 v21, v34;
	[tilespmem:s1+$0x410] =	vst v36  }
0x1e8: {  	v57 =	vor.u32 v21, v33;
	[tilespmem:s30+$0x410] =	vst v47;
	v36 =	vld.idx.msk [tilespmem:v52+s10+$0x0], $0xffff  }
0x1e9: {  	v59 =	vor.u32 v11, v42;
	[tilespmem:s0+$0x410] =	vst v45;
	v47 =	vld.idx.msk [tilespmem:v53+s10+$0x0], $0xffff  }
0x1ea: {  	v60 =	vor.u32 v11, v40;
	[tilespmem:s8+$0x410] =	vst v44;
	v39 =	vld.idx.msk [tilespmem:v63+s10+$0x0], $0xffff  }
0x1eb: {  	v58 =	vor.u32 v11, v41;
	[tilespmem:s23+$0x840] =	vst v54;
	v37 =	vld.idx.msk [tilespmem:v55+s10+$0x0], $0xffff  }
0x1ec: {  	v62 =	vor.u32 v11, v38;
	[tilespmem:s26+$0x860] =	vst v43;
	v61 =	vld.idx.msk [tilespmem:v56+s10+$0x0], $0xffff  }
0x1ed: {  	v45 =	vld.idx.msk [tilespmem:v57+s10+$0x0], $0xffff;
	v63 =	vor.u32 v23, v35;
	[tilespmem:s1+$0x420] =	vst v36  }
0x1ee: {  	v52 =	vor.u32 v21, v32;
	[tilespmem:s30+$0x420] =	vst v47;
	v36 =	vld.idx.msk [tilespmem:v59+s10+$0x0], $0xffff  }
0x1ef: {  	v54 =	vor.u32 v12, v42;
	[tilespmem:s0+$0x420] =	vst v39;
	v47 =	vld.idx.msk [tilespmem:v60+s10+$0x0], $0xffff  }
0x1f0: {  	v55 =	vor.u32 v12, v40;
	[tilespmem:s8+$0x420] =	vst v37;
	v46 =	vld.idx.msk [tilespmem:v58+s10+$0x0], $0xffff  }
0x1f1: {  	v53 =	vor.u32 v12, v41;
	[tilespmem:s25+$0x850] =	vst v61;
	v43 =	vld.idx.msk [tilespmem:v62+s10+$0x0], $0xffff  }
0x1f2: {  	v57 =	vor.u32 v12, v38;
	[tilespmem:s24+$0x850] =	vst v45;
	v56 =	vld.idx.msk [tilespmem:v63+s10+$0x0], $0xffff  }
0x1f3: {  	v39 =	vld.idx.msk [tilespmem:v52+s10+$0x0], $0xffff;
	v58 =	vor.u32 v22, v34;
	[tilespmem:s1+$0x430] =	vst v36  }
0x1f4: {  	v59 =	vor.u32 v24, v35;
	[tilespmem:s30+$0x430] =	vst v47;
	v36 =	vld.idx.msk [tilespmem:v54+s10+$0x0], $0xffff  }
0x1f5: {  	v61 =	vor.u32 v13, v42;
	[tilespmem:s0+$0x430] =	vst v46;
	v47 =	vld.idx.msk [tilespmem:v55+s10+$0x0], $0xffff  }
0x1f6: {  	v62 =	vor.u32 v13, v40;
	[tilespmem:s8+$0x430] =	vst v43;
	v44 =	vld.idx.msk [tilespmem:v53+s10+$0x0], $0xffff  }
0x1f7: {  	v60 =	vor.u32 v13, v41;
	[tilespmem:s26+$0x870] =	vst v56;
	v45 =	vld.idx.msk [tilespmem:v57+s10+$0x0], $0xffff  }
0x1f8: {  	v52 =	vor.u32 v13, v38;
	[tilespmem:s23+$0x850] =	vst v39;
	v63 =	vld.idx.msk [tilespmem:v58+s10+$0x0], $0xffff  }
0x1f9: {  	v46 =	vld.idx.msk [tilespmem:v59+s10+$0x0], $0xffff;
	v53 =	vor.u32 v22, v33;
	[tilespmem:s1+$0x440] =	vst v36  }
0x1fa: {  	v54 =	vor.u32 v22, v32;
	[tilespmem:s30+$0x440] =	vst v47;
	v36 =	vld.idx.msk [tilespmem:v61+s10+$0x0], $0xffff  }
0x1fb: {  	v56 =	vor.u32 v14, v42;
	[tilespmem:s0+$0x440] =	vst v44;
	v47 =	vld.idx.msk [tilespmem:v62+s10+$0x0], $0xffff  }
0x1fc: {  	v57 =	vor.u32 v14, v40;
	[tilespmem:s8+$0x440] =	vst v45;
	v37 =	vld.idx.msk [tilespmem:v60+s10+$0x0], $0xffff  }
0x1fd: {  	v55 =	vor.u32 v14, v41;
	[tilespmem:s25+$0x860] =	vst v63;
	v39 =	vld.idx.msk [tilespmem:v52+s10+$0x0], $0xffff  }
0x1fe: {  	v59 =	vor.u32 v14, v38;
	[tilespmem:s26+$0xC00] =	vst v46;
	v58 =	vld.idx.msk [tilespmem:v53+s10+$0x0], $0xffff  }
0x1ff: {  	v44 =	vld.idx.msk [tilespmem:v54+s10+$0x0], $0xffff;
	v60 =	vor.u32 v25, v35;
	[tilespmem:s1+$0x450] =	vst v36  }
0x200: {  	v61 =	vor.u32 v23, v34;
	[tilespmem:s30+$0x450] =	vst v47;
	v36 =	vld.idx.msk [tilespmem:v56+s10+$0x0], $0xffff  }
0x201: {  	v63 =	vor.u32 v15, v42;
	[tilespmem:s0+$0x450] =	vst v37;
	v47 =	vld.idx.msk [tilespmem:v57+s10+$0x0], $0xffff  }
0x202: {  	v52 =	vor.u32 v15, v40;
	[tilespmem:s8+$0x450] =	vst v39;
	v43 =	vld.idx.msk [tilespmem:v55+s10+$0x0], $0xffff  }
0x203: {  	v62 =	vor.u32 v15, v41;
	[tilespmem:s24+$0x860] =	vst v58;
	v46 =	vld.idx.msk [tilespmem:v59+s10+$0x0], $0xffff  }
0x204: {  	v54 =	vor.u32 v15, v38;
	[tilespmem:s23+$0x860] =	vst v44;
	v53 =	vld.idx.msk [tilespmem:v60+s10+$0x0], $0xffff  }
0x205: {  	v37 =	vld.idx.msk [tilespmem:v61+s10+$0x0], $0xffff;
	v55 =	vor.u32 v23, v33;
	[tilespmem:s1+$0x460] =	vst v36  }
0x206: {  	v56 =	vor.u32 v26, v35;
	[tilespmem:s30+$0x460] =	vst v47;
	v36 =	vld.idx.msk [tilespmem:v63+s10+$0x0], $0xffff  }
0x207: {  	v58 =	vor.u32 v16, v42;
	[tilespmem:s0+$0x460] =	vst v43;
	v47 =	vld.idx.msk [tilespmem:v52+s10+$0x0], $0xffff  }
0x208: {  	v59 =	vor.u32 v16, v40;
	[tilespmem:s8+$0x460] =	vst v46;
	v45 =	vld.idx.msk [tilespmem:v62+s10+$0x0], $0xffff  }
0x209: {  	v57 =	vor.u32 v16, v41;
	[tilespmem:s26+$0xC10] =	vst v53;
	v44 =	vld.idx.msk [tilespmem:v54+s10+$0x0], $0xffff  }
0x20a: {  	v61 =	vor.u32 v16, v38;
	[tilespmem:s25+$0x870] =	vst v37;
	v60 =	vld.idx.msk [tilespmem:v55+s10+$0x0], $0xffff  }
0x20b: {  	v43 =	vld.idx.msk [tilespmem:v56+s10+$0x0], $0xffff;
	v62 =	vor.u32 v23, v32;
	[tilespmem:s1+$0x470] =	vst v36  }
0x20c: {  	v63 =	vor.u32 v24, v34;
	[tilespmem:s30+$0x470] =	vst v47;
	v36 =	vld.idx.msk [tilespmem:v58+s10+$0x0], $0xffff  }
0x20d: {  	v53 =	vor.u32 v17, v42;
	[tilespmem:s0+$0x470] =	vst v45;
	v47 =	vld.idx.msk [tilespmem:v59+s10+$0x0], $0xffff  }
0x20e: {  	v54 =	vor.u32 v17, v40;
	[tilespmem:s8+$0x470] =	vst v44;
	v39 =	vld.idx.msk [tilespmem:v57+s10+$0x0], $0xffff  }
0x20f: {  	v52 =	vor.u32 v17, v41;
	[tilespmem:s24+$0x870] =	vst v60;
	v37 =	vld.idx.msk [tilespmem:v61+s10+$0x0], $0xffff  }
0x210: {  	v56 =	vor.u32 v17, v38;
	[tilespmem:s26+$0xC20] =	vst v43;
	v55 =	vld.idx.msk [tilespmem:v62+s10+$0x0], $0xffff  }
0x211: {  	v45 =	vld.idx.msk [tilespmem:v63+s10+$0x0], $0xffff;
	v57 =	vor.u32 v27, v35;
	[tilespmem:s1+$0x800] =	vst v36  }
0x212: {  	v58 =	vor.u32 v24, v33;
	[tilespmem:s30+$0x800] =	vst v47;
	v36 =	vld.idx.msk [tilespmem:v53+s10+$0x0], $0xffff  }
0x213: {  	v60 =	vor.u32 v18, v42;
	[tilespmem:s0+$0x800] =	vst v39;
	v47 =	vld.idx.msk [tilespmem:v54+s10+$0x0], $0xffff  }
0x214: {  	v61 =	vor.u32 v18, v40;
	[tilespmem:s8+$0x800] =	vst v37;
	v46 =	vld.idx.msk [tilespmem:v52+s10+$0x0], $0xffff  }
0x215: {  	v59 =	vor.u32 v18, v41;
	[tilespmem:s23+$0x870] =	vst v55;
	v43 =	vld.idx.msk [tilespmem:v56+s10+$0x0], $0xffff  }
0x216: {  	v63 =	vor.u32 v18, v38;
	[tilespmem:s25+$0xC00] =	vst v45;
	v62 =	vld.idx.msk [tilespmem:v57+s10+$0x0], $0xffff  }
0x217: {  	v39 =	vld.idx.msk [tilespmem:v58+s10+$0x0], $0xffff;
	v52 =	vor.u32 v24, v32;
	[tilespmem:s1+$0x810] =	vst v36  }
0x218: {  	v53 =	vor.u32 v28, v35;
	[tilespmem:s30+$0x810] =	vst v47;
	v36 =	vld.idx.msk [tilespmem:v60+s10+$0x0], $0xffff  }
0x219: {  	v55 =	vor.u32 v19, v42;
	[tilespmem:s0+$0x810] =	vst v46;
	v47 =	vld.idx.msk [tilespmem:v61+s10+$0x0], $0xffff  }
0x21a: {  	v56 =	vor.u32 v19, v40;
	[tilespmem:s8+$0x810] =	vst v43;
	v44 =	vld.idx.msk [tilespmem:v59+s10+$0x0], $0xffff  }
0x21b: {  	v54 =	vor.u32 v19, v41;
	[tilespmem:s26+$0xC30] =	vst v62;
	v45 =	vld.idx.msk [tilespmem:v63+s10+$0x0], $0xffff  }
0x21c: {  	v58 =	vor.u32 v19, v38;
	[tilespmem:s24+$0xC00] =	vst v39;
	v57 =	vld.idx.msk [tilespmem:v52+s10+$0x0], $0xffff  }
0x21d: {  	v46 =	vld.idx.msk [tilespmem:v53+s10+$0x0], $0xffff;
	v59 =	vor.u32 v25, v34;
	[tilespmem:s1+$0x820] =	vst v36  }
0x21e: {  	v60 =	vor.u32 v25, v33;
	[tilespmem:s30+$0x820] =	vst v47;
	v36 =	vld.idx.msk [tilespmem:v55+s10+$0x0], $0xffff  }
0x21f: {  	v62 =	vor.u32 v20, v42;
	[tilespmem:s0+$0x820] =	vst v44;
	v47 =	vld.idx.msk [tilespmem:v56+s10+$0x0], $0xffff  }
0x220: {  	v63 =	vor.u32 v20, v40;
	[tilespmem:s8+$0x820] =	vst v45;
	v37 =	vld.idx.msk [tilespmem:v54+s10+$0x0], $0xffff  }
0x221: {  	v61 =	vor.u32 v20, v41;
	[tilespmem:s23+$0xC00] =	vst v57;
	v39 =	vld.idx.msk [tilespmem:v58+s10+$0x0], $0xffff  }
0x222: {  	v53 =	vor.u32 v20, v38;
	[tilespmem:s26+$0xC40] =	vst v46;
	v52 =	vld.idx.msk [tilespmem:v59+s10+$0x0], $0xffff  }
0x223: {  	v44 =	vld.idx.msk [tilespmem:v60+s10+$0x0], $0xffff;
	v54 =	vor.u32 v29, v35;
	[tilespmem:s1+$0x830] =	vst v36  }
0x224: {  	v55 =	vor.u32 v25, v32;
	[tilespmem:s30+$0x830] =	vst v47;
	v45 =	vld.idx.msk [tilespmem:v62+s10+$0x0], $0xffff  }
0x225: {  	v57 =	vor.u32 v21, v42;
	[tilespmem:s0+$0x830] =	vst v37;
	v47 =	vld.idx.msk [tilespmem:v63+s10+$0x0], $0xffff  }
0x226: {  	v58 =	vor.u32 v21, v40;
	[tilespmem:s8+$0x830] =	vst v39;
	v43 =	vld.idx.msk [tilespmem:v61+s10+$0x0], $0xffff  }
0x227: {  	v56 =	vor.u32 v21, v41;
	[tilespmem:s25+$0xC10] =	vst v52;
	v39 =	vld.idx.msk [tilespmem:v53+s10+$0x0], $0xffff  }
0x228: {  	v60 =	vor.u32 v21, v38;
	[tilespmem:s24+$0xC10] =	vst v44;
	v59 =	vld.idx.msk [tilespmem:v54+s10+$0x0], $0xffff  }
0x229: {  	v37 =	vld.idx.msk [tilespmem:v55+s10+$0x0], $0xffff;
	v61 =	vor.u32 v26, v34;
	[tilespmem:s1+$0x840] =	vst v45  }
0x22a: {  	v62 =	vor.u32 v30, v35;
	[tilespmem:s30+$0x840] =	vst v47;
	v48 =	vld.idx.msk [tilespmem:v57+s10+$0x0], $0xffff  }
0x22b: {  	v52 =	vor.u32 v22, v42;
	[tilespmem:s0+$0x840] =	vst v43;
	v46 =	vld.idx.msk [tilespmem:v58+s10+$0x0], $0xffff  }
0x22c: {  	v53 =	vor.u32 v22, v40;
	[tilespmem:s8+$0x840] =	vst v39;
	v36 =	vld.idx.msk [tilespmem:v56+s10+$0x0], $0xffff  }
0x22d: {  	v63 =	vor.u32 v22, v41;
	[tilespmem:s26+$0xC50] =	vst v59;
	v44 =	vld.idx.msk [tilespmem:v60+s10+$0x0], $0xffff  }
0x22e: {  	v55 =	vor.u32 v22, v38;
	[tilespmem:s23+$0xC10] =	vst v37;
	v54 =	vld.idx.msk [tilespmem:v61+s10+$0x0], $0xffff  }
0x22f: {  	v43 =	vld.idx.msk [tilespmem:v62+s10+$0x0], $0xffff;
	v56 =	vor.u32 v26, v33;
	[tilespmem:s1+$0x850] =	vst v48  }
0x230: {  	v57 =	vor.u32 v26, v32;
	[tilespmem:s30+$0x850] =	vst v46;
	v39 =	vld.idx.msk [tilespmem:v52+s10+$0x0], $0xffff  }
0x231: {  	v59 =	vor.u32 v23, v42;
	[tilespmem:s0+$0x850] =	vst v36;
	v46 =	vld.idx.msk [tilespmem:v53+s10+$0x0], $0xffff  }
0x232: {  	v60 =	vor.u32 v23, v40;
	[tilespmem:s8+$0x850] =	vst v44;
	v45 =	vld.idx.msk [tilespmem:v63+s10+$0x0], $0xffff  }
0x233: {  	v58 =	vor.u32 v23, v41;
	[tilespmem:s25+$0xC20] =	vst v54;
	v37 =	vld.idx.msk [tilespmem:v55+s10+$0x0], $0xffff  }
0x234: {  	v62 =	vor.u32 v23, v38;
	[tilespmem:s26+$0xC60] =	vst v43;
	v61 =	vld.idx.msk [tilespmem:v56+s10+$0x0], $0xffff  }
0x235: {  	v36 =	vld.idx.msk [tilespmem:v57+s10+$0x0], $0xffff;
	v63 =	vor.u32 v31, v35;
	[tilespmem:s1+$0x860] =	vst v39  }
0x236: {  	v52 =	vor.u32 v27, v34;
	[tilespmem:s30+$0x860] =	vst v46;
	v47 =	vld.idx.msk [tilespmem:v59+s10+$0x0], $0xffff  }
0x237: {  	v54 =	vor.u32 v24, v42;
	[tilespmem:s0+$0x860] =	vst v45;
	v44 =	vld.idx.msk [tilespmem:v60+s10+$0x0], $0xffff  }
0x238: {  	v55 =	vor.u32 v24, v40;
	[tilespmem:s8+$0x860] =	vst v37;
	v48 =	vld.idx.msk [tilespmem:v58+s10+$0x0], $0xffff  }
0x239: {  	v53 =	vor.u32 v24, v41;
	[tilespmem:s24+$0xC20] =	vst v61;
	v43 =	vld.idx.msk [tilespmem:v62+s10+$0x0], $0xffff  }
0x23a: {  	v56 =	vor.u32 v24, v38;
	[tilespmem:s23+$0xC20] =	vst v36;
	v35 =	vld.idx.msk [tilespmem:v63+s10+$0x0], $0xffff  }
0x23b: {  	v57 =	vor.u32 v27, v33;
	v45 =	vld.idx.msk [tilespmem:v52+s10+$0x0], $0xffff;
	[tilespmem:s1+$0x870] =	vst v47  }
0x23c: {  	v58 =	vor.u32 v27, v32;
	[tilespmem:s30+$0x870] =	vst v44;
	v37 =	vld.idx.msk [tilespmem:v54+s10+$0x0], $0xffff  }
0x23d: {  	v60 =	vor.u32 v25, v42;
	[tilespmem:s0+$0x870] =	vst v48;
	v44 =	vld.idx.msk [tilespmem:v55+s10+$0x0], $0xffff  }
0x23e: {  	v62 =	vor.u32 v25, v40;
	[tilespmem:s8+$0x870] =	vst v43;
	v39 =	vld.idx.msk [tilespmem:v53+s10+$0x0], $0xffff  }
0x23f: {  	v59 =	vor.u32 v25, v41;
	[tilespmem:s26+$0xC70] =	vst v35;
	v61 =	vld.idx.msk [tilespmem:v56+s10+$0x0], $0xffff  }
0x240: {  	v63 =	vld.idx.msk [tilespmem:v57+s10+$0x0], $0xffff;
	v52 =	vor.u32 v25, v38;
	[tilespmem:s25+$0xC30] =	vst v45  }
0x241: {  	v48 =	vld.idx.msk [tilespmem:v58+s10+$0x0], $0xffff;
	v54 =	vor.u32 v28, v33;
	[tilespmem:s1+$0xC00] =	vst v37  }
0x242: {  	v53 =	vor.u32 v28, v34;
	[tilespmem:s30+$0xC00] =	vst v44;
	v46 =	vld.idx.msk [tilespmem:v60+s10+$0x0], $0xffff  }
0x243: {  	v56 =	vor.u32 v26, v42;
	[tilespmem:s0+$0xC00] =	vst v39;
	v36 =	vld.idx.msk [tilespmem:v62+s10+$0x0], $0xffff  }
0x244: {  	v58 =	vor.u32 v26, v40;
	[tilespmem:s8+$0xC00] =	vst v61;
	v47 =	vld.idx.msk [tilespmem:v59+s10+$0x0], $0xffff  }
0x245: {  	[tilespmem:s24+$0xC30] =	vst v63;
	v55 =	vor.u32 v26, v41;
	v57 =	vld.idx.msk [tilespmem:v52+s10+$0x0], $0xffff  }
0x246: {  	[tilespmem:s23+$0xC30] =	vst v48;
	v60 =	vor.u32 v26, v38;
	v39 =	vld.idx.msk [tilespmem:v54+s10+$0x0], $0xffff  }
0x247: {  	v61 =	vor.u32 v28, v32;
	v59 =	vld.idx.msk [tilespmem:v53+s10+$0x0], $0xffff;
	[tilespmem:s1+$0xC10] =	vst v46  }
0x248: {  	v62 =	vor.u32 v29, v34;
	[tilespmem:s30+$0xC10] =	vst v36;
	v35 =	vld.idx.msk [tilespmem:v56+s10+$0x0], $0xffff  }
0x249: {  	v52 =	vor.u32 v27, v42;
	[tilespmem:s0+$0xC10] =	vst v47;
	v36 =	vld.idx.msk [tilespmem:v58+s10+$0x0], $0xffff  }
0x24a: {  	v53 =	vor.u32 v27, v40;
	[tilespmem:s8+$0xC10] =	vst v57;
	v37 =	vld.idx.msk [tilespmem:v55+s10+$0x0], $0xffff  }
0x24b: {  	v63 =	vor.u32 v27, v41;
	[tilespmem:s24+$0xC40] =	vst v39;
	v43 =	vld.idx.msk [tilespmem:v60+s10+$0x0], $0xffff  }
0x24c: {  	v54 =	vld.idx.msk [tilespmem:v61+s10+$0x0], $0xffff;
	[tilespmem:s25+$0xC40] =	vst v59;
	v55 =	vor.u32 v27, v38  }
0x24d: {  	v56 =	vor.u32 v29, v33;
	v47 =	vld.idx.msk [tilespmem:v62+s10+$0x0], $0xffff;
	[tilespmem:s1+$0xC20] =	vst v35  }
0x24e: {  	v57 =	vor.u32 v29, v32;
	[tilespmem:s30+$0xC20] =	vst v36;
	v44 =	vld.idx.msk [tilespmem:v52+s10+$0x0], $0xffff  }
0x24f: {  	v59 =	vor.u32 v28, v42;
	[tilespmem:s0+$0xC20] =	vst v37;
	v36 =	vld.idx.msk [tilespmem:v53+s10+$0x0], $0xffff  }
0x250: {  	v60 =	vor.u32 v28, v40;
	[tilespmem:s8+$0xC20] =	vst v43;
	v46 =	vld.idx.msk [tilespmem:v63+s10+$0x0], $0xffff  }
0x251: {  	v58 =	vor.u32 v28, v41;
	[tilespmem:s23+$0xC40] =	vst v54;
	v39 =	vld.idx.msk [tilespmem:v55+s10+$0x0], $0xffff  }
0x252: {  	v62 =	vor.u32 v28, v38;
	v61 =	vld.idx.msk [tilespmem:v56+s10+$0x0], $0xffff;
	[tilespmem:s25+$0xC50] =	vst v47  }
0x253: {  	v37 =	vld.idx.msk [tilespmem:v57+s10+$0x0], $0xffff;
	v52 =	vor.u32 v30, v33;
	[tilespmem:s1+$0xC30] =	vst v44  }
0x254: {  	v63 =	vor.u32 v30, v34;
	[tilespmem:s30+$0xC30] =	vst v36;
	v54 =	vld.idx.msk [tilespmem:v59+s10+$0x0], $0xffff  }
0x255: {  	v56 =	vor.u32 v29, v42;
	[tilespmem:s0+$0xC30] =	vst v46;
	v55 =	vld.idx.msk [tilespmem:v60+s10+$0x0], $0xffff  }
0x256: {  	v57 =	vor.u32 v29, v40;
	[tilespmem:s8+$0xC30] =	vst v39;
	v35 =	vld.idx.msk [tilespmem:v58+s10+$0x0], $0xffff  }
0x257: {  	v53 =	vor.u32 v29, v41;
	[tilespmem:s24+$0xC50] =	vst v61;
	v47 =	vld.idx.msk [tilespmem:v62+s10+$0x0], $0xffff  }
0x258: {  	[tilespmem:s23+$0xC50] =	vst v37;
	v59 =	vor.u32 v29, v38;
	v46 =	vld.idx.msk [tilespmem:v52+s10+$0x0], $0xffff  }
0x259: {  	v60 =	vor.u32 v30, v32;
	v58 =	vld.idx.msk [tilespmem:v63+s10+$0x0], $0xffff;
	[tilespmem:s1+$0xC40] =	vst v54  }
0x25a: {  	v61 =	vor.u32 v31, v34;
	[tilespmem:s30+$0xC40] =	vst v55;
	v63 =	vld.idx.msk [tilespmem:v56+s10+$0x0], $0xffff  }
0x25b: {  	v50 =	vor.u32 v30, v42;
	[tilespmem:s0+$0xC40] =	vst v35;
	v39 =	vld.idx.msk [tilespmem:v57+s10+$0x0], $0xffff  }
0x25c: {  	v51 =	vor.u32 v30, v40;
	[tilespmem:s8+$0xC40] =	vst v47;
	v35 =	vld.idx.msk [tilespmem:v53+s10+$0x0], $0xffff  }
0x25d: {  	v62 =	vor.u32 v30, v41;
	[tilespmem:s24+$0xC60] =	vst v46;
	v37 =	vld.idx.msk [tilespmem:v59+s10+$0x0], $0xffff  }
0x25e: {  	v52 =	vld.idx.msk [tilespmem:v60+s10+$0x0], $0xffff;
	[tilespmem:s25+$0xC60] =	vst v58;
	v53 =	vor.u32 v30, v38  }
0x25f: {  	v54 =	vor.u32 v31, v33;
	v34 =	vld.idx.msk [tilespmem:v61+s10+$0x0], $0xffff;
	[tilespmem:s1+$0xC50] =	vst v63  }
0x260: {  	v55 =	vor.u32 v31, v32;
	[tilespmem:s30+$0xC50] =	vst v39;
	v57 =	vld.idx.msk [tilespmem:v50+s10+$0x0], $0xffff  }
0x261: {  	v42 =	vor.u32 v31, v42;
	[tilespmem:s0+$0xC50] =	vst v35;
	v58 =	vld.idx.msk [tilespmem:v51+s10+$0x0], $0xffff  }
0x262: {  	v59 =	vor.u32 v31, v40;
	[tilespmem:s8+$0xC50] =	vst v37;
	v35 =	vld.idx.msk [tilespmem:v62+s10+$0x0], $0xffff  }
0x263: {  	v56 =	vor.u32 v31, v41;
	[tilespmem:s23+$0xC60] =	vst v52;
	v60 =	vld.idx.msk [tilespmem:v53+s10+$0x0], $0xffff  }
0x264: {  	v61 =	vor.u32 v31, v38;
	v33 =	vld.idx.msk [tilespmem:v54+s10+$0x0], $0xffff;
	[tilespmem:s25+$0xC70] =	vst v34  }
0x265: {  	v32 =	vld.idx.msk [tilespmem:v55+s10+$0x0], $0xffff;
	[tilespmem:s1+$0xC60] =	vst v57  }
0x266: {  	[tilespmem:s30+$0xC60] =	vst v58;
	v62 =	vld.idx.msk [tilespmem:v42+s10+$0x0], $0xffff  }
0x267: {  	[tilespmem:s0+$0xC60] =	vst v35;
	v37 =	vld.idx.msk [tilespmem:v59+s10+$0x0], $0xffff  }
0x268: {  	[tilespmem:s8+$0xC60] =	vst v60;
	v35 =	vld.idx.msk [tilespmem:v56+s10+$0x0], $0xffff  }
0x269: {  	[tilespmem:s24+$0xC70] =	vst v33;
	v63 =	vld.idx.msk [tilespmem:v61+s10+$0x0], $0xffff  }
0x26a: {  	[tilespmem:s23+$0xC70] =	vst v32  }
0x26b: {  	[tilespmem:s1+$0xC70] =	vst v62  }
0x26c: {  	s29 =	sshll.u32 s21, $0x6;
	[tilespmem:s30+$0xC70] =	vst v37  }
0x26d: {  	[tilespmem:s0+$0xC70] =	vst v35;
	s0 =	sand.u32 $0x1FFFE000, s29  }
0x26e: {  	p0 =	sgt.u32 s20, $0x63D;
	[tilespmem:s8+$0xC70] =	vst v63;
	s0 =	sadd.s32 s2, s0  }
0x26f: {  	[hbm4b:s0+s3] =	stream.linear.scatter [tilespmem:s18], [sflag:$0x1], $0x8000, $0x38;
	[tilespmem:$0x1C100] =	vst v63  }
0x270: {  	s0 =	sshrl.u32 @!p0 s21, $0x3  }
0x271: {  	s0 =	sadd.s32 @!p0 s5, s0  }
0x272: {  	s1 =	simm.s32 @!p0 $0x0;
	s0 =	sadd.s32 @!p0 $0x10, s0  }
0x273: {  	[tilespmem:s1], [sflag:$0x3] =	stream.linear.gather @!p0 [hbm4b:s0+s1], $0x40, $0x38;
	[tilespmem:$0x1C100] =	vst v63  }
0x274: {  	p0 =	seq.s32 s22, $0x0  }
.Ltmp6:
0x275: {  	_ = 	snop;
	(pc) =	sbr.rel @p0 .LBB2_9-.Ltmp6, $1  }
0x276: {  	_ =	sdelay $0x3  }
.LBB2_6:
0x277: {  	s0 =	simm.s32 $0x2;
	p0 =	slt.u32 s20, $0x2  }
0x278: {  	v32 =	vmov s0;
	s0 =	simm.s32 @!p0 $0x2  }
0x279: {  	s1 =	simm.s32 $0x1;
	s23 =	simm.s32 $0x3;
	v32 =	vand.u32 $0xFFFFFFFE, v32;
	_ =	swait.ge @!p0 [sflag:s0], $0x8000  }
0x27a: {  	s6 =	simm.s32 $0x0;
	v33 =	vmov s1;
	v35 =	vmov s23;
	v32 =	vbroadcast v32, $0x0;
	[sflag:s0] =	ssyncset.done @!p0 $0x0  }
0x27b: {  	v34 =	vmov s6;
	v33 =	vand.u32 $0xFFFFFFFD, v33;
	[sflag:s0] =	ssyncadd.s32 @!p0 $0xFFFF8000  }
0x27c: {  	v34 =	vand.u32 $0xFFFFFFFC, v34;
	v33 =	vbroadcast v33, $0x0;
	_ =	swait.ge [sflag:s13], $0x40  }
0x27d: {  	v34 =	vbroadcast v34, $0x0;
	[sflag:s13] =	ssyncset.done $0x0  }
0x27e: {  	[sflag:s13] =	ssyncadd.s32 $0xFFFFFFC0  }
0x27f: {  	v35 =	vld.idx.msk [tilespmem:v35+s12+$0x0], $0xffff  }
0x280: {  	v32 =	vld.idx.msk [tilespmem:v32+s12+$0x0], $0xffff;
	_ =	sdelay $0x1  }
0x281: {  	v33 =	vld.idx.msk [tilespmem:v33+s12+$0x0], $0xffff  }
0x282: {  	v34 =	vld.idx.msk [tilespmem:v34+s12+$0x0], $0xffff  }
0x283: {  	v36 =	vshll.u32 v35, $0x9  }
0x284: {  	v41 =	vshll.u32 v32, $0x9;
	v35 =	vor.u32 v0, v36  }
0x285: {  	v32 =	vor.u32 v0, v41  }
0x286: {  	v38 =	vshll.u32 v33, $0x9  }
0x287: {  	v37 =	vshll.u32 v34, $0x9;
	v33 =	vor.u32 v0, v38  }
0x288: {  	v34 =	vor.u32 v0, v37  }
0x289: {  	v35 =	vld.idx.msk [tilespmem:v35+s10+$0x0], $0xffff  }
0x28a: {  	s25 =	simm.s32 $0x100;
	s8 =	simm.s32 $0x0;
	s24 =	sand.u32 $0x7000, s6;
	v50 =	vor.u32 v1, v36;
	v32 =	vld.idx.msk [tilespmem:v32+s10+$0x0], $0xffff  }
0x28b: {  	s22 =	simm.s32 $0x180;
	s8 =	sand.u32 $0x200, s8;
	s6 =	sadd.s32 $0x14100, s24;
	v39 =	vor.u32 v1, v41  }
0x28c: {  	s26 =	sand.u32 $0x300, s25;
	s28 =	sor.u32 s8, s6;
	s8 =	sand.u32 $0x380, s22;
	v33 =	vld.idx.msk [tilespmem:v33+s10+$0x0], $0xffff  }
0x28d: {  	s0 =	sadd.s32 s26, s6;
	s26 =	sadd.s32 s8, s6;
	v40 =	vor.u32 v1, v38;
	v34 =	vld.idx.msk [tilespmem:v34+s10+$0x0], $0xffff  }
0x28e: {  	s31 =	simm.s32 $0x80;
	v42 =	vor.u32 v1, v37;
	[tilespmem:s26+$0x0] =	vst v35  }
0x28f: {  	s1 =	sand.u32 $0x280, s31;
	[tilespmem:s0+$0x0] =	vst v32;
	v32 =	vld.idx.msk [tilespmem:v50+s10+$0x0], $0xffff  }
0x290: {  	s29 =	sor.u32 s1, s6;
	v56 =	vor.u32 v2, v36;
	v39 =	vld.idx.msk [tilespmem:v39+s10+$0x0], $0xffff  }
0x291: {  	v51 =	vor.u32 v2, v41;
	[tilespmem:s29+$0x0] =	vst v33  }
0x292: {  	[tilespmem:s28+$0x0] =	vst v34;
	v52 =	vld.idx.msk [tilespmem:v40+s10+$0x0], $0xffff  }
0x293: {  	v54 =	vor.u32 v2, v38;
	v53 =	vld.idx.msk [tilespmem:v42+s10+$0x0], $0xffff  }
0x294: {  	v55 =	vor.u32 v2, v37;
	[tilespmem:s26+$0x10] =	vst v32  }
0x295: {  	[tilespmem:s0+$0x10] =	vst v39;
	v39 =	vld.idx.msk [tilespmem:v56+s10+$0x0], $0xffff  }
0x296: {  	v60 =	vor.u32 v3, v36;
	v33 =	vld.idx.msk [tilespmem:v51+s10+$0x0], $0xffff  }
0x297: {  	v57 =	vor.u32 v3, v41;
	[tilespmem:s29+$0x10] =	vst v52  }
0x298: {  	[tilespmem:s28+$0x10] =	vst v53;
	v35 =	vld.idx.msk [tilespmem:v54+s10+$0x0], $0xffff  }
0x299: {  	v58 =	vor.u32 v3, v38;
	v40 =	vld.idx.msk [tilespmem:v55+s10+$0x0], $0xffff  }
0x29a: {  	v59 =	vor.u32 v3, v37;
	[tilespmem:s26+$0x20] =	vst v39  }
0x29b: {  	[tilespmem:s0+$0x20] =	vst v33;
	v33 =	vld.idx.msk [tilespmem:v60+s10+$0x0], $0xffff  }
0x29c: {  	v45 =	vor.u32 v4, v36;
	v34 =	vld.idx.msk [tilespmem:v57+s10+$0x0], $0xffff  }
0x29d: {  	v61 =	vor.u32 v4, v41;
	[tilespmem:s29+$0x20] =	vst v35  }
0x29e: {  	[tilespmem:s28+$0x20] =	vst v40;
	v32 =	vld.idx.msk [tilespmem:v58+s10+$0x0], $0xffff  }
0x29f: {  	v62 =	vor.u32 v4, v38;
	v40 =	vld.idx.msk [tilespmem:v59+s10+$0x0], $0xffff  }
0x2a0: {  	v63 =	vor.u32 v4, v37;
	[tilespmem:s26+$0x30] =	vst v33  }
0x2a1: {  	[tilespmem:s0+$0x30] =	vst v34;
	v34 =	vld.idx.msk [tilespmem:v45+s10+$0x0], $0xffff  }
0x2a2: {  	v49 =	vor.u32 v5, v36;
	v35 =	vld.idx.msk [tilespmem:v61+s10+$0x0], $0xffff  }
0x2a3: {  	v46 =	vor.u32 v5, v41;
	[tilespmem:s29+$0x30] =	vst v32  }
0x2a4: {  	[tilespmem:s28+$0x30] =	vst v40;
	v39 =	vld.idx.msk [tilespmem:v62+s10+$0x0], $0xffff  }
0x2a5: {  	v47 =	vor.u32 v5, v38;
	v40 =	vld.idx.msk [tilespmem:v63+s10+$0x0], $0xffff  }
0x2a6: {  	v48 =	vor.u32 v5, v37;
	[tilespmem:s26+$0x40] =	vst v34  }
0x2a7: {  	[tilespmem:s0+$0x40] =	vst v35;
	v35 =	vld.idx.msk [tilespmem:v49+s10+$0x0], $0xffff  }
0x2a8: {  	v53 =	vor.u32 v6, v36;
	v32 =	vld.idx.msk [tilespmem:v46+s10+$0x0], $0xffff  }
0x2a9: {  	v50 =	vor.u32 v6, v41;
	[tilespmem:s29+$0x40] =	vst v39  }
0x2aa: {  	[tilespmem:s28+$0x40] =	vst v40;
	v33 =	vld.idx.msk [tilespmem:v47+s10+$0x0], $0xffff  }
0x2ab: {  	v51 =	vor.u32 v6, v38;
	v40 =	vld.idx.msk [tilespmem:v48+s10+$0x0], $0xffff  }
0x2ac: {  	v52 =	vor.u32 v6, v37;
	[tilespmem:s26+$0x50] =	vst v35  }
0x2ad: {  	[tilespmem:s0+$0x50] =	vst v32;
	v32 =	vld.idx.msk [tilespmem:v53+s10+$0x0], $0xffff  }
0x2ae: {  	v57 =	vor.u32 v7, v36;
	v39 =	vld.idx.msk [tilespmem:v50+s10+$0x0], $0xffff  }
0x2af: {  	v54 =	vor.u32 v7, v41;
	[tilespmem:s29+$0x50] =	vst v33  }
0x2b0: {  	[tilespmem:s28+$0x50] =	vst v40;
	v34 =	vld.idx.msk [tilespmem:v51+s10+$0x0], $0xffff  }
0x2b1: {  	v55 =	vor.u32 v7, v38;
	v40 =	vld.idx.msk [tilespmem:v52+s10+$0x0], $0xffff  }
0x2b2: {  	v56 =	vor.u32 v7, v37;
	[tilespmem:s26+$0x60] =	vst v32  }
0x2b3: {  	[tilespmem:s0+$0x60] =	vst v39;
	v39 =	vld.idx.msk [tilespmem:v57+s10+$0x0], $0xffff  }
0x2b4: {  	v61 =	vor.u32 v8, v36;
	v33 =	vld.idx.msk [tilespmem:v54+s10+$0x0], $0xffff  }
0x2b5: {  	v58 =	vor.u32 v8, v41;
	[tilespmem:s29+$0x60] =	vst v34  }
0x2b6: {  	[tilespmem:s28+$0x60] =	vst v40;
	v35 =	vld.idx.msk [tilespmem:v55+s10+$0x0], $0xffff  }
0x2b7: {  	v59 =	vor.u32 v8, v38;
	v40 =	vld.idx.msk [tilespmem:v56+s10+$0x0], $0xffff  }
0x2b8: {  	v60 =	vor.u32 v8, v37;
	[tilespmem:s26+$0x70] =	vst v39  }
0x2b9: {  	[tilespmem:s0+$0x70] =	vst v33;
	v33 =	vld.idx.msk [tilespmem:v61+s10+$0x0], $0xffff  }
0x2ba: {  	v46 =	vor.u32 v9, v36;
	v34 =	vld.idx.msk [tilespmem:v58+s10+$0x0], $0xffff  }
0x2bb: {  	v62 =	vor.u32 v9, v41;
	[tilespmem:s29+$0x70] =	vst v35  }
0x2bc: {  	[tilespmem:s28+$0x70] =	vst v40;
	v32 =	vld.idx.msk [tilespmem:v59+s10+$0x0], $0xffff  }
0x2bd: {  	v63 =	vor.u32 v9, v38;
	v40 =	vld.idx.msk [tilespmem:v60+s10+$0x0], $0xffff  }
0x2be: {  	v45 =	vor.u32 v9, v37;
	[tilespmem:s26+$0x400] =	vst v33  }
0x2bf: {  	[tilespmem:s0+$0x400] =	vst v34;
	v34 =	vld.idx.msk [tilespmem:v46+s10+$0x0], $0xffff  }
0x2c0: {  	v50 =	vor.u32 v10, v36;
	v35 =	vld.idx.msk [tilespmem:v62+s10+$0x0], $0xffff  }
0x2c1: {  	v47 =	vor.u32 v10, v41;
	[tilespmem:s29+$0x400] =	vst v32  }
0x2c2: {  	[tilespmem:s28+$0x400] =	vst v40;
	v39 =	vld.idx.msk [tilespmem:v63+s10+$0x0], $0xffff  }
0x2c3: {  	v48 =	vor.u32 v10, v38;
	v40 =	vld.idx.msk [tilespmem:v45+s10+$0x0], $0xffff  }
0x2c4: {  	v49 =	vor.u32 v10, v37;
	[tilespmem:s26+$0x410] =	vst v34  }
0x2c5: {  	[tilespmem:s0+$0x410] =	vst v35;
	v35 =	vld.idx.msk [tilespmem:v50+s10+$0x0], $0xffff  }
0x2c6: {  	v54 =	vor.u32 v11, v36;
	v32 =	vld.idx.msk [tilespmem:v47+s10+$0x0], $0xffff  }
0x2c7: {  	v51 =	vor.u32 v11, v41;
	[tilespmem:s29+$0x410] =	vst v39  }
0x2c8: {  	[tilespmem:s28+$0x410] =	vst v40;
	v33 =	vld.idx.msk [tilespmem:v48+s10+$0x0], $0xffff  }
0x2c9: {  	v52 =	vor.u32 v11, v38;
	v40 =	vld.idx.msk [tilespmem:v49+s10+$0x0], $0xffff  }
0x2ca: {  	v53 =	vor.u32 v11, v37;
	[tilespmem:s26+$0x420] =	vst v35  }
0x2cb: {  	[tilespmem:s0+$0x420] =	vst v32;
	v32 =	vld.idx.msk [tilespmem:v54+s10+$0x0], $0xffff  }
0x2cc: {  	v58 =	vor.u32 v12, v36;
	v39 =	vld.idx.msk [tilespmem:v51+s10+$0x0], $0xffff  }
0x2cd: {  	v55 =	vor.u32 v12, v41;
	[tilespmem:s29+$0x420] =	vst v33  }
0x2ce: {  	[tilespmem:s28+$0x420] =	vst v40;
	v34 =	vld.idx.msk [tilespmem:v52+s10+$0x0], $0xffff  }
0x2cf: {  	v56 =	vor.u32 v12, v38;
	v40 =	vld.idx.msk [tilespmem:v53+s10+$0x0], $0xffff  }
0x2d0: {  	v57 =	vor.u32 v12, v37;
	[tilespmem:s26+$0x430] =	vst v32  }
0x2d1: {  	[tilespmem:s0+$0x430] =	vst v39;
	v39 =	vld.idx.msk [tilespmem:v58+s10+$0x0], $0xffff  }
0x2d2: {  	v62 =	vor.u32 v13, v36;
	v33 =	vld.idx.msk [tilespmem:v55+s10+$0x0], $0xffff  }
0x2d3: {  	v59 =	vor.u32 v13, v41;
	[tilespmem:s29+$0x430] =	vst v34  }
0x2d4: {  	[tilespmem:s28+$0x430] =	vst v40;
	v35 =	vld.idx.msk [tilespmem:v56+s10+$0x0], $0xffff  }
0x2d5: {  	v60 =	vor.u32 v13, v38;
	v40 =	vld.idx.msk [tilespmem:v57+s10+$0x0], $0xffff  }
0x2d6: {  	v61 =	vor.u32 v13, v37;
	[tilespmem:s26+$0x440] =	vst v39  }
0x2d7: {  	[tilespmem:s0+$0x440] =	vst v33;
	v33 =	vld.idx.msk [tilespmem:v62+s10+$0x0], $0xffff  }
0x2d8: {  	v47 =	vor.u32 v14, v36;
	v34 =	vld.idx.msk [tilespmem:v59+s10+$0x0], $0xffff  }
0x2d9: {  	v63 =	vor.u32 v14, v41;
	[tilespmem:s29+$0x440] =	vst v35  }
0x2da: {  	[tilespmem:s28+$0x440] =	vst v40;
	v32 =	vld.idx.msk [tilespmem:v60+s10+$0x0], $0xffff  }
0x2db: {  	v45 =	vor.u32 v14, v38;
	v40 =	vld.idx.msk [tilespmem:v61+s10+$0x0], $0xffff  }
0x2dc: {  	v46 =	vor.u32 v14, v37;
	[tilespmem:s26+$0x450] =	vst v33  }
0x2dd: {  	[tilespmem:s0+$0x450] =	vst v34;
	v34 =	vld.idx.msk [tilespmem:v47+s10+$0x0], $0xffff  }
0x2de: {  	s23 =	simm.s32 $0x7;
	s22 =	simm.s32 $0x4;
	v51 =	vor.u32 v15, v36;
	v35 =	vld.idx.msk [tilespmem:v63+s10+$0x0], $0xffff  }
0x2df: {  	v44 =	vmov s23;
	v43 =	vmov s22;
	[tilespmem:s29+$0x450] =	vst v32  }
0x2e0: {  	v43 =	vand.u32 $0xFFFFFFFC, v43;
	v48 =	vor.u32 v15, v41;
	[tilespmem:s28+$0x450] =	vst v40;
	v39 =	vld.idx.msk [tilespmem:v45+s10+$0x0], $0xffff  }
0x2e1: {  	s25 =	simm.s32 $0x6;
	v43 =	vbroadcast v43, $0x0;
	v49 =	vor.u32 v15, v38;
	v40 =	vld.idx.msk [tilespmem:v46+s10+$0x0], $0xffff  }
0x2e2: {  	v46 =	vmov s25;
	[tilespmem:s26+$0x460] =	vst v34  }
0x2e3: {  	v50 =	vor.u32 v15, v37;
	v46 =	vand.u32 $0xFFFFFFFE, v46;
	[tilespmem:s0+$0x460] =	vst v35;
	v35 =	vld.idx.msk [tilespmem:v51+s10+$0x0], $0xffff  }
0x2e4: {  	s24 =	simm.s32 $0x5;
	v44 =	vld.idx.msk [tilespmem:v44+s12+$0x0], $0xffff;
	v55 =	vor.u32 v16, v36;
	v56 =	vbroadcast v46, $0x0  }
0x2e5: {  	v53 =	vmov s24;
	[tilespmem:s29+$0x460] =	vst v39;
	v32 =	vld.idx.msk [tilespmem:v48+s10+$0x0], $0xffff  }
0x2e6: {  	v52 =	vor.u32 v16, v41;
	[tilespmem:s28+$0x460] =	vst v40;
	v40 =	vand.u32 $0xFFFFFFFD, v53;
	v33 =	vld.idx.msk [tilespmem:v49+s10+$0x0], $0xffff  }
0x2e7: {  	v43 =	vld.idx.msk [tilespmem:v43+s12+$0x0], $0xffff;
	v54 =	vor.u32 v16, v38;
	v40 =	vbroadcast v40, $0x0  }
0x2e8: {  	v42 =	vld.idx.msk [tilespmem:v50+s10+$0x0], $0xffff;
	[tilespmem:s26+$0x470] =	vst v35  }
0x2e9: {  	v45 =	vor.u32 v16, v37;
	v59 =	vld.idx.msk [tilespmem:v55+s10+$0x0], $0xffff  }
0x2ea: {  	s31 =	simm.s32 $0xB;
	v60 =	vor.u32 v17, v36;
	v49 =	vld.idx.msk [tilespmem:v56+s12+$0x0], $0xffff;
	[tilespmem:s0+$0x470] =	vst v32  }
0x2eb: {  	v48 =	vmov s31;
	[tilespmem:s29+$0x470] =	vst v33;
	v39 =	vld.idx.msk [tilespmem:v52+s10+$0x0], $0xffff  }
0x2ec: {  	v57 =	vor.u32 v17, v41;
	v34 =	vld.idx.msk [tilespmem:v54+s10+$0x0], $0xffff  }
0x2ed: {  	v58 =	vor.u32 v17, v38;
	[tilespmem:s28+$0x470] =	vst v42;
	v32 =	vshll.u32 v44, $0x9;
	v40 =	vld.idx.msk [tilespmem:v40+s12+$0x0], $0xffff  }
0x2ee: {  	v42 =	vld.idx.msk [tilespmem:v45+s10+$0x0], $0xffff;
	v44 =	vor.u32 v0, v32;
	[tilespmem:s26+$0x800] =	vst v59  }
0x2ef: {  	v47 =	vor.u32 v17, v37;
	v35 =	vshll.u32 v49, $0x9;
	v50 =	vld.idx.msk [tilespmem:v60+s10+$0x0], $0xffff  }
0x2f0: {  	v49 =	vor.u32 v0, v35;
	[tilespmem:s0+$0x800] =	vst v39;
	v39 =	vld.idx.msk [tilespmem:v48+s12+$0x0], $0xffff  }
0x2f1: {  	v33 =	vshll.u32 v43, $0x9;
	v54 =	vor.u32 v18, v36;
	[tilespmem:s29+$0x800] =	vst v34;
	v46 =	vld.idx.msk [tilespmem:v57+s10+$0x0], $0xffff  }
0x2f2: {  	v55 =	vor.u32 v0, v33;
	v34 =	vshll.u32 v40, $0x9;
	v62 =	vld.idx.msk [tilespmem:v58+s10+$0x0], $0xffff  }
0x2f3: {  	[tilespmem:s28+$0x800] =	vst v42;
	v44 =	vld.idx.msk [tilespmem:v44+s10+$0x0], $0xffff;
	v59 =	vor.u32 v0, v34  }
0x2f4: {  	s6 =	simm.s32 $0x8;
	v61 =	vor.u32 v18, v41;
	v47 =	vld.idx.msk [tilespmem:v47+s10+$0x0], $0xffff  }
0x2f5: {  	v63 =	vor.u32 v18, v38;
	v60 =	vmov s6;
	v49 =	vld.idx.msk [tilespmem:v49+s10+$0x0], $0xffff;
	[tilespmem:s26+$0x810] =	vst v50  }
0x2f6: {  	v51 =	vor.u32 v18, v37;
	v50 =	vand.u32 $0xFFFFFFFC, v60;
	[tilespmem:s0+$0x810] =	vst v46;
	v43 =	vld.idx.msk [tilespmem:v54+s10+$0x0], $0xffff  }
0x2f7: {  	[tilespmem:s29+$0x810] =	vst v62;
	v46 =	vld.idx.msk [tilespmem:v55+s10+$0x0], $0xffff;
	v50 =	vbroadcast v50, $0x0;
	v62 =	vor.u32 v19, v36  }
0x2f8: {  	s30 =	simm.s32 $0x800;
	v45 =	vld.idx.msk [tilespmem:v59+s10+$0x0], $0xffff  }
0x2f9: {  	s8 =	sand.u32 $0x7000, s30;
	s22 =	simm.s32 $0x300;
	v53 =	vor.u32 v1, v35;
	v56 =	vld.idx.msk [tilespmem:v61+s10+$0x0], $0xffff  }
0x2fa: {  	s8 =	sadd.s32 $0x14100, s8;
	s23 =	sand.u32 $0x300, s22;
	s24 =	simm.s32 $0x280;
	v58 =	vor.u32 v19, v41;
	[tilespmem:s28+$0x810] =	vst v47;
	v57 =	vld.idx.msk [tilespmem:v63+s10+$0x0], $0xffff  }
0x2fb: {  	s25 =	sadd.s32 s23, s8;
	s6 =	sand.u32 $0x280, s24;
	v47 =	vld.idx.msk [tilespmem:v51+s10+$0x0], $0xffff;
	v61 =	vor.u32 v19, v38;
	[tilespmem:s26+$0x820] =	vst v43  }
0x2fc: {  	s24 =	sor.u32 s6, s8;
	v54 =	vor.u32 v1, v34;
	[tilespmem:s25+$0x0] =	vst v49;
	v48 =	vld.idx.msk [tilespmem:v62+s10+$0x0], $0xffff  }
0x2fd: {  	v52 =	vor.u32 v19, v37;
	[tilespmem:s24+$0x0] =	vst v45;
	v40 =	vld.idx.msk [tilespmem:v50+s12+$0x0], $0xffff  }
0x2fe: {  	s31 =	simm.s32 $0x200;
	v49 =	vor.u32 v1, v32;
	[tilespmem:s0+$0x820] =	vst v56;
	v50 =	vld.idx.msk [tilespmem:v53+s10+$0x0], $0xffff  }
0x2ff: {  	s1 =	simm.s32 $0x380;
	s22 =	sand.u32 $0x200, s31;
	[tilespmem:s29+$0x820] =	vst v57;
	v56 =	vor.u32 v1, v33;
	v42 =	vld.idx.msk [tilespmem:v58+s10+$0x0], $0xffff  }
0x300: {  	s23 =	sor.u32 s22, s8;
	s22 =	sand.u32 $0x380, s1;
	[tilespmem:s28+$0x820] =	vst v47;
	v47 =	vld.idx.msk [tilespmem:v61+s10+$0x0], $0xffff;
	v61 =	vor.u32 v2, v35  }
0x301: {  	s22 =	sadd.s32 s22, s8;
	v63 =	vor.u32 v20, v41;
	v60 =	vld.idx.msk [tilespmem:v54+s10+$0x0], $0xffff  }
0x302: {  	[tilespmem:s22+$0x0] =	vst v44;
	v57 =	vor.u32 v20, v38;
	v52 =	vld.idx.msk [tilespmem:v52+s10+$0x0], $0xffff  }
0x303: {  	[tilespmem:s23+$0x0] =	vst v46;
	v49 =	vld.idx.msk [tilespmem:v49+s10+$0x0], $0xffff;
	v58 =	vor.u32 v20, v37  }
0x304: {  	v43 =	vld.idx.msk [tilespmem:v56+s10+$0x0], $0xffff;
	[tilespmem:s25+$0x10] =	vst v50  }
0x305: {  	v56 =	vor.u32 v2, v33;
	[tilespmem:s0+$0x830] =	vst v42;
	v51 =	vld.idx.msk [tilespmem:v61+s10+$0x0], $0xffff  }
0x306: {  	[tilespmem:s29+$0x830] =	vst v47;
	v59 =	vld.idx.msk [tilespmem:v63+s10+$0x0], $0xffff;
	v63 =	vor.u32 v2, v34  }
0x307: {  	[tilespmem:s28+$0x830] =	vst v52;
	v52 =	vld.idx.msk [tilespmem:v57+s10+$0x0], $0xffff;
	v57 =	vor.u32 v2, v32  }
0x308: {  	[tilespmem:s24+$0x10] =	vst v60;
	v42 =	vld.idx.msk [tilespmem:v58+s10+$0x0], $0xffff;
	v58 =	vor.u32 v20, v36  }
0x309: {  	v62 =	vor.u32 v21, v41;
	[tilespmem:s23+$0x10] =	vst v43  }
0x30a: {  	[tilespmem:s22+$0x10] =	vst v49;
	v61 =	vor.u32 v3, v35;
	v47 =	vld.idx.msk [tilespmem:v56+s10+$0x0], $0xffff  }
0x30b: {  	[tilespmem:s0+$0x840] =	vst v59;
	v59 =	vor.u32 v21, v38;
	v60 =	vld.idx.msk [tilespmem:v63+s10+$0x0], $0xffff  }
0x30c: {  	[tilespmem:s26+$0x830] =	vst v48;
	v56 =	vor.u32 v3, v33;
	v50 =	vld.idx.msk [tilespmem:v57+s10+$0x0], $0xffff  }
0x30d: {  	[tilespmem:s25+$0x20] =	vst v51;
	v63 =	vor.u32 v3, v34;
	v45 =	vld.idx.msk [tilespmem:v58+s10+$0x0], $0xffff  }
0x30e: {  	v51 =	vor.u32 v3, v32;
	[tilespmem:s29+$0x840] =	vst v52;
	v44 =	vld.idx.msk [tilespmem:v62+s10+$0x0], $0xffff  }
0x30f: {  	v52 =	vld.idx.msk [tilespmem:v61+s10+$0x0], $0xffff;
	[tilespmem:s28+$0x840] =	vst v42;
	v62 =	vor.u32 v22, v41  }
0x310: {  	v57 =	vor.u32 v21, v37;
	[tilespmem:s23+$0x20] =	vst v47;
	v46 =	vld.idx.msk [tilespmem:v59+s10+$0x0], $0xffff  }
0x311: {  	v61 =	vor.u32 v4, v35;
	[tilespmem:s24+$0x20] =	vst v60;
	v48 =	vld.idx.msk [tilespmem:v56+s10+$0x0], $0xffff  }
0x312: {  	v59 =	vor.u32 v21, v36;
	[tilespmem:s22+$0x20] =	vst v50;
	v60 =	vld.idx.msk [tilespmem:v63+s10+$0x0], $0xffff  }
0x313: {  	v56 =	vor.u32 v4, v33;
	[tilespmem:s0+$0x850] =	vst v44;
	v51 =	vld.idx.msk [tilespmem:v51+s10+$0x0], $0xffff  }
0x314: {  	[tilespmem:s26+$0x840] =	vst v45;
	v63 =	vor.u32 v4, v34;
	v58 =	vld.idx.msk [tilespmem:v62+s10+$0x0], $0xffff  }
0x315: {  	v53 =	vld.idx.msk [tilespmem:v57+s10+$0x0], $0xffff;
	[tilespmem:s25+$0x30] =	vst v52;
	v45 =	vor.u32 v4, v32  }
0x316: {  	v49 =	vld.idx.msk [tilespmem:v61+s10+$0x0], $0xffff;
	v62 =	vor.u32 v23, v41;
	[tilespmem:s23+$0x30] =	vst v48  }
0x317: {  	v57 =	vor.u32 v22, v38;
	v44 =	vld.idx.msk [tilespmem:v59+s10+$0x0], $0xffff;
	[tilespmem:s24+$0x30] =	vst v60  }
0x318: {  	v61 =	vor.u32 v5, v35;
	v42 =	vld.idx.msk [tilespmem:v56+s10+$0x0], $0xffff;
	[tilespmem:s22+$0x30] =	vst v51  }
0x319: {  	[tilespmem:s0+$0x860] =	vst v58;
	v58 =	vor.u32 v22, v37;
	v60 =	vld.idx.msk [tilespmem:v63+s10+$0x0], $0xffff  }
0x31a: {  	[tilespmem:s29+$0x850] =	vst v46;
	v56 =	vor.u32 v5, v33;
	v45 =	vld.idx.msk [tilespmem:v45+s10+$0x0], $0xffff  }
0x31b: {  	[tilespmem:s28+$0x850] =	vst v53;
	v63 =	vor.u32 v5, v34;
	v59 =	vld.idx.msk [tilespmem:v62+s10+$0x0], $0xffff  }
0x31c: {  	v52 =	vld.idx.msk [tilespmem:v57+s10+$0x0], $0xffff;
	[tilespmem:s25+$0x40] =	vst v49;
	v57 =	vor.u32 v5, v32  }
0x31d: {  	v50 =	vld.idx.msk [tilespmem:v61+s10+$0x0], $0xffff;
	v62 =	vor.u32 v24, v41;
	[tilespmem:s23+$0x40] =	vst v42  }
0x31e: {  	v61 =	vor.u32 v6, v35;
	v43 =	vld.idx.msk [tilespmem:v58+s10+$0x0], $0xffff;
	[tilespmem:s24+$0x40] =	vst v60  }
0x31f: {  	v58 =	vor.u32 v22, v36;
	v46 =	vld.idx.msk [tilespmem:v56+s10+$0x0], $0xffff;
	[tilespmem:s22+$0x40] =	vst v45  }
0x320: {  	[tilespmem:s0+$0x870] =	vst v59;
	v59 =	vor.u32 v23, v38;
	v60 =	vld.idx.msk [tilespmem:v63+s10+$0x0], $0xffff  }
0x321: {  	[tilespmem:s26+$0x850] =	vst v44;
	v49 =	vld.idx.msk [tilespmem:v57+s10+$0x0], $0xffff;
	v57 =	vor.u32 v6, v33  }
0x322: {  	[tilespmem:s25+$0x50] =	vst v50;
	v63 =	vor.u32 v6, v34;
	v51 =	vld.idx.msk [tilespmem:v62+s10+$0x0], $0xffff  }
0x323: {  	[tilespmem:s29+$0x860] =	vst v52;
	v52 =	vld.idx.msk [tilespmem:v61+s10+$0x0], $0xffff;
	v62 =	vor.u32 v25, v41  }
0x324: {  	v47 =	vld.idx.msk [tilespmem:v58+s10+$0x0], $0xffff  }
0x325: {  	v58 =	vor.u32 v6, v32;
	[tilespmem:s23+$0x50] =	vst v46;
	v48 =	vld.idx.msk [tilespmem:v59+s10+$0x0], $0xffff  }
0x326: {  	v59 =	vor.u32 v23, v37;
	[tilespmem:s24+$0x50] =	vst v60;
	v44 =	vld.idx.msk [tilespmem:v57+s10+$0x0], $0xffff  }
0x327: {  	v60 =	vor.u32 v23, v36;
	[tilespmem:s0+$0xC00] =	vst v51;
	v61 =	vld.idx.msk [tilespmem:v63+s10+$0x0], $0xffff  }
0x328: {  	[tilespmem:s28+$0x860] =	vst v43;
	v42 =	vld.idx.msk [tilespmem:v62+s10+$0x0], $0xffff;
	v62 =	vor.u32 v7, v35  }
0x329: {  	[tilespmem:s22+$0x50] =	vst v49;
	v57 =	vor.u32 v7, v34  }
0x32a: {  	[tilespmem:s25+$0x60] =	vst v52;
	v63 =	vor.u32 v26, v41;
	v50 =	vld.idx.msk [tilespmem:v58+s10+$0x0], $0xffff  }
0x32b: {  	v58 =	vor.u32 v7, v33;
	[tilespmem:s26+$0x860] =	vst v47;
	v53 =	vld.idx.msk [tilespmem:v59+s10+$0x0], $0xffff  }
0x32c: {  	v59 =	vor.u32 v7, v32;
	v45 =	vld.idx.msk [tilespmem:v60+s10+$0x0], $0xffff;
	[tilespmem:s23+$0x60] =	vst v44  }
0x32d: {  	v60 =	vor.u32 v24, v38;
	[tilespmem:s24+$0x60] =	vst v61;
	v51 =	vld.idx.msk [tilespmem:v62+s10+$0x0], $0xffff  }
0x32e: {  	[tilespmem:s0+$0xC10] =	vst v42;
	v42 =	vor.u32 v24, v37;
	v62 =	vld.idx.msk [tilespmem:v57+s10+$0x0], $0xffff  }
0x32f: {  	[tilespmem:s29+$0x870] =	vst v48;
	v61 =	vld.idx.msk [tilespmem:v63+s10+$0x0], $0xffff;
	v63 =	vor.u32 v8, v35  }
0x330: {  	v57 =	vor.u32 v27, v41;
	v43 =	vld.idx.msk [tilespmem:v58+s10+$0x0], $0xffff;
	[tilespmem:s22+$0x60] =	vst v50  }
0x331: {  	v58 =	vor.u32 v8, v34;
	v47 =	vld.idx.msk [tilespmem:v59+s10+$0x0], $0xffff;
	[tilespmem:s28+$0x870] =	vst v53  }
0x332: {  	v59 =	vor.u32 v8, v33;
	v52 =	vld.idx.msk [tilespmem:v60+s10+$0x0], $0xffff;
	[tilespmem:s25+$0x70] =	vst v51  }
0x333: {  	v60 =	vor.u32 v8, v32;
	v42 =	vld.idx.msk [tilespmem:v42+s10+$0x0], $0xffff;
	[tilespmem:s24+$0x70] =	vst v62  }
0x334: {  	v62 =	vor.u32 v25, v38;
	v49 =	vld.idx.msk [tilespmem:v63+s10+$0x0], $0xffff;
	[tilespmem:s0+$0xC20] =	vst v61  }
0x335: {  	v61 =	vor.u32 v24, v36;
	v50 =	vld.idx.msk [tilespmem:v57+s10+$0x0], $0xffff  }
0x336: {  	[tilespmem:s23+$0x70] =	vst v43;
	v63 =	vld.idx.msk [tilespmem:v58+s10+$0x0], $0xffff;
	v57 =	vor.u32 v9, v35  }
0x337: {  	v58 =	vor.u32 v28, v41;
	v48 =	vld.idx.msk [tilespmem:v59+s10+$0x0], $0xffff;
	[tilespmem:s22+$0x70] =	vst v47  }
0x338: {  	v59 =	vor.u32 v9, v34;
	[tilespmem:s29+$0xC00] =	vst v52;
	v51 =	vld.idx.msk [tilespmem:v60+s10+$0x0], $0xffff  }
0x339: {  	[tilespmem:s26+$0x870] =	vst v45;
	v60 =	vor.u32 v9, v33;
	v44 =	vld.idx.msk [tilespmem:v62+s10+$0x0], $0xffff  }
0x33a: {  	v62 =	vor.u32 v25, v37;
	v46 =	vld.idx.msk [tilespmem:v61+s10+$0x0], $0xffff;
	[tilespmem:s25+$0x400] =	vst v49  }
0x33b: {  	v61 =	vor.u32 v9, v32;
	v52 =	vld.idx.msk [tilespmem:v57+s10+$0x0], $0xffff;
	[tilespmem:s0+$0xC30] =	vst v50  }
0x33c: {  	[tilespmem:s24+$0x400] =	vst v63;
	v63 =	vor.u32 v25, v36;
	v43 =	vld.idx.msk [tilespmem:v58+s10+$0x0], $0xffff  }
0x33d: {  	[tilespmem:s23+$0x400] =	vst v48;
	v57 =	vld.idx.msk [tilespmem:v59+s10+$0x0], $0xffff;
	v58 =	vor.u32 v10, v35  }
0x33e: {  	[tilespmem:s28+$0xC00] =	vst v42;
	v59 =	vor.u32 v29, v41;
	v45 =	vld.idx.msk [tilespmem:v60+s10+$0x0], $0xffff  }
0x33f: {  	[tilespmem:s22+$0x400] =	vst v51;
	v60 =	vor.u32 v10, v34;
	v53 =	vld.idx.msk [tilespmem:v62+s10+$0x0], $0xffff  }
0x340: {  	v49 =	vld.idx.msk [tilespmem:v61+s10+$0x0], $0xffff;
	v61 =	vor.u32 v10, v33;
	[tilespmem:s26+$0xC00] =	vst v46  }
0x341: {  	v62 =	vor.u32 v10, v32;
	[tilespmem:s25+$0x410] =	vst v52;
	v47 =	vld.idx.msk [tilespmem:v63+s10+$0x0], $0xffff  }
0x342: {  	v63 =	vor.u32 v26, v38;
	v50 =	vld.idx.msk [tilespmem:v58+s10+$0x0], $0xffff;
	[tilespmem:s0+$0xC40] =	vst v43  }
0x343: {  	[tilespmem:s24+$0x410] =	vst v57;
	v43 =	vor.u32 v26, v37;
	v57 =	vld.idx.msk [tilespmem:v59+s10+$0x0], $0xffff  }
0x344: {  	v56 =	vor.u32 v26, v36;
	[tilespmem:s23+$0x410] =	vst v45;
	v58 =	vld.idx.msk [tilespmem:v60+s10+$0x0], $0xffff  }
0x345: {  	v59 =	vor.u32 v11, v35;
	v42 =	vld.idx.msk [tilespmem:v61+s10+$0x0], $0xffff;
	[tilespmem:s22+$0x410] =	vst v49  }
0x346: {  	[tilespmem:s29+$0xC10] =	vst v44;
	v60 =	vor.u32 v30, v41;
	v46 =	vld.idx.msk [tilespmem:v62+s10+$0x0], $0xffff  }
0x347: {  	[tilespmem:s28+$0xC10] =	vst v53;
	v61 =	vor.u32 v11, v34;
	v52 =	vld.idx.msk [tilespmem:v63+s10+$0x0], $0xffff  }
0x348: {  	v62 =	vor.u32 v11, v33;
	[tilespmem:s26+$0xC10] =	vst v47;
	v43 =	vld.idx.msk [tilespmem:v43+s10+$0x0], $0xffff  }
0x349: {  	v63 =	vor.u32 v11, v32;
	[tilespmem:s25+$0x420] =	vst v50;
	v48 =	vld.idx.msk [tilespmem:v56+s10+$0x0], $0xffff  }
0x34a: {  	v51 =	vld.idx.msk [tilespmem:v59+s10+$0x0], $0xffff;
	[tilespmem:s0+$0xC50] =	vst v57;
	v57 =	vor.u32 v27, v38  }
0x34b: {  	[tilespmem:s24+$0x420] =	vst v58;
	v59 =	vor.u32 v12, v35;
	v49 =	vld.idx.msk [tilespmem:v60+s10+$0x0], $0xffff  }
0x34c: {  	v41 =	vor.u32 v31, v41;
	[tilespmem:s23+$0x420] =	vst v42;
	v58 =	vld.idx.msk [tilespmem:v61+s10+$0x0], $0xffff  }
0x34d: {  	v60 =	vor.u32 v12, v34;
	v44 =	vld.idx.msk [tilespmem:v62+s10+$0x0], $0xffff;
	[tilespmem:s22+$0x420] =	vst v46  }
0x34e: {  	s31 =	simm.s32 $0x9;
	v61 =	vor.u32 v12, v33;
	[tilespmem:s29+$0xC20] =	vst v52;
	v50 =	vld.idx.msk [tilespmem:v63+s10+$0x0], $0xffff  }
0x34f: {  	v62 =	vmov s31;
	v63 =	vor.u32 v27, v37;
	[tilespmem:s25+$0x430] =	vst v51;
	v45 =	vld.idx.msk [tilespmem:v57+s10+$0x0], $0xffff  }
0x350: {  	v51 =	vor.u32 v12, v32;
	v57 =	vand.u32 $0xFFFFFFFD, v62;
	v53 =	vld.idx.msk [tilespmem:v59+s10+$0x0], $0xffff;
	[tilespmem:s0+$0xC60] =	vst v49  }
0x351: {  	v49 =	vbroadcast v57, $0x0;
	[tilespmem:s24+$0x430] =	vst v58;
	v41 =	vld.idx.msk [tilespmem:v41+s10+$0x0], $0xffff;
	v58 =	vor.u32 v27, v36  }
0x352: {  	[tilespmem:s23+$0x430] =	vst v44;
	v59 =	vld.idx.msk [tilespmem:v60+s10+$0x0], $0xffff  }
0x353: {  	[tilespmem:s28+$0xC20] =	vst v43;
	v60 =	vor.u32 v13, v35;
	v47 =	vld.idx.msk [tilespmem:v61+s10+$0x0], $0xffff  }
0x354: {  	[tilespmem:s22+$0x430] =	vst v50;
	v61 =	vor.u32 v13, v34;
	v52 =	vld.idx.msk [tilespmem:v63+s10+$0x0], $0xffff  }
0x355: {  	[tilespmem:s26+$0xC20] =	vst v48;
	v62 =	vor.u32 v13, v33;
	v51 =	vld.idx.msk [tilespmem:v51+s10+$0x0], $0xffff  }
0x356: {  	v63 =	vor.u32 v13, v32;
	[tilespmem:s25+$0x440] =	vst v53;
	v53 =	vld.idx.msk [tilespmem:v58+s10+$0x0], $0xffff  }
0x357: {  	v57 =	vor.u32 v28, v38;
	[tilespmem:s29+$0xC30] =	vst v45;
	v42 =	vld.idx.msk [tilespmem:v49+s12+$0x0], $0xffff  }
0x358: {  	v58 =	vor.u32 v28, v37;
	v46 =	vld.idx.msk [tilespmem:v60+s10+$0x0], $0xffff;
	[tilespmem:s24+$0x440] =	vst v59  }
0x359: {  	v60 =	vor.u32 v28, v36;
	[tilespmem:s23+$0x440] =	vst v47;
	v44 =	vld.idx.msk [tilespmem:v61+s10+$0x0], $0xffff  }
0x35a: {  	v59 =	vor.u32 v14, v35;
	v43 =	vld.idx.msk [tilespmem:v62+s10+$0x0], $0xffff;
	[tilespmem:s22+$0x440] =	vst v51  }
0x35b: {  	[tilespmem:s0+$0xC70] =	vst v41;
	v61 =	vor.u32 v14, v34;
	v48 =	vld.idx.msk [tilespmem:v63+s10+$0x0], $0xffff  }
0x35c: {  	[tilespmem:s28+$0xC30] =	vst v52;
	v62 =	vor.u32 v14, v33;
	v63 =	vld.idx.msk [tilespmem:v57+s10+$0x0], $0xffff  }
0x35d: {  	v56 =	vor.u32 v14, v32;
	v41 =	vld.idx.msk [tilespmem:v58+s10+$0x0], $0xffff;
	[tilespmem:s26+$0xC30] =	vst v53  }
0x35e: {  	v57 =	vor.u32 v29, v38;
	[tilespmem:s25+$0x450] =	vst v46;
	v49 =	vld.idx.msk [tilespmem:v60+s10+$0x0], $0xffff  }
0x35f: {  	v58 =	vor.u32 v29, v37;
	v47 =	vld.idx.msk [tilespmem:v59+s10+$0x0], $0xffff;
	[tilespmem:s24+$0x450] =	vst v44  }
0x360: {  	v59 =	vor.u32 v15, v35;
	[tilespmem:s23+$0x450] =	vst v43;
	v43 =	vld.idx.msk [tilespmem:v61+s10+$0x0], $0xffff  }
0x361: {  	v45 =	vld.idx.msk [tilespmem:v62+s10+$0x0], $0xffff;
	[tilespmem:s22+$0x450] =	vst v48;
	v48 =	vor.u32 v29, v36  }
0x362: {  	v60 =	vor.u32 v15, v34;
	[tilespmem:s29+$0xC40] =	vst v63;
	v46 =	vld.idx.msk [tilespmem:v56+s10+$0x0], $0xffff  }
0x363: {  	v61 =	vor.u32 v15, v33;
	[tilespmem:s28+$0xC40] =	vst v41;
	v62 =	vld.idx.msk [tilespmem:v57+s10+$0x0], $0xffff  }
0x364: {  	v63 =	vor.u32 v15, v32;
	v55 =	vld.idx.msk [tilespmem:v58+s10+$0x0], $0xffff;
	[tilespmem:s25+$0x460] =	vst v47  }
0x365: {  	v56 =	vor.u32 v30, v38;
	[tilespmem:s26+$0xC40] =	vst v49;
	v50 =	vld.idx.msk [tilespmem:v59+s10+$0x0], $0xffff  }
0x366: {  	v57 =	vor.u32 v30, v37;
	[tilespmem:s24+$0x460] =	vst v43;
	v49 =	vld.idx.msk [tilespmem:v48+s10+$0x0], $0xffff  }
0x367: {  	v52 =	vor.u32 v16, v35;
	[tilespmem:s23+$0x460] =	vst v45;
	v41 =	vld.idx.msk [tilespmem:v60+s10+$0x0], $0xffff  }
0x368: {  	v51 =	vor.u32 v30, v36;
	v44 =	vld.idx.msk [tilespmem:v61+s10+$0x0], $0xffff;
	[tilespmem:s22+$0x460] =	vst v46  }
0x369: {  	[tilespmem:s29+$0xC50] =	vst v62;
	v46 =	vor.u32 v16, v34;
	v43 =	vld.idx.msk [tilespmem:v63+s10+$0x0], $0xffff  }
0x36a: {  	v47 =	vor.u32 v16, v33;
	[tilespmem:s28+$0xC50] =	vst v55;
	v45 =	vld.idx.msk [tilespmem:v56+s10+$0x0], $0xffff  }
0x36b: {  	s6 =	simm.s32 $0xA;
	s0 =	simm.s32 $0xC;
	v48 =	vld.idx.msk [tilespmem:v57+s10+$0x0], $0xffff;
	[tilespmem:s25+$0x470] =	vst v50;
	v50 =	vor.u32 v16, v32  }
.LBB2_7:
0x36c: {  	p0 =	slt.u32 s0, $0x3C;
	v53 =	vmov s6;
	v52 =	vld.idx.msk [tilespmem:v52+s10+$0x0], $0xffff;
	v54 =	vor.u32 v31, v38;
	[tilespmem:s26+$0xC50] =	vst v49;
	v38 =	vmov v34  }
0x36d: {  	v34 =	vand.u32 $0xFFFFFFFE, v53;
	[tilespmem:s24+$0x470] =	vst v41;
	v41 =	vor.u32 v31, v37;
	v49 =	vld.idx.msk [tilespmem:v51+s10+$0x0], $0xffff;
	v37 =	vmov v33  }
0x36e: {  	v33 =	vbroadcast v34, $0x0;
	[tilespmem:s23+$0x470] =	vst v44;
	v34 =	vld.idx.msk [tilespmem:v46+s10+$0x0], $0xffff;
	v44 =	vor.u32 v17, v35  }
0x36f: {  	v46 =	vld.idx.msk [tilespmem:v47+s10+$0x0], $0xffff;
	[tilespmem:s22+$0x470] =	vst v43  }
0x370: {  	v43 =	vor.u32 v17, v38;
	v47 =	vld.idx.msk [tilespmem:v50+s10+$0x0], $0xffff;
	[tilespmem:s29+$0xC60] =	vst v45  }
0x371: {  	v45 =	vor.u32 v17, v37;
	[tilespmem:s28+$0xC60] =	vst v48;
	v48 =	vld.idx.msk [tilespmem:v54+s10+$0x0], $0xffff  }
0x372: {  	v50 =	vor.u32 v17, v32;
	[tilespmem:s25+$0x800] =	vst v52;
	v41 =	vld.idx.msk [tilespmem:v41+s10+$0x0], $0xffff  }
0x373: {  	s6 =	sadd.s32 $0x3, s0;
	v44 =	vld.idx.msk [tilespmem:v44+s10+$0x0], $0xffff;
	[tilespmem:s26+$0xC60] =	vst v49;
	v49 =	vor.u32 v31, v36;
	v36 =	vmov v32  }
0x374: {  	v51 =	vmov s6;
	v52 =	vld.idx.msk [tilespmem:v33+s12+$0x0], $0xffff;
	[tilespmem:s24+$0x800] =	vst v34  }
0x375: {  	v32 =	vshll.u32 v39, $0x9;
	[tilespmem:s23+$0x800] =	vst v46;
	v34 =	vld.idx.msk [tilespmem:v43+s10+$0x0], $0xffff;
	v43 =	vor.u32 v18, v35  }
0x376: {  	v46 =	vor.u32 v0, v32;
	v45 =	vld.idx.msk [tilespmem:v45+s10+$0x0], $0xffff;
	[tilespmem:s22+$0x800] =	vst v47  }
0x377: {  	v47 =	vor.u32 v18, v38;
	v50 =	vld.idx.msk [tilespmem:v50+s10+$0x0], $0xffff;
	[tilespmem:s29+$0xC70] =	vst v48;
	s29 =	smov.u32 s24  }
0x378: {  	v48 =	vor.u32 v18, v37;
	[tilespmem:s28+$0xC70] =	vst v41;
	v49 =	vld.idx.msk [tilespmem:v49+s10+$0x0], $0xffff;
	s28 =	smov.u32 s23  }
0x379: {  	v33 =	vshll.u32 v40, $0x9;
	v40 =	vor.u32 v18, v36;
	v39 =	vld.idx.msk [tilespmem:v51+s12+$0x0], $0xffff;
	[tilespmem:s25+$0x810] =	vst v44  }
0x37a: {  	v44 =	vor.u32 v0, v33;
	v41 =	vshll.u32 v52, $0x9;
	v43 =	vld.idx.msk [tilespmem:v43+s10+$0x0], $0xffff  }
0x37b: {  	v51 =	vor.u32 v0, v41;
	v46 =	vld.idx.msk [tilespmem:v46+s10+$0x0], $0xffff;
	[tilespmem:s29+$0x810] =	vst v34  }
0x37c: {  	v34 =	vshll.u32 v42, $0x9;
	[tilespmem:s28+$0x810] =	vst v45;
	v42 =	vld.idx.msk [tilespmem:v47+s10+$0x0], $0xffff;
	v45 =	vor.u32 v19, v35  }
0x37d: {  	v47 =	vor.u32 v0, v34;
	v48 =	vld.idx.msk [tilespmem:v48+s10+$0x0], $0xffff;
	[tilespmem:s22+$0x810] =	vst v50  }
0x37e: {  	v52 =	vor.u32 v19, v38;
	v50 =	vmov s0;
	v40 =	vld.idx.msk [tilespmem:v40+s10+$0x0], $0xffff;
	[tilespmem:s26+$0xC70] =	vst v49;
	s26 =	smov.u32 s22  }
0x37f: {  	v49 =	vand.u32 $0xFFFFFFFC, v50;
	v50 =	vor.u32 v19, v37;
	v44 =	vld.idx.msk [tilespmem:v44+s10+$0x0], $0xffff  }
0x380: {  	v49 =	vbroadcast v49, $0x0;
	v51 =	vld.idx.msk [tilespmem:v51+s10+$0x0], $0xffff;
	[tilespmem:s25+$0x820] =	vst v43;
	v43 =	vor.u32 v19, v36  }
0x381: {  	v45 =	vld.idx.msk [tilespmem:v45+s10+$0x0], $0xffff  }
0x382: {  	s1 =	sadd.s32 $0x200, s1;
	s30 =	sadd.s32 $0x800, s30;
	v53 =	vor.u32 v1, v41;
	v47 =	vld.idx.msk [tilespmem:v47+s10+$0x0], $0xffff;
	[tilespmem:s29+$0x820] =	vst v42  }
0x383: {  	s6 =	sand.u32 $0x7000, s30;
	s8 =	sadd.s32 $0xFFFFFE80, s1;
	s22 =	sadd.s32 $0xFFFFFF80, s1;
	[tilespmem:s28+$0x820] =	vst v48;
	v42 =	vld.idx.msk [tilespmem:v52+s10+$0x0], $0xffff;
	v48 =	vor.u32 v20, v35  }
0x384: {  	s31 =	sadd.s32 $0x14100, s6;
	s6 =	sadd.s32 $0xFFFFFF00, s1;
	s22 =	sand.u32 $0x300, s22;
	v52 =	vor.u32 v1, v34;
	v50 =	vld.idx.msk [tilespmem:v50+s10+$0x0], $0xffff;
	[tilespmem:s26+$0x820] =	vst v40  }
0x385: {  	s8 =	sand.u32 $0x200, s8;
	v54 =	vor.u32 v1, v33;
	s24 =	sand.u32 $0x280, s6;
	s6 =	sadd.s32 s22, s31;
	v43 =	vld.idx.msk [tilespmem:v43+s10+$0x0], $0xffff  }
0x386: {  	s23 =	sor.u32 s8, s31;
	s24 =	sor.u32 s24, s31;
	s8 =	sand.u32 $0x380, s1;
	v40 =	vld.idx.msk [tilespmem:v49+s12+$0x0], $0xffff;
	[tilespmem:s6+$0x0] =	vst v51;
	v49 =	vor.u32 v1, v32  }
0x387: {  	s22 =	sadd.s32 s8, s31;
	v51 =	vld.idx.msk [tilespmem:v53+s10+$0x0], $0xffff;
	v53 =	vor.u32 v20, v38;
	[tilespmem:s25+$0x830] =	vst v45  }
0x388: {  	v45 =	vor.u32 v20, v37;
	[tilespmem:s24+$0x0] =	vst v47;
	v47 =	vld.idx.msk [tilespmem:v48+s10+$0x0], $0xffff  }
0x389: {  	v48 =	vor.u32 v2, v41;
	[tilespmem:s23+$0x0] =	vst v44;
	v44 =	vld.idx.msk [tilespmem:v52+s10+$0x0], $0xffff  }
0x38a: {  	v52 =	vld.idx.msk [tilespmem:v54+s10+$0x0], $0xffff;
	[tilespmem:s22+$0x0] =	vst v46;
	v46 =	vor.u32 v21, v35  }
0x38b: {  	v54 =	vor.u32 v2, v34;
	v49 =	vld.idx.msk [tilespmem:v49+s10+$0x0], $0xffff;
	[tilespmem:s29+$0x830] =	vst v42  }
0x38c: {  	v42 =	vor.u32 v2, v33;
	[tilespmem:s28+$0x830] =	vst v50;
	v50 =	vld.idx.msk [tilespmem:v53+s10+$0x0], $0xffff  }
0x38d: {  	[tilespmem:s6+$0x10] =	vst v51;
	v51 =	vor.u32 v2, v32;
	v45 =	vld.idx.msk [tilespmem:v45+s10+$0x0], $0xffff  }
0x38e: {  	v48 =	vld.idx.msk [tilespmem:v48+s10+$0x0], $0xffff;
	[tilespmem:s25+$0x840] =	vst v47;
	v47 =	vor.u32 v20, v36  }
0x38f: {  	[tilespmem:s24+$0x10] =	vst v44;
	v44 =	vor.u32 v21, v38;
	v46 =	vld.idx.msk [tilespmem:v46+s10+$0x0], $0xffff  }
0x390: {  	v53 =	vor.u32 v3, v41;
	[tilespmem:s23+$0x10] =	vst v52;
	v52 =	vld.idx.msk [tilespmem:v54+s10+$0x0], $0xffff  }
0x391: {  	v42 =	vld.idx.msk [tilespmem:v42+s10+$0x0], $0xffff;
	[tilespmem:s22+$0x10] =	vst v49;
	v49 =	vor.u32 v22, v35  }
0x392: {  	v54 =	vor.u32 v3, v34;
	v51 =	vld.idx.msk [tilespmem:v51+s10+$0x0], $0xffff;
	[tilespmem:s26+$0x830] =	vst v43  }
0x393: {  	v43 =	vor.u32 v3, v33;
	[tilespmem:s29+$0x840] =	vst v50;
	v47 =	vld.idx.msk [tilespmem:v47+s10+$0x0], $0xffff  }
0x394: {  	[tilespmem:s6+$0x20] =	vst v48;
	v48 =	vor.u32 v3, v32;
	v44 =	vld.idx.msk [tilespmem:v44+s10+$0x0], $0xffff  }
0x395: {  	v50 =	vld.idx.msk [tilespmem:v53+s10+$0x0], $0xffff;
	v53 =	vor.u32 v21, v37;
	[tilespmem:s25+$0x850] =	vst v46  }
0x396: {  	[tilespmem:s24+$0x20] =	vst v52;
	v46 =	vld.idx.msk [tilespmem:v49+s10+$0x0], $0xffff;
	v49 =	vor.u32 v21, v36  }
0x397: {  	v52 =	vor.u32 v4, v41;
	[tilespmem:s23+$0x20] =	vst v42;
	v42 =	vld.idx.msk [tilespmem:v54+s10+$0x0], $0xffff  }
0x398: {  	v43 =	vld.idx.msk [tilespmem:v43+s10+$0x0], $0xffff;
	[tilespmem:s22+$0x20] =	vst v51;
	v51 =	vor.u32 v23, v35  }
0x399: {  	v54 =	vor.u32 v4, v34;
	v48 =	vld.idx.msk [tilespmem:v48+s10+$0x0], $0xffff;
	[tilespmem:s28+$0x840] =	vst v45  }
0x39a: {  	v45 =	vor.u32 v4, v33;
	v53 =	vld.idx.msk [tilespmem:v53+s10+$0x0], $0xffff;
	[tilespmem:s26+$0x840] =	vst v47  }
0x39b: {  	v47 =	vor.u32 v4, v32;
	[tilespmem:s6+$0x30] =	vst v50;
	v49 =	vld.idx.msk [tilespmem:v49+s10+$0x0], $0xffff  }
0x39c: {  	v50 =	vld.idx.msk [tilespmem:v52+s10+$0x0], $0xffff;
	v52 =	vor.u32 v22, v38;
	[tilespmem:s25+$0x860] =	vst v46  }
0x39d: {  	[tilespmem:s24+$0x30] =	vst v42;
	v42 =	vor.u32 v22, v37;
	v46 =	vld.idx.msk [tilespmem:v51+s10+$0x0], $0xffff  }
0x39e: {  	v51 =	vor.u32 v5, v41;
	[tilespmem:s23+$0x30] =	vst v43;
	v43 =	vld.idx.msk [tilespmem:v54+s10+$0x0], $0xffff  }
0x39f: {  	v45 =	vld.idx.msk [tilespmem:v45+s10+$0x0], $0xffff;
	[tilespmem:s22+$0x30] =	vst v48;
	v48 =	vor.u32 v24, v35  }
0x3a0: {  	v54 =	vor.u32 v5, v34;
	v47 =	vld.idx.msk [tilespmem:v47+s10+$0x0], $0xffff;
	[tilespmem:s29+$0x850] =	vst v44  }
0x3a1: {  	v44 =	vor.u32 v5, v33;
	[tilespmem:s28+$0x850] =	vst v53;
	v52 =	vld.idx.msk [tilespmem:v52+s10+$0x0], $0xffff  }
0x3a2: {  	[tilespmem:s6+$0x40] =	vst v50;
	v50 =	vor.u32 v5, v32;
	v42 =	vld.idx.msk [tilespmem:v42+s10+$0x0], $0xffff  }
0x3a3: {  	v51 =	vld.idx.msk [tilespmem:v51+s10+$0x0], $0xffff;
	[tilespmem:s25+$0x870] =	vst v46;
	v46 =	vor.u32 v22, v36  }
0x3a4: {  	[tilespmem:s24+$0x40] =	vst v43;
	v43 =	vor.u32 v23, v38;
	v48 =	vld.idx.msk [tilespmem:v48+s10+$0x0], $0xffff  }
0x3a5: {  	v53 =	vor.u32 v6, v41;
	[tilespmem:s23+$0x40] =	vst v45;
	v45 =	vld.idx.msk [tilespmem:v54+s10+$0x0], $0xffff  }
0x3a6: {  	v44 =	vld.idx.msk [tilespmem:v44+s10+$0x0], $0xffff;
	[tilespmem:s22+$0x40] =	vst v47;
	v47 =	vor.u32 v25, v35  }
0x3a7: {  	v54 =	vor.u32 v6, v34;
	v50 =	vld.idx.msk [tilespmem:v50+s10+$0x0], $0xffff;
	[tilespmem:s26+$0x850] =	vst v49  }
0x3a8: {  	v49 =	vor.u32 v6, v33;
	[tilespmem:s29+$0x860] =	vst v52;
	v46 =	vld.idx.msk [tilespmem:v46+s10+$0x0], $0xffff  }
0x3a9: {  	[tilespmem:s6+$0x50] =	vst v51;
	v51 =	vor.u32 v6, v32;
	v43 =	vld.idx.msk [tilespmem:v43+s10+$0x0], $0xffff  }
0x3aa: {  	v52 =	vld.idx.msk [tilespmem:v53+s10+$0x0], $0xffff;
	v53 =	vor.u32 v23, v37;
	[tilespmem:s25+$0xC00] =	vst v48  }
0x3ab: {  	[tilespmem:s24+$0x50] =	vst v45;
	v45 =	vld.idx.msk [tilespmem:v47+s10+$0x0], $0xffff;
	v47 =	vor.u32 v23, v36  }
0x3ac: {  	v48 =	vor.u32 v7, v41;
	[tilespmem:s23+$0x50] =	vst v44;
	v44 =	vld.idx.msk [tilespmem:v54+s10+$0x0], $0xffff  }
0x3ad: {  	v49 =	vld.idx.msk [tilespmem:v49+s10+$0x0], $0xffff;
	[tilespmem:s22+$0x50] =	vst v50;
	v50 =	vor.u32 v26, v35  }
0x3ae: {  	v54 =	vor.u32 v7, v34;
	v51 =	vld.idx.msk [tilespmem:v51+s10+$0x0], $0xffff;
	[tilespmem:s28+$0x860] =	vst v42  }
0x3af: {  	v42 =	vor.u32 v7, v33;
	v53 =	vld.idx.msk [tilespmem:v53+s10+$0x0], $0xffff;
	[tilespmem:s26+$0x860] =	vst v46  }
0x3b0: {  	v46 =	vor.u32 v7, v32;
	[tilespmem:s6+$0x60] =	vst v52;
	v47 =	vld.idx.msk [tilespmem:v47+s10+$0x0], $0xffff  }
0x3b1: {  	v52 =	vor.u32 v24, v38;
	v48 =	vld.idx.msk [tilespmem:v48+s10+$0x0], $0xffff;
	[tilespmem:s25+$0xC10] =	vst v45  }
0x3b2: {  	[tilespmem:s24+$0x60] =	vst v44;
	v44 =	vor.u32 v24, v37;
	v45 =	vld.idx.msk [tilespmem:v50+s10+$0x0], $0xffff  }
0x3b3: {  	v50 =	vor.u32 v8, v41;
	[tilespmem:s23+$0x60] =	vst v49;
	v49 =	vld.idx.msk [tilespmem:v54+s10+$0x0], $0xffff  }
0x3b4: {  	v42 =	vld.idx.msk [tilespmem:v42+s10+$0x0], $0xffff;
	[tilespmem:s22+$0x60] =	vst v51;
	v51 =	vor.u32 v27, v35  }
0x3b5: {  	v54 =	vor.u32 v8, v34;
	v46 =	vld.idx.msk [tilespmem:v46+s10+$0x0], $0xffff;
	[tilespmem:s29+$0x870] =	vst v43  }
0x3b6: {  	v43 =	vor.u32 v8, v33;
	[tilespmem:s28+$0x870] =	vst v53;
	v52 =	vld.idx.msk [tilespmem:v52+s10+$0x0], $0xffff  }
0x3b7: {  	[tilespmem:s6+$0x70] =	vst v48;
	v48 =	vor.u32 v8, v32;
	v44 =	vld.idx.msk [tilespmem:v44+s10+$0x0], $0xffff  }
0x3b8: {  	v50 =	vld.idx.msk [tilespmem:v50+s10+$0x0], $0xffff;
	[tilespmem:s25+$0xC20] =	vst v45;
	v45 =	vor.u32 v24, v36  }
0x3b9: {  	[tilespmem:s24+$0x70] =	vst v49;
	v49 =	vor.u32 v25, v38;
	v51 =	vld.idx.msk [tilespmem:v51+s10+$0x0], $0xffff  }
0x3ba: {  	v53 =	vor.u32 v9, v41;
	[tilespmem:s23+$0x70] =	vst v42;
	v42 =	vld.idx.msk [tilespmem:v54+s10+$0x0], $0xffff  }
0x3bb: {  	v43 =	vld.idx.msk [tilespmem:v43+s10+$0x0], $0xffff;
	[tilespmem:s22+$0x70] =	vst v46;
	v46 =	vor.u32 v28, v35  }
0x3bc: {  	v54 =	vor.u32 v9, v34;
	v48 =	vld.idx.msk [tilespmem:v48+s10+$0x0], $0xffff;
	[tilespmem:s26+$0x870] =	vst v47  }
0x3bd: {  	v47 =	vor.u32 v9, v33;
	[tilespmem:s29+$0xC00] =	vst v52;
	v45 =	vld.idx.msk [tilespmem:v45+s10+$0x0], $0xffff  }
0x3be: {  	[tilespmem:s6+$0x400] =	vst v50;
	v50 =	vor.u32 v9, v32;
	v49 =	vld.idx.msk [tilespmem:v49+s10+$0x0], $0xffff  }
0x3bf: {  	v52 =	vld.idx.msk [tilespmem:v53+s10+$0x0], $0xffff;
	v53 =	vor.u32 v25, v37;
	[tilespmem:s25+$0xC30] =	vst v51  }
0x3c0: {  	[tilespmem:s24+$0x400] =	vst v42;
	v42 =	vld.idx.msk [tilespmem:v46+s10+$0x0], $0xffff;
	v46 =	vor.u32 v25, v36  }
0x3c1: {  	v51 =	vor.u32 v10, v41;
	[tilespmem:s23+$0x400] =	vst v43;
	v43 =	vld.idx.msk [tilespmem:v54+s10+$0x0], $0xffff  }
0x3c2: {  	v47 =	vld.idx.msk [tilespmem:v47+s10+$0x0], $0xffff;
	[tilespmem:s22+$0x400] =	vst v48;
	v48 =	vor.u32 v29, v35  }
0x3c3: {  	v54 =	vor.u32 v10, v34;
	v50 =	vld.idx.msk [tilespmem:v50+s10+$0x0], $0xffff;
	[tilespmem:s28+$0xC00] =	vst v44  }
0x3c4: {  	v44 =	vor.u32 v10, v33;
	v53 =	vld.idx.msk [tilespmem:v53+s10+$0x0], $0xffff;
	[tilespmem:s26+$0xC00] =	vst v45  }
0x3c5: {  	v45 =	vor.u32 v10, v32;
	[tilespmem:s6+$0x410] =	vst v52;
	v46 =	vld.idx.msk [tilespmem:v46+s10+$0x0], $0xffff  }
0x3c6: {  	v52 =	vor.u32 v26, v38;
	v51 =	vld.idx.msk [tilespmem:v51+s10+$0x0], $0xffff;
	[tilespmem:s25+$0xC40] =	vst v42  }
0x3c7: {  	v42 =	vor.u32 v26, v37;
	[tilespmem:s24+$0x410] =	vst v43;
	v43 =	vld.idx.msk [tilespmem:v48+s10+$0x0], $0xffff  }
0x3c8: {  	v48 =	vor.u32 v11, v41;
	[tilespmem:s23+$0x410] =	vst v47;
	v47 =	vld.idx.msk [tilespmem:v54+s10+$0x0], $0xffff  }
0x3c9: {  	v44 =	vld.idx.msk [tilespmem:v44+s10+$0x0], $0xffff;
	[tilespmem:s22+$0x410] =	vst v50;
	v50 =	vor.u32 v30, v35  }
0x3ca: {  	v54 =	vor.u32 v11, v34;
	v45 =	vld.idx.msk [tilespmem:v45+s10+$0x0], $0xffff;
	[tilespmem:s29+$0xC10] =	vst v49  }
0x3cb: {  	v49 =	vor.u32 v11, v33;
	[tilespmem:s28+$0xC10] =	vst v53;
	v52 =	vld.idx.msk [tilespmem:v52+s10+$0x0], $0xffff  }
0x3cc: {  	[tilespmem:s6+$0x420] =	vst v51;
	v51 =	vor.u32 v11, v32;
	v42 =	vld.idx.msk [tilespmem:v42+s10+$0x0], $0xffff  }
0x3cd: {  	v48 =	vld.idx.msk [tilespmem:v48+s10+$0x0], $0xffff;
	[tilespmem:s25+$0xC50] =	vst v43;
	v43 =	vor.u32 v26, v36  }
0x3ce: {  	[tilespmem:s24+$0x420] =	vst v47;
	v47 =	vor.u32 v27, v38;
	v50 =	vld.idx.msk [tilespmem:v50+s10+$0x0], $0xffff  }
0x3cf: {  	v53 =	vor.u32 v12, v41;
	[tilespmem:s23+$0x420] =	vst v44;
	v44 =	vld.idx.msk [tilespmem:v54+s10+$0x0], $0xffff  }
0x3d0: {  	v49 =	vld.idx.msk [tilespmem:v49+s10+$0x0], $0xffff;
	[tilespmem:s22+$0x420] =	vst v45;
	v45 =	vor.u32 v31, v35;
	v35 =	vmov v41  }
0x3d1: {  	v41 =	vor.u32 v12, v34;
	v51 =	vld.idx.msk [tilespmem:v51+s10+$0x0], $0xffff;
	[tilespmem:s26+$0xC10] =	vst v46  }
0x3d2: {  	v46 =	vor.u32 v12, v33;
	[tilespmem:s29+$0xC20] =	vst v52;
	v43 =	vld.idx.msk [tilespmem:v43+s10+$0x0], $0xffff  }
0x3d3: {  	s8 =	sadd.s32 $0x1, s0;
	[tilespmem:s6+$0x430] =	vst v48;
	v48 =	vor.u32 v12, v32;
	v47 =	vld.idx.msk [tilespmem:v47+s10+$0x0], $0xffff  }
0x3d4: {  	v54 =	vor.u32 v27, v37;
	v52 =	vmov s8;
	v53 =	vld.idx.msk [tilespmem:v53+s10+$0x0], $0xffff;
	[tilespmem:s25+$0xC60] =	vst v50  }
0x3d5: {  	v50 =	vand.u32 $0xFFFFFFFD, v52;
	[tilespmem:s24+$0x430] =	vst v44;
	v44 =	vld.idx.msk [tilespmem:v45+s10+$0x0], $0xffff;
	v45 =	vor.u32 v27, v36  }
0x3d6: {  	v50 =	vbroadcast v50, $0x0;
	[tilespmem:s23+$0x430] =	vst v49;
	v41 =	vld.idx.msk [tilespmem:v41+s10+$0x0], $0xffff;
	v49 =	vor.u32 v13, v35  }
0x3d7: {  	v46 =	vld.idx.msk [tilespmem:v46+s10+$0x0], $0xffff;
	[tilespmem:s22+$0x430] =	vst v51  }
0x3d8: {  	v51 =	vor.u32 v13, v34;
	v48 =	vld.idx.msk [tilespmem:v48+s10+$0x0], $0xffff;
	[tilespmem:s28+$0xC20] =	vst v42  }
0x3d9: {  	v52 =	vor.u32 v13, v33;
	v54 =	vld.idx.msk [tilespmem:v54+s10+$0x0], $0xffff;
	[tilespmem:s26+$0xC20] =	vst v43  }
0x3da: {  	v43 =	vor.u32 v13, v32;
	[tilespmem:s6+$0x440] =	vst v53;
	v45 =	vld.idx.msk [tilespmem:v45+s10+$0x0], $0xffff  }
0x3db: {  	v53 =	vor.u32 v28, v38;
	v49 =	vld.idx.msk [tilespmem:v49+s10+$0x0], $0xffff;
	[tilespmem:s25+$0xC70] =	vst v44;
	s25 =	smov.u32 s6  }
0x3dc: {  	v42 =	vld.idx.msk [tilespmem:v50+s12+$0x0], $0xffff;
	[tilespmem:s24+$0x440] =	vst v41;
	v41 =	vor.u32 v28, v37  }
0x3dd: {  	[tilespmem:s23+$0x440] =	vst v46;
	v44 =	vld.idx.msk [tilespmem:v51+s10+$0x0], $0xffff;
	v46 =	vor.u32 v14, v35  }
0x3de: {  	v50 =	vld.idx.msk [tilespmem:v52+s10+$0x0], $0xffff;
	[tilespmem:s22+$0x440] =	vst v48;
	v48 =	vor.u32 v28, v36  }
0x3df: {  	v51 =	vor.u32 v14, v34;
	v43 =	vld.idx.msk [tilespmem:v43+s10+$0x0], $0xffff;
	[tilespmem:s29+$0xC30] =	vst v47  }
0x3e0: {  	v47 =	vor.u32 v14, v33;
	[tilespmem:s28+$0xC30] =	vst v54;
	v52 =	vld.idx.msk [tilespmem:v53+s10+$0x0], $0xffff  }
0x3e1: {  	[tilespmem:s25+$0x450] =	vst v49;
	v49 =	vor.u32 v14, v32;
	v41 =	vld.idx.msk [tilespmem:v41+s10+$0x0], $0xffff  }
0x3e2: {  	v53 =	vor.u32 v29, v38;
	v46 =	vld.idx.msk [tilespmem:v46+s10+$0x0], $0xffff;
	[tilespmem:s26+$0xC30] =	vst v45  }
0x3e3: {  	[tilespmem:s24+$0x450] =	vst v44;
	v44 =	vor.u32 v29, v37;
	v45 =	vld.idx.msk [tilespmem:v48+s10+$0x0], $0xffff  }
0x3e4: {  	[tilespmem:s23+$0x450] =	vst v50;
	v48 =	vld.idx.msk [tilespmem:v51+s10+$0x0], $0xffff;
	v50 =	vor.u32 v15, v35  }
0x3e5: {  	v47 =	vld.idx.msk [tilespmem:v47+s10+$0x0], $0xffff;
	[tilespmem:s22+$0x450] =	vst v43;
	v43 =	vor.u32 v29, v36  }
0x3e6: {  	v51 =	vor.u32 v15, v34;
	v54 =	vld.idx.msk [tilespmem:v49+s10+$0x0], $0xffff;
	[tilespmem:s29+$0xC40] =	vst v52  }
0x3e7: {  	v55 =	vor.u32 v15, v33;
	[tilespmem:s28+$0xC40] =	vst v41;
	v53 =	vld.idx.msk [tilespmem:v53+s10+$0x0], $0xffff  }
0x3e8: {  	v56 =	vor.u32 v15, v32;
	[tilespmem:s25+$0x460] =	vst v46;
	v57 =	vld.idx.msk [tilespmem:v44+s10+$0x0], $0xffff  }
0x3e9: {  	v58 =	vor.u32 v30, v38;
	v50 =	vld.idx.msk [tilespmem:v50+s10+$0x0], $0xffff;
	[tilespmem:s26+$0xC40] =	vst v45  }
0x3ea: {  	[tilespmem:s24+$0x460] =	vst v48;
	v48 =	vor.u32 v30, v37;
	v49 =	vld.idx.msk [tilespmem:v43+s10+$0x0], $0xffff  }
.Ltmp7:
0x3eb: {  	v52 =	vor.u32 v16, v35;
	[tilespmem:s23+$0x460] =	vst v47;
	v41 =	vld.idx.msk [tilespmem:v51+s10+$0x0], $0xffff;
	(pc) =	sbr.rel @p0 .LBB2_7-.Ltmp7, $4  }
0x3ec: {  	v51 =	vor.u32 v30, v36;
	v44 =	vld.idx.msk [tilespmem:v55+s10+$0x0], $0xffff;
	[tilespmem:s22+$0x460] =	vst v54  }
0x3ed: {  	v46 =	vor.u32 v16, v34;
	v43 =	vld.idx.msk [tilespmem:v56+s10+$0x0], $0xffff;
	[tilespmem:s29+$0xC50] =	vst v53  }
0x3ee: {  	v47 =	vor.u32 v16, v33;
	[tilespmem:s28+$0xC50] =	vst v57;
	v45 =	vld.idx.msk [tilespmem:v58+s10+$0x0], $0xffff  }
0x3ef: {  	s6 =	sadd.s32 $0x2, s0;
	s0 =	sadd.s32 $0x4, s0;
	[tilespmem:s25+$0x470] =	vst v50;
	v50 =	vor.u32 v16, v32;
	v48 =	vld.idx.msk [tilespmem:v48+s10+$0x0], $0xffff  }
0x3f0: {  	v53 =	vmov s6  }
0x3f1: {  	v53 =	vand.u32 $0xFFFFFFFE, v53  }
0x3f2: {  	v53 =	vbroadcast v53, $0x0;
	_ =	sdelay $0x5  }
0x3f3: {  	v53 =	vld.idx.msk [tilespmem:v53+s12+$0x0], $0xffff;
	_ =	sdelay $0x2  }
0x3f4: {  	[tilespmem:s26+$0xC50] =	vst v49;
	v62 =	vld.idx.msk [tilespmem:v52+s10+$0x0], $0xffff;
	v63 =	vor.u32 v31, v38;
	v42 =	vshll.u32 v42, $0x9  }
0x3f5: {  	[tilespmem:s24+$0x470] =	vst v41;
	v40 =	vshll.u32 v40, $0x9;
	v51 =	vld.idx.msk [tilespmem:v51+s10+$0x0], $0xffff;
	v57 =	vor.u32 v0, v42  }
0x3f6: {  	[tilespmem:s23+$0x470] =	vst v44;
	v46 =	vld.idx.msk [tilespmem:v46+s10+$0x0], $0xffff;
	v58 =	vor.u32 v0, v40;
	v41 =	vshll.u32 v53, $0x9  }
0x3f7: {  	[tilespmem:s22+$0x470] =	vst v43;
	v47 =	vld.idx.msk [tilespmem:v47+s10+$0x0], $0xffff;
	v56 =	vor.u32 v0, v41  }
0x3f8: {  	v38 =	vshll.u32 v39, $0x9;
	v37 =	vor.u32 v31, v37;
	[tilespmem:s29+$0xC60] =	vst v45;
	v59 =	vld.idx.msk [tilespmem:v50+s10+$0x0], $0xffff  }
0x3f9: {  	v60 =	vor.u32 v0, v38;
	v61 =	vld.idx.msk [tilespmem:v63+s10+$0x0], $0xffff  }
0x3fa: {  	[tilespmem:s25+$0x800] =	vst v62;
	v62 =	vor.u32 v17, v35;
	v43 =	vld.idx.msk [tilespmem:v57+s10+$0x0], $0xffff  }
0x3fb: {  	s6 =	sadd.s32 $0x200, s1;
	s0 =	sadd.s32 $0x800, s30;
	v54 =	vor.u32 v1, v42;
	[tilespmem:s28+$0xC60] =	vst v48;
	v39 =	vld.idx.msk [tilespmem:v58+s10+$0x0], $0xffff  }
0x3fc: {  	s0 =	sand.u32 $0x7000, s0;
	s30 =	sadd.s32 $0xFFFFFF00, s6;
	[tilespmem:s26+$0xC60] =	vst v51;
	v44 =	vld.idx.msk [tilespmem:v56+s10+$0x0], $0xffff;
	v56 =	vor.u32 v1, v40  }
0x3fd: {  	s31 =	sadd.s32 $0xFFFFFE80, s6;
	s8 =	sadd.s32 $0x14100, s0;
	s0 =	sand.u32 $0x280, s30;
	v37 =	vld.idx.msk [tilespmem:v37+s10+$0x0], $0xffff;
	[tilespmem:s22+$0x800] =	vst v59;
	v63 =	vor.u32 v1, v41  }
0x3fe: {  	v36 =	vor.u32 v31, v36;
	s1 =	sadd.s32 $0xFFFFFF80, s6;
	v55 =	vld.idx.msk [tilespmem:v60+s10+$0x0], $0xffff;
	[tilespmem:s29+$0xC70] =	vst v61;
	s29 =	sand.u32 $0x200, s31;
	s31 =	sor.u32 s0, s8  }
0x3ff: {  	s1 =	sand.u32 $0x300, s1;
	v57 =	vor.u32 v1, v38;
	v49 =	vld.idx.msk [tilespmem:v62+s10+$0x0], $0xffff;
	s29 =	sor.u32 s29, s8;
	[tilespmem:s31+$0x0] =	vst v43  }
0x400: {  	s1 =	sadd.s32 s1, s8;
	v58 =	vor.u32 v17, v34;
	[tilespmem:s29+$0x0] =	vst v39;
	v60 =	vld.idx.msk [tilespmem:v54+s10+$0x0], $0xffff  }
0x401: {  	s6 =	sand.u32 $0x380, s6;
	v59 =	vor.u32 v17, v33;
	[tilespmem:s1+$0x0] =	vst v44;
	v62 =	vld.idx.msk [tilespmem:v56+s10+$0x0], $0xffff  }
0x402: {  	[tilespmem:s24+$0x800] =	vst v46;
	s8 =	sadd.s32 s6, s8;
	v46 =	vld.idx.msk [tilespmem:v63+s10+$0x0], $0xffff;
	v63 =	vor.u32 v2, v42  }
0x403: {  	v36 =	vld.idx.msk [tilespmem:v36+s10+$0x0], $0xffff;
	[tilespmem:s8+$0x0] =	vst v55;
	v55 =	vor.u32 v2, v40  }
0x404: {  	[tilespmem:s23+$0x800] =	vst v47;
	v54 =	vld.idx.msk [tilespmem:v57+s10+$0x0], $0xffff;
	v61 =	vor.u32 v2, v41  }
0x405: {  	[tilespmem:s28+$0xC70] =	vst v37;
	v57 =	vor.u32 v2, v38;
	v56 =	vld.idx.msk [tilespmem:v58+s10+$0x0], $0xffff  }
0x406: {  	[tilespmem:s31+$0x10] =	vst v60;
	v44 =	vld.idx.msk [tilespmem:v59+s10+$0x0], $0xffff  }
0x407: {  	[tilespmem:s29+$0x10] =	vst v62;
	v39 =	vld.idx.msk [tilespmem:v63+s10+$0x0], $0xffff  }
0x408: {  	v58 =	vor.u32 v17, v32;
	[tilespmem:s1+$0x10] =	vst v46;
	v60 =	vld.idx.msk [tilespmem:v55+s10+$0x0], $0xffff  }
0x409: {  	[tilespmem:s8+$0x10] =	vst v54;
	v43 =	vld.idx.msk [tilespmem:v61+s10+$0x0], $0xffff;
	v61 =	vor.u32 v3, v42  }
0x40a: {  	[tilespmem:s26+$0xC70] =	vst v36;
	v62 =	vld.idx.msk [tilespmem:v57+s10+$0x0], $0xffff;
	v63 =	vor.u32 v3, v40  }
0x40b: {  	v53 =	vor.u32 v3, v38;
	[tilespmem:s25+$0x810] =	vst v49  }
0x40c: {  	v59 =	vor.u32 v3, v41;
	[tilespmem:s23+$0x810] =	vst v44  }
0x40d: {  	v52 =	vld.idx.msk [tilespmem:v58+s10+$0x0], $0xffff;
	v55 =	vor.u32 v18, v34;
	[tilespmem:s31+$0x20] =	vst v39  }
0x40e: {  	v54 =	vor.u32 v18, v35;
	[tilespmem:s29+$0x20] =	vst v60;
	v37 =	vld.idx.msk [tilespmem:v61+s10+$0x0], $0xffff  }
0x40f: {  	v57 =	vor.u32 v4, v42;
	[tilespmem:s8+$0x20] =	vst v62;
	v46 =	vld.idx.msk [tilespmem:v63+s10+$0x0], $0xffff  }
0x410: {  	v58 =	vor.u32 v4, v40;
	v44 =	vld.idx.msk [tilespmem:v53+s10+$0x0], $0xffff;
	[tilespmem:s1+$0x20] =	vst v43  }
0x411: {  	[tilespmem:s24+$0x810] =	vst v56;
	v60 =	vor.u32 v4, v38;
	v45 =	vld.idx.msk [tilespmem:v59+s10+$0x0], $0xffff  }
0x412: {  	v56 =	vor.u32 v4, v41;
	[tilespmem:s22+$0x810] =	vst v52;
	v43 =	vld.idx.msk [tilespmem:v55+s10+$0x0], $0xffff  }
0x413: {  	v61 =	vor.u32 v18, v33;
	v59 =	vld.idx.msk [tilespmem:v54+s10+$0x0], $0xffff;
	[tilespmem:s31+$0x30] =	vst v37  }
0x414: {  	v62 =	vor.u32 v18, v32;
	[tilespmem:s29+$0x30] =	vst v46;
	v37 =	vld.idx.msk [tilespmem:v57+s10+$0x0], $0xffff  }
0x415: {  	v53 =	vor.u32 v5, v42;
	[tilespmem:s8+$0x30] =	vst v44;
	v52 =	vld.idx.msk [tilespmem:v58+s10+$0x0], $0xffff  }
0x416: {  	v54 =	vor.u32 v5, v40;
	v36 =	vld.idx.msk [tilespmem:v60+s10+$0x0], $0xffff;
	[tilespmem:s1+$0x30] =	vst v45  }
0x417: {  	[tilespmem:s24+$0x820] =	vst v43;
	v39 =	vld.idx.msk [tilespmem:v56+s10+$0x0], $0xffff;
	v56 =	vor.u32 v5, v38  }
0x418: {  	v63 =	vor.u32 v5, v41;
	v55 =	vld.idx.msk [tilespmem:v61+s10+$0x0], $0xffff;
	[tilespmem:s25+$0x820] =	vst v59  }
0x419: {  	v57 =	vor.u32 v19, v35;
	v45 =	vld.idx.msk [tilespmem:v62+s10+$0x0], $0xffff;
	[tilespmem:s31+$0x40] =	vst v37  }
0x41a: {  	v58 =	vor.u32 v19, v34;
	[tilespmem:s29+$0x40] =	vst v52;
	v37 =	vld.idx.msk [tilespmem:v53+s10+$0x0], $0xffff  }
0x41b: {  	v60 =	vor.u32 v6, v42;
	[tilespmem:s8+$0x40] =	vst v36;
	v47 =	vld.idx.msk [tilespmem:v54+s10+$0x0], $0xffff  }
0x41c: {  	v61 =	vor.u32 v6, v40;
	[tilespmem:s1+$0x40] =	vst v39;
	v43 =	vld.idx.msk [tilespmem:v56+s10+$0x0], $0xffff  }
0x41d: {  	[tilespmem:s23+$0x820] =	vst v55;
	v46 =	vld.idx.msk [tilespmem:v63+s10+$0x0], $0xffff;
	v63 =	vor.u32 v6, v38  }
0x41e: {  	v59 =	vor.u32 v6, v41;
	v62 =	vld.idx.msk [tilespmem:v57+s10+$0x0], $0xffff;
	[tilespmem:s22+$0x820] =	vst v45  }
0x41f: {  	v52 =	vor.u32 v19, v33;
	v39 =	vld.idx.msk [tilespmem:v58+s10+$0x0], $0xffff;
	[tilespmem:s31+$0x50] =	vst v37  }
0x420: {  	v53 =	vor.u32 v20, v35;
	[tilespmem:s29+$0x50] =	vst v47;
	v36 =	vld.idx.msk [tilespmem:v60+s10+$0x0], $0xffff  }
0x421: {  	v55 =	vor.u32 v7, v42;
	[tilespmem:s8+$0x50] =	vst v43;
	v47 =	vld.idx.msk [tilespmem:v61+s10+$0x0], $0xffff  }
0x422: {  	v56 =	vor.u32 v7, v40;
	[tilespmem:s1+$0x50] =	vst v46;
	v45 =	vld.idx.msk [tilespmem:v63+s10+$0x0], $0xffff  }
0x423: {  	v58 =	vor.u32 v7, v38;
	[tilespmem:s25+$0x830] =	vst v62;
	v44 =	vld.idx.msk [tilespmem:v59+s10+$0x0], $0xffff  }
0x424: {  	v54 =	vor.u32 v7, v41;
	v57 =	vld.idx.msk [tilespmem:v52+s10+$0x0], $0xffff;
	[tilespmem:s24+$0x830] =	vst v39  }
0x425: {  	v46 =	vld.idx.msk [tilespmem:v53+s10+$0x0], $0xffff;
	v59 =	vor.u32 v19, v32;
	[tilespmem:s31+$0x60] =	vst v36  }
0x426: {  	v60 =	vor.u32 v20, v34;
	[tilespmem:s29+$0x60] =	vst v47;
	v36 =	vld.idx.msk [tilespmem:v55+s10+$0x0], $0xffff  }
0x427: {  	v62 =	vor.u32 v8, v42;
	[tilespmem:s8+$0x60] =	vst v45;
	v47 =	vld.idx.msk [tilespmem:v56+s10+$0x0], $0xffff  }
0x428: {  	v63 =	vor.u32 v8, v40;
	[tilespmem:s1+$0x60] =	vst v44;
	v39 =	vld.idx.msk [tilespmem:v58+s10+$0x0], $0xffff  }
0x429: {  	v53 =	vor.u32 v8, v38;
	[tilespmem:s23+$0x830] =	vst v57;
	v37 =	vld.idx.msk [tilespmem:v54+s10+$0x0], $0xffff  }
0x42a: {  	v61 =	vor.u32 v8, v41;
	[tilespmem:s25+$0x840] =	vst v46;
	v52 =	vld.idx.msk [tilespmem:v59+s10+$0x0], $0xffff  }
0x42b: {  	v44 =	vld.idx.msk [tilespmem:v60+s10+$0x0], $0xffff;
	v54 =	vor.u32 v21, v35;
	[tilespmem:s31+$0x70] =	vst v36  }
0x42c: {  	v55 =	vor.u32 v20, v33;
	[tilespmem:s29+$0x70] =	vst v47;
	v36 =	vld.idx.msk [tilespmem:v62+s10+$0x0], $0xffff  }
0x42d: {  	v57 =	vor.u32 v9, v42;
	[tilespmem:s8+$0x70] =	vst v39;
	v47 =	vld.idx.msk [tilespmem:v63+s10+$0x0], $0xffff  }
0x42e: {  	v58 =	vor.u32 v9, v40;
	[tilespmem:s1+$0x70] =	vst v37;
	v46 =	vld.idx.msk [tilespmem:v53+s10+$0x0], $0xffff  }
0x42f: {  	v60 =	vor.u32 v9, v38;
	[tilespmem:s22+$0x830] =	vst v52;
	v43 =	vld.idx.msk [tilespmem:v61+s10+$0x0], $0xffff  }
0x430: {  	v56 =	vor.u32 v9, v41;
	[tilespmem:s24+$0x840] =	vst v44;
	v59 =	vld.idx.msk [tilespmem:v54+s10+$0x0], $0xffff  }
0x431: {  	v37 =	vld.idx.msk [tilespmem:v55+s10+$0x0], $0xffff;
	v61 =	vor.u32 v20, v32;
	[tilespmem:s31+$0x400] =	vst v36  }
0x432: {  	v62 =	vor.u32 v22, v35;
	[tilespmem:s29+$0x400] =	vst v47;
	v36 =	vld.idx.msk [tilespmem:v57+s10+$0x0], $0xffff  }
0x433: {  	v52 =	vor.u32 v10, v42;
	[tilespmem:s8+$0x400] =	vst v46;
	v47 =	vld.idx.msk [tilespmem:v58+s10+$0x0], $0xffff  }
0x434: {  	v53 =	vor.u32 v10, v40;
	[tilespmem:s1+$0x400] =	vst v43;
	v44 =	vld.idx.msk [tilespmem:v60+s10+$0x0], $0xffff  }
0x435: {  	v55 =	vor.u32 v10, v38;
	[tilespmem:s25+$0x850] =	vst v59;
	v45 =	vld.idx.msk [tilespmem:v56+s10+$0x0], $0xffff  }
0x436: {  	v63 =	vor.u32 v10, v41;
	[tilespmem:s23+$0x840] =	vst v37;
	v54 =	vld.idx.msk [tilespmem:v61+s10+$0x0], $0xffff  }
0x437: {  	v43 =	vld.idx.msk [tilespmem:v62+s10+$0x0], $0xffff;
	v56 =	vor.u32 v21, v34;
	[tilespmem:s31+$0x410] =	vst v36  }
0x438: {  	v57 =	vor.u32 v21, v33;
	[tilespmem:s29+$0x410] =	vst v47;
	v36 =	vld.idx.msk [tilespmem:v52+s10+$0x0], $0xffff  }
0x439: {  	v59 =	vor.u32 v11, v42;
	[tilespmem:s8+$0x410] =	vst v44;
	v47 =	vld.idx.msk [tilespmem:v53+s10+$0x0], $0xffff  }
0x43a: {  	v60 =	vor.u32 v11, v40;
	[tilespmem:s1+$0x410] =	vst v45;
	v37 =	vld.idx.msk [tilespmem:v55+s10+$0x0], $0xffff  }
0x43b: {  	v62 =	vor.u32 v11, v38;
	[tilespmem:s22+$0x840] =	vst v54;
	v39 =	vld.idx.msk [tilespmem:v63+s10+$0x0], $0xffff  }
0x43c: {  	v58 =	vor.u32 v11, v41;
	[tilespmem:s25+$0x860] =	vst v43;
	v61 =	vld.idx.msk [tilespmem:v56+s10+$0x0], $0xffff  }
0x43d: {  	v45 =	vld.idx.msk [tilespmem:v57+s10+$0x0], $0xffff;
	v63 =	vor.u32 v23, v35;
	[tilespmem:s31+$0x420] =	vst v36  }
0x43e: {  	v52 =	vor.u32 v21, v32;
	[tilespmem:s29+$0x420] =	vst v47;
	v36 =	vld.idx.msk [tilespmem:v59+s10+$0x0], $0xffff  }
0x43f: {  	v54 =	vor.u32 v12, v42;
	[tilespmem:s8+$0x420] =	vst v37;
	v47 =	vld.idx.msk [tilespmem:v60+s10+$0x0], $0xffff  }
0x440: {  	v55 =	vor.u32 v12, v40;
	[tilespmem:s1+$0x420] =	vst v39;
	v43 =	vld.idx.msk [tilespmem:v62+s10+$0x0], $0xffff  }
0x441: {  	v57 =	vor.u32 v12, v38;
	[tilespmem:s24+$0x850] =	vst v61;
	v46 =	vld.idx.msk [tilespmem:v58+s10+$0x0], $0xffff  }
0x442: {  	v53 =	vor.u32 v12, v41;
	[tilespmem:s23+$0x850] =	vst v45;
	v56 =	vld.idx.msk [tilespmem:v63+s10+$0x0], $0xffff  }
0x443: {  	v39 =	vld.idx.msk [tilespmem:v52+s10+$0x0], $0xffff;
	v58 =	vor.u32 v22, v34;
	[tilespmem:s31+$0x430] =	vst v36  }
0x444: {  	v59 =	vor.u32 v24, v35;
	[tilespmem:s29+$0x430] =	vst v47;
	v36 =	vld.idx.msk [tilespmem:v54+s10+$0x0], $0xffff  }
0x445: {  	v61 =	vor.u32 v13, v42;
	[tilespmem:s8+$0x430] =	vst v43;
	v47 =	vld.idx.msk [tilespmem:v55+s10+$0x0], $0xffff  }
0x446: {  	v62 =	vor.u32 v13, v40;
	[tilespmem:s1+$0x430] =	vst v46;
	v45 =	vld.idx.msk [tilespmem:v57+s10+$0x0], $0xffff  }
0x447: {  	v52 =	vor.u32 v13, v38;
	[tilespmem:s25+$0x870] =	vst v56;
	v44 =	vld.idx.msk [tilespmem:v53+s10+$0x0], $0xffff  }
0x448: {  	v60 =	vor.u32 v13, v41;
	[tilespmem:s22+$0x850] =	vst v39;
	v63 =	vld.idx.msk [tilespmem:v58+s10+$0x0], $0xffff  }
0x449: {  	v46 =	vld.idx.msk [tilespmem:v59+s10+$0x0], $0xffff;
	v53 =	vor.u32 v22, v33;
	[tilespmem:s31+$0x440] =	vst v36  }
0x44a: {  	v54 =	vor.u32 v22, v32;
	[tilespmem:s29+$0x440] =	vst v47;
	v36 =	vld.idx.msk [tilespmem:v61+s10+$0x0], $0xffff  }
0x44b: {  	v56 =	vor.u32 v14, v42;
	[tilespmem:s8+$0x440] =	vst v45;
	v47 =	vld.idx.msk [tilespmem:v62+s10+$0x0], $0xffff  }
0x44c: {  	v57 =	vor.u32 v14, v40;
	[tilespmem:s1+$0x440] =	vst v44;
	v39 =	vld.idx.msk [tilespmem:v52+s10+$0x0], $0xffff  }
0x44d: {  	v59 =	vor.u32 v14, v38;
	[tilespmem:s24+$0x860] =	vst v63;
	v37 =	vld.idx.msk [tilespmem:v60+s10+$0x0], $0xffff  }
0x44e: {  	v55 =	vor.u32 v14, v41;
	[tilespmem:s25+$0xC00] =	vst v46;
	v58 =	vld.idx.msk [tilespmem:v53+s10+$0x0], $0xffff  }
0x44f: {  	v44 =	vld.idx.msk [tilespmem:v54+s10+$0x0], $0xffff;
	v60 =	vor.u32 v25, v35;
	[tilespmem:s31+$0x450] =	vst v36  }
0x450: {  	v61 =	vor.u32 v23, v34;
	[tilespmem:s29+$0x450] =	vst v47;
	v36 =	vld.idx.msk [tilespmem:v56+s10+$0x0], $0xffff  }
0x451: {  	v63 =	vor.u32 v15, v42;
	[tilespmem:s8+$0x450] =	vst v39;
	v47 =	vld.idx.msk [tilespmem:v57+s10+$0x0], $0xffff  }
0x452: {  	v52 =	vor.u32 v15, v40;
	[tilespmem:s1+$0x450] =	vst v37;
	v46 =	vld.idx.msk [tilespmem:v59+s10+$0x0], $0xffff  }
0x453: {  	v54 =	vor.u32 v15, v38;
	[tilespmem:s23+$0x860] =	vst v58;
	v43 =	vld.idx.msk [tilespmem:v55+s10+$0x0], $0xffff  }
0x454: {  	v62 =	vor.u32 v15, v41;
	[tilespmem:s22+$0x860] =	vst v44;
	v53 =	vld.idx.msk [tilespmem:v60+s10+$0x0], $0xffff  }
0x455: {  	v37 =	vld.idx.msk [tilespmem:v61+s10+$0x0], $0xffff;
	v55 =	vor.u32 v23, v33;
	[tilespmem:s31+$0x460] =	vst v36  }
0x456: {  	v56 =	vor.u32 v26, v35;
	[tilespmem:s29+$0x460] =	vst v47;
	v36 =	vld.idx.msk [tilespmem:v63+s10+$0x0], $0xffff  }
0x457: {  	v58 =	vor.u32 v16, v42;
	[tilespmem:s8+$0x460] =	vst v46;
	v47 =	vld.idx.msk [tilespmem:v52+s10+$0x0], $0xffff  }
0x458: {  	v59 =	vor.u32 v16, v40;
	[tilespmem:s1+$0x460] =	vst v43;
	v44 =	vld.idx.msk [tilespmem:v54+s10+$0x0], $0xffff  }
0x459: {  	v61 =	vor.u32 v16, v38;
	[tilespmem:s25+$0xC10] =	vst v53;
	v45 =	vld.idx.msk [tilespmem:v62+s10+$0x0], $0xffff  }
0x45a: {  	v57 =	vor.u32 v16, v41;
	[tilespmem:s24+$0x870] =	vst v37;
	v60 =	vld.idx.msk [tilespmem:v55+s10+$0x0], $0xffff  }
0x45b: {  	v43 =	vld.idx.msk [tilespmem:v56+s10+$0x0], $0xffff;
	v62 =	vor.u32 v23, v32;
	[tilespmem:s31+$0x470] =	vst v36  }
0x45c: {  	v63 =	vor.u32 v24, v34;
	[tilespmem:s29+$0x470] =	vst v47;
	v36 =	vld.idx.msk [tilespmem:v58+s10+$0x0], $0xffff  }
0x45d: {  	v53 =	vor.u32 v17, v42;
	[tilespmem:s8+$0x470] =	vst v44;
	v47 =	vld.idx.msk [tilespmem:v59+s10+$0x0], $0xffff  }
0x45e: {  	v54 =	vor.u32 v17, v40;
	[tilespmem:s1+$0x470] =	vst v45;
	v37 =	vld.idx.msk [tilespmem:v61+s10+$0x0], $0xffff  }
0x45f: {  	v56 =	vor.u32 v17, v38;
	[tilespmem:s23+$0x870] =	vst v60;
	v39 =	vld.idx.msk [tilespmem:v57+s10+$0x0], $0xffff  }
0x460: {  	v52 =	vor.u32 v17, v41;
	[tilespmem:s25+$0xC20] =	vst v43;
	v55 =	vld.idx.msk [tilespmem:v62+s10+$0x0], $0xffff  }
0x461: {  	v45 =	vld.idx.msk [tilespmem:v63+s10+$0x0], $0xffff;
	v57 =	vor.u32 v27, v35;
	[tilespmem:s31+$0x800] =	vst v36  }
0x462: {  	v58 =	vor.u32 v24, v33;
	[tilespmem:s29+$0x800] =	vst v47;
	v36 =	vld.idx.msk [tilespmem:v53+s10+$0x0], $0xffff  }
0x463: {  	v60 =	vor.u32 v18, v42;
	[tilespmem:s8+$0x800] =	vst v37;
	v47 =	vld.idx.msk [tilespmem:v54+s10+$0x0], $0xffff  }
0x464: {  	v61 =	vor.u32 v18, v40;
	[tilespmem:s1+$0x800] =	vst v39;
	v43 =	vld.idx.msk [tilespmem:v56+s10+$0x0], $0xffff  }
0x465: {  	v63 =	vor.u32 v18, v38;
	[tilespmem:s22+$0x870] =	vst v55;
	v46 =	vld.idx.msk [tilespmem:v52+s10+$0x0], $0xffff  }
0x466: {  	v59 =	vor.u32 v18, v41;
	[tilespmem:s24+$0xC00] =	vst v45;
	v62 =	vld.idx.msk [tilespmem:v57+s10+$0x0], $0xffff  }
0x467: {  	v39 =	vld.idx.msk [tilespmem:v58+s10+$0x0], $0xffff;
	v52 =	vor.u32 v24, v32;
	[tilespmem:s31+$0x810] =	vst v36  }
0x468: {  	v53 =	vor.u32 v28, v35;
	[tilespmem:s29+$0x810] =	vst v47;
	v36 =	vld.idx.msk [tilespmem:v60+s10+$0x0], $0xffff  }
0x469: {  	v55 =	vor.u32 v19, v42;
	[tilespmem:s8+$0x810] =	vst v43;
	v47 =	vld.idx.msk [tilespmem:v61+s10+$0x0], $0xffff  }
0x46a: {  	v56 =	vor.u32 v19, v40;
	[tilespmem:s1+$0x810] =	vst v46;
	v45 =	vld.idx.msk [tilespmem:v63+s10+$0x0], $0xffff  }
0x46b: {  	v58 =	vor.u32 v19, v38;
	[tilespmem:s25+$0xC30] =	vst v62;
	v44 =	vld.idx.msk [tilespmem:v59+s10+$0x0], $0xffff  }
0x46c: {  	v54 =	vor.u32 v19, v41;
	[tilespmem:s23+$0xC00] =	vst v39;
	v57 =	vld.idx.msk [tilespmem:v52+s10+$0x0], $0xffff  }
0x46d: {  	v46 =	vld.idx.msk [tilespmem:v53+s10+$0x0], $0xffff;
	v59 =	vor.u32 v25, v34;
	[tilespmem:s31+$0x820] =	vst v36  }
0x46e: {  	v60 =	vor.u32 v25, v33;
	[tilespmem:s29+$0x820] =	vst v47;
	v36 =	vld.idx.msk [tilespmem:v55+s10+$0x0], $0xffff  }
0x46f: {  	v62 =	vor.u32 v20, v42;
	[tilespmem:s8+$0x820] =	vst v45;
	v47 =	vld.idx.msk [tilespmem:v56+s10+$0x0], $0xffff  }
0x470: {  	v63 =	vor.u32 v20, v40;
	[tilespmem:s1+$0x820] =	vst v44;
	v39 =	vld.idx.msk [tilespmem:v58+s10+$0x0], $0xffff  }
0x471: {  	v53 =	vor.u32 v20, v38;
	[tilespmem:s22+$0xC00] =	vst v57;
	v37 =	vld.idx.msk [tilespmem:v54+s10+$0x0], $0xffff  }
0x472: {  	v61 =	vor.u32 v20, v41;
	[tilespmem:s25+$0xC40] =	vst v46;
	v52 =	vld.idx.msk [tilespmem:v59+s10+$0x0], $0xffff  }
0x473: {  	v44 =	vld.idx.msk [tilespmem:v60+s10+$0x0], $0xffff;
	v54 =	vor.u32 v29, v35;
	[tilespmem:s31+$0x830] =	vst v36  }
0x474: {  	v55 =	vor.u32 v25, v32;
	[tilespmem:s29+$0x830] =	vst v47;
	v45 =	vld.idx.msk [tilespmem:v62+s10+$0x0], $0xffff  }
0x475: {  	v57 =	vor.u32 v21, v42;
	[tilespmem:s8+$0x830] =	vst v39;
	v47 =	vld.idx.msk [tilespmem:v63+s10+$0x0], $0xffff  }
0x476: {  	v58 =	vor.u32 v21, v40;
	[tilespmem:s1+$0x830] =	vst v37;
	v39 =	vld.idx.msk [tilespmem:v53+s10+$0x0], $0xffff  }
0x477: {  	v60 =	vor.u32 v21, v38;
	[tilespmem:s24+$0xC10] =	vst v52;
	v43 =	vld.idx.msk [tilespmem:v61+s10+$0x0], $0xffff  }
0x478: {  	v56 =	vor.u32 v21, v41;
	[tilespmem:s23+$0xC10] =	vst v44;
	v59 =	vld.idx.msk [tilespmem:v54+s10+$0x0], $0xffff  }
0x479: {  	v37 =	vld.idx.msk [tilespmem:v55+s10+$0x0], $0xffff;
	v61 =	vor.u32 v26, v34;
	[tilespmem:s31+$0x840] =	vst v45  }
0x47a: {  	v62 =	vor.u32 v30, v35;
	[tilespmem:s29+$0x840] =	vst v47;
	v48 =	vld.idx.msk [tilespmem:v57+s10+$0x0], $0xffff  }
0x47b: {  	v52 =	vor.u32 v22, v42;
	[tilespmem:s8+$0x840] =	vst v39;
	v46 =	vld.idx.msk [tilespmem:v58+s10+$0x0], $0xffff  }
0x47c: {  	v53 =	vor.u32 v22, v40;
	[tilespmem:s1+$0x840] =	vst v43;
	v44 =	vld.idx.msk [tilespmem:v60+s10+$0x0], $0xffff  }
0x47d: {  	v55 =	vor.u32 v22, v38;
	[tilespmem:s25+$0xC50] =	vst v59;
	v36 =	vld.idx.msk [tilespmem:v56+s10+$0x0], $0xffff  }
0x47e: {  	v63 =	vor.u32 v22, v41;
	[tilespmem:s22+$0xC10] =	vst v37;
	v54 =	vld.idx.msk [tilespmem:v61+s10+$0x0], $0xffff  }
0x47f: {  	v43 =	vld.idx.msk [tilespmem:v62+s10+$0x0], $0xffff;
	v56 =	vor.u32 v26, v33;
	[tilespmem:s31+$0x850] =	vst v48  }
0x480: {  	v57 =	vor.u32 v26, v32;
	[tilespmem:s29+$0x850] =	vst v46;
	v39 =	vld.idx.msk [tilespmem:v52+s10+$0x0], $0xffff  }
0x481: {  	v59 =	vor.u32 v23, v42;
	[tilespmem:s8+$0x850] =	vst v44;
	v46 =	vld.idx.msk [tilespmem:v53+s10+$0x0], $0xffff  }
0x482: {  	v60 =	vor.u32 v23, v40;
	[tilespmem:s1+$0x850] =	vst v36;
	v37 =	vld.idx.msk [tilespmem:v55+s10+$0x0], $0xffff  }
0x483: {  	v62 =	vor.u32 v23, v38;
	[tilespmem:s24+$0xC20] =	vst v54;
	v45 =	vld.idx.msk [tilespmem:v63+s10+$0x0], $0xffff  }
0x484: {  	v58 =	vor.u32 v23, v41;
	[tilespmem:s25+$0xC60] =	vst v43;
	v61 =	vld.idx.msk [tilespmem:v56+s10+$0x0], $0xffff  }
0x485: {  	v36 =	vld.idx.msk [tilespmem:v57+s10+$0x0], $0xffff;
	v63 =	vor.u32 v31, v35;
	[tilespmem:s31+$0x860] =	vst v39  }
0x486: {  	v52 =	vor.u32 v27, v34;
	[tilespmem:s29+$0x860] =	vst v46;
	v47 =	vld.idx.msk [tilespmem:v59+s10+$0x0], $0xffff  }
0x487: {  	v54 =	vor.u32 v24, v42;
	[tilespmem:s8+$0x860] =	vst v37;
	v44 =	vld.idx.msk [tilespmem:v60+s10+$0x0], $0xffff  }
0x488: {  	v55 =	vor.u32 v24, v40;
	[tilespmem:s1+$0x860] =	vst v45;
	v43 =	vld.idx.msk [tilespmem:v62+s10+$0x0], $0xffff  }
0x489: {  	v56 =	vor.u32 v24, v38;
	[tilespmem:s23+$0xC20] =	vst v61;
	v48 =	vld.idx.msk [tilespmem:v58+s10+$0x0], $0xffff  }
0x48a: {  	v53 =	vor.u32 v24, v41;
	[tilespmem:s22+$0xC20] =	vst v36;
	v35 =	vld.idx.msk [tilespmem:v63+s10+$0x0], $0xffff  }
0x48b: {  	v57 =	vor.u32 v27, v33;
	v45 =	vld.idx.msk [tilespmem:v52+s10+$0x0], $0xffff;
	[tilespmem:s31+$0x870] =	vst v47  }
0x48c: {  	v58 =	vor.u32 v27, v32;
	[tilespmem:s29+$0x870] =	vst v44;
	v37 =	vld.idx.msk [tilespmem:v54+s10+$0x0], $0xffff  }
0x48d: {  	v60 =	vor.u32 v25, v42;
	[tilespmem:s8+$0x870] =	vst v43;
	v44 =	vld.idx.msk [tilespmem:v55+s10+$0x0], $0xffff  }
0x48e: {  	v62 =	vor.u32 v25, v40;
	[tilespmem:s1+$0x870] =	vst v48;
	v61 =	vld.idx.msk [tilespmem:v56+s10+$0x0], $0xffff  }
0x48f: {  	v52 =	vor.u32 v25, v38;
	[tilespmem:s25+$0xC70] =	vst v35;
	v39 =	vld.idx.msk [tilespmem:v53+s10+$0x0], $0xffff  }
0x490: {  	v59 =	vor.u32 v25, v41;
	v63 =	vld.idx.msk [tilespmem:v57+s10+$0x0], $0xffff;
	[tilespmem:s24+$0xC30] =	vst v45  }
0x491: {  	v48 =	vld.idx.msk [tilespmem:v58+s10+$0x0], $0xffff;
	v54 =	vor.u32 v28, v33;
	[tilespmem:s31+$0xC00] =	vst v37  }
0x492: {  	v53 =	vor.u32 v28, v34;
	[tilespmem:s29+$0xC00] =	vst v44;
	v46 =	vld.idx.msk [tilespmem:v60+s10+$0x0], $0xffff  }
0x493: {  	v56 =	vor.u32 v26, v42;
	[tilespmem:s8+$0xC00] =	vst v61;
	v36 =	vld.idx.msk [tilespmem:v62+s10+$0x0], $0xffff  }
0x494: {  	v58 =	vor.u32 v26, v40;
	[tilespmem:s1+$0xC00] =	vst v39;
	v57 =	vld.idx.msk [tilespmem:v52+s10+$0x0], $0xffff  }
0x495: {  	[tilespmem:s23+$0xC30] =	vst v63;
	v60 =	vor.u32 v26, v38;
	v47 =	vld.idx.msk [tilespmem:v59+s10+$0x0], $0xffff  }
0x496: {  	v55 =	vor.u32 v26, v41;
	[tilespmem:s22+$0xC30] =	vst v48;
	v39 =	vld.idx.msk [tilespmem:v54+s10+$0x0], $0xffff  }
0x497: {  	v61 =	vor.u32 v28, v32;
	v59 =	vld.idx.msk [tilespmem:v53+s10+$0x0], $0xffff;
	[tilespmem:s31+$0xC10] =	vst v46  }
0x498: {  	v62 =	vor.u32 v29, v34;
	[tilespmem:s29+$0xC10] =	vst v36;
	v35 =	vld.idx.msk [tilespmem:v56+s10+$0x0], $0xffff  }
0x499: {  	v52 =	vor.u32 v27, v42;
	[tilespmem:s8+$0xC10] =	vst v57;
	v36 =	vld.idx.msk [tilespmem:v58+s10+$0x0], $0xffff  }
0x49a: {  	v53 =	vor.u32 v27, v40;
	[tilespmem:s1+$0xC10] =	vst v47;
	v43 =	vld.idx.msk [tilespmem:v60+s10+$0x0], $0xffff  }
0x49b: {  	[tilespmem:s23+$0xC40] =	vst v39;
	v37 =	vld.idx.msk [tilespmem:v55+s10+$0x0], $0xffff;
	v55 =	vor.u32 v27, v38  }
0x49c: {  	v63 =	vor.u32 v27, v41;
	v54 =	vld.idx.msk [tilespmem:v61+s10+$0x0], $0xffff;
	[tilespmem:s24+$0xC40] =	vst v59  }
0x49d: {  	v56 =	vor.u32 v29, v33;
	v47 =	vld.idx.msk [tilespmem:v62+s10+$0x0], $0xffff;
	[tilespmem:s31+$0xC20] =	vst v35  }
0x49e: {  	v57 =	vor.u32 v29, v32;
	[tilespmem:s29+$0xC20] =	vst v36;
	v44 =	vld.idx.msk [tilespmem:v52+s10+$0x0], $0xffff  }
0x49f: {  	v59 =	vor.u32 v28, v42;
	[tilespmem:s8+$0xC20] =	vst v43;
	v36 =	vld.idx.msk [tilespmem:v53+s10+$0x0], $0xffff  }
0x4a0: {  	v60 =	vor.u32 v28, v40;
	[tilespmem:s1+$0xC20] =	vst v37;
	v39 =	vld.idx.msk [tilespmem:v55+s10+$0x0], $0xffff  }
0x4a1: {  	v62 =	vor.u32 v28, v38;
	[tilespmem:s22+$0xC40] =	vst v54;
	v46 =	vld.idx.msk [tilespmem:v63+s10+$0x0], $0xffff  }
0x4a2: {  	v58 =	vor.u32 v28, v41;
	v61 =	vld.idx.msk [tilespmem:v56+s10+$0x0], $0xffff;
	[tilespmem:s24+$0xC50] =	vst v47  }
0x4a3: {  	v37 =	vld.idx.msk [tilespmem:v57+s10+$0x0], $0xffff;
	v52 =	vor.u32 v30, v33;
	[tilespmem:s31+$0xC30] =	vst v44  }
0x4a4: {  	v63 =	vor.u32 v30, v34;
	[tilespmem:s29+$0xC30] =	vst v36;
	v54 =	vld.idx.msk [tilespmem:v59+s10+$0x0], $0xffff  }
0x4a5: {  	v56 =	vor.u32 v29, v42;
	[tilespmem:s8+$0xC30] =	vst v39;
	v55 =	vld.idx.msk [tilespmem:v60+s10+$0x0], $0xffff  }
0x4a6: {  	v57 =	vor.u32 v29, v40;
	[tilespmem:s1+$0xC30] =	vst v46;
	v47 =	vld.idx.msk [tilespmem:v62+s10+$0x0], $0xffff  }
0x4a7: {  	[tilespmem:s23+$0xC50] =	vst v61;
	v59 =	vor.u32 v29, v38;
	v35 =	vld.idx.msk [tilespmem:v58+s10+$0x0], $0xffff  }
0x4a8: {  	v53 =	vor.u32 v29, v41;
	[tilespmem:s22+$0xC50] =	vst v37;
	v46 =	vld.idx.msk [tilespmem:v52+s10+$0x0], $0xffff  }
0x4a9: {  	v60 =	vor.u32 v30, v32;
	v58 =	vld.idx.msk [tilespmem:v63+s10+$0x0], $0xffff;
	[tilespmem:s31+$0xC40] =	vst v54  }
0x4aa: {  	v61 =	vor.u32 v31, v34;
	[tilespmem:s29+$0xC40] =	vst v55;
	v63 =	vld.idx.msk [tilespmem:v56+s10+$0x0], $0xffff  }
0x4ab: {  	v50 =	vor.u32 v30, v42;
	[tilespmem:s8+$0xC40] =	vst v47;
	v39 =	vld.idx.msk [tilespmem:v57+s10+$0x0], $0xffff  }
0x4ac: {  	v51 =	vor.u32 v30, v40;
	[tilespmem:s1+$0xC40] =	vst v35;
	v37 =	vld.idx.msk [tilespmem:v59+s10+$0x0], $0xffff  }
0x4ad: {  	[tilespmem:s23+$0xC60] =	vst v46;
	v35 =	vld.idx.msk [tilespmem:v53+s10+$0x0], $0xffff;
	v53 =	vor.u32 v30, v38  }
0x4ae: {  	v62 =	vor.u32 v30, v41;
	v52 =	vld.idx.msk [tilespmem:v60+s10+$0x0], $0xffff;
	[tilespmem:s24+$0xC60] =	vst v58  }
0x4af: {  	v54 =	vor.u32 v31, v33;
	v34 =	vld.idx.msk [tilespmem:v61+s10+$0x0], $0xffff;
	[tilespmem:s31+$0xC50] =	vst v63  }
0x4b0: {  	v55 =	vor.u32 v31, v32;
	[tilespmem:s29+$0xC50] =	vst v39;
	v57 =	vld.idx.msk [tilespmem:v50+s10+$0x0], $0xffff  }
0x4b1: {  	v42 =	vor.u32 v31, v42;
	[tilespmem:s8+$0xC50] =	vst v37;
	v58 =	vld.idx.msk [tilespmem:v51+s10+$0x0], $0xffff  }
0x4b2: {  	v59 =	vor.u32 v31, v40;
	[tilespmem:s1+$0xC50] =	vst v35;
	v60 =	vld.idx.msk [tilespmem:v53+s10+$0x0], $0xffff  }
0x4b3: {  	v61 =	vor.u32 v31, v38;
	[tilespmem:s22+$0xC60] =	vst v52;
	v35 =	vld.idx.msk [tilespmem:v62+s10+$0x0], $0xffff  }
0x4b4: {  	v56 =	vor.u32 v31, v41;
	v33 =	vld.idx.msk [tilespmem:v54+s10+$0x0], $0xffff;
	[tilespmem:s24+$0xC70] =	vst v34  }
0x4b5: {  	v32 =	vld.idx.msk [tilespmem:v55+s10+$0x0], $0xffff;
	[tilespmem:s31+$0xC60] =	vst v57  }
0x4b6: {  	[tilespmem:s29+$0xC60] =	vst v58;
	v62 =	vld.idx.msk [tilespmem:v42+s10+$0x0], $0xffff  }
0x4b7: {  	[tilespmem:s8+$0xC60] =	vst v60;
	v37 =	vld.idx.msk [tilespmem:v59+s10+$0x0], $0xffff  }
0x4b8: {  	[tilespmem:s1+$0xC60] =	vst v35;
	v63 =	vld.idx.msk [tilespmem:v61+s10+$0x0], $0xffff  }
0x4b9: {  	[tilespmem:s23+$0xC70] =	vst v33;
	v35 =	vld.idx.msk [tilespmem:v56+s10+$0x0], $0xffff  }
0x4ba: {  	[tilespmem:s22+$0xC70] =	vst v32  }
0x4bb: {  	[tilespmem:s31+$0xC70] =	vst v62  }
0x4bc: {  	[tilespmem:s29+$0xC70] =	vst v37  }
0x4bd: {  	s31 =	sshll.u32 s21, $0x6;
	[tilespmem:s8+$0xC70] =	vst v63  }
0x4be: {  	[tilespmem:s1+$0xC70] =	vst v35;
	s0 =	sadd.s32 s2, s31  }
0x4bf: {  	[hbm4b:s0+s3] =	stream.linear.scatter [tilespmem:s14], [sflag:$0x2], $0x8000, $0x38;
	[tilespmem:$0x1C100] =	vst v63  }
.Ltmp8:
0x4c0: {  	p0 =	sgt.u32 s20, $0x63D;
	(pc) =	sbr.rel .LBB2_9-.Ltmp8, $4  }
0x4c1: {  	s0 =	sshrl.u32 @!p0 s21, $0x3  }
0x4c2: {  	s0 =	sadd.s32 @!p0 s5, s0  }
0x4c3: {  	s6 =	simm.s32 @!p0 $0x80;
	s1 =	simm.s32 @!p0 $0x0;
	s0 =	sadd.s32 @!p0 $0x10, s0  }
0x4c4: {  	[tilespmem:s6], [sflag:$0x4] =	stream.linear.gather @!p0 [hbm4b:s0+s1], $0x40, $0x38;
	[tilespmem:$0x1C100] =	vst v63  }
.LBB2_11:
0x4c5: {  	_ =	sfence.sel $0x180000  }
0x4c6: {  	[bflag:$0x0] =	sbarrier.arrive $0xFFFF  }
0x4c7: {  	_ =	strace $0x90000047  }
0x4c8: {  	s0 =	stileid.u32;
	[bflag:$0x2] =	sbarrier.arrive $0xFFFF  }
0x4c9: {  	p0 =	sne.s32 s0, $0x0;
	s0 =	rddreg [dreg:$0x2]  }
0x4ca: {  	s0 =	sadd.s32 @!p0 $0x100000, s0  }
0x4cb: {  	[sflag:s0] =	ssyncadd.tile.s32 @!p0 $0x1;
	_ =	shalt  }
.Lfunc_end2:
_tile_overlayer_lowered:
.L_overlay_start_2:
0x4cc: {  	(tag) =	ssettag $0x2  }
0x4cd: {  	s0 =	rddreg [dreg:$0x0];
	s2 =	stileid.u32  }
0x4ce: {  	s1 =	rddreg [dreg:$0x1];
	p0 =	sne.s32 s2, $0x0  }
0x4cf: {  	s3 =	rddreg [dreg:$0x2];
	[bflag:$0x3] =	sbarrier.arrive $0xFFFF;
	s2 =	simm.s32 @!p0 $0x1C05  }
0x4d0: {  	[timem:s3], [sflag:s2] =	dma.local @!p0 [hbm:s0], s1  }
0x4d1: {  	s0 =	simm.s32 @!p0 $0x5  }
0x4d2: {  	_ =	swait.ge @!p0 [sflag:s0], s1  }
0x4d3: {  	s1 =	ssub.s32 @!p0 $0x0, s1;
	[sflag:s0] =	ssyncset.done @!p0 $0x0  }
0x4d4: {  	[sflag:s0] =	ssyncadd.s32 @!p0 s1  }
0x4d5: {  	[bflag:$0x3] =	sbarrier.arrive $0xFFFF  }
0x4d6: {  	_ =	shalt  }

</sc_bundles>
